<compile_context>
chip_gen: v7x
topology: tpu7x:2x2x1
jax: 0.10.2.dev20260603
libtpu: 0.0.44.dev20260713+nightly
codegen_flags: <defaults>
</compile_context>

<pallas_src>
import functools

import jax
import jax.numpy as jnp
from jax import lax
from jax.experimental import pallas as pl
from jax.experimental.pallas import tpu as pltpu
from jax.experimental.pallas import tpu_sc as plsc

TOKENS = 32768
HIDDEN = 768
MAX_POS = 8192
TYPE_VOCAB = 2
LANES = 16
NCORES = 2
NSUB = 16
NWORK = NCORES * NSUB
TPW = TOKENS // NWORK
CHUNK = 32
NCHUNK = TPW // CHUNK
NJ = HIDDEN // LANES
BP = 1024

_mesh = plsc.VectorSubcoreMesh(core_axis_name="c", subcore_axis_name="s")


def _pt_body(pos_ref, typ_ref, out_ref):
    p = pos_ref[...]
    t = typ_ref[...]
    out_ref[...] = (p[:, None, :] + t[None, :, :]).reshape(
        BP * TYPE_VOCAB, HIDDEN)


_pt_build = pl.pallas_call(
    _pt_body,
    grid=(MAX_POS // BP,),
    in_specs=[pl.BlockSpec((BP, HIDDEN), lambda i: (i, 0)),
              pl.BlockSpec((TYPE_VOCAB, HIDDEN), lambda i: (0, 0))],
    out_specs=pl.BlockSpec((BP * TYPE_VOCAB, HIDDEN), lambda i: (i, 0)),
    out_shape=jax.ShapeDtypeStruct((MAX_POS * TYPE_VOCAB, HIDDEN),
                                   jnp.float32),
)


@functools.partial(
    pl.kernel,
    mesh=_mesh,
    out_type=jax.ShapeDtypeStruct((TOKENS, HIDDEN), jnp.float32),
    scratch_types=[
        pltpu.VMEM((TPW,), jnp.int32),
        pltpu.VMEM((TPW,), jnp.int32),
        pltpu.VMEM((CHUNK, HIDDEN), jnp.float32),
        pltpu.VMEM((CHUNK, HIDDEN), jnp.float32),
        pltpu.VMEM((CHUNK, HIDDEN), jnp.float32),
        pltpu.VMEM((CHUNK, HIDDEN), jnp.float32),
        pltpu.VMEM((LANES,), jnp.float32),
        pltpu.SemaphoreType.DMA,
        pltpu.SemaphoreType.DMA,
        pltpu.SemaphoreType.DMA,
        pltpu.SemaphoreType.DMA,
    ],
)
def _emb2_kernel(ids_w_hbm, ids_pt_hbm, pt_tab_hbm, scal_hbm, weight_hbm,
                 out_hbm,
                 idx_w, idx_pt, wbuf0, wbuf1, ptbuf0, ptbuf1, svmem,
                 sem0, sem1, osem0, osem1):
    wbuf = (wbuf0, wbuf1)
    ptbuf = (ptbuf0, ptbuf1)
    sem = (sem0, sem1)
    osem = (osem0, osem1)

    wid = lax.axis_index("s") * NCORES + lax.axis_index("c")
    base = wid * TPW
    pltpu.sync_copy(scal_hbm, svmem)
    svec = svmem[...]
    pltpu.sync_copy(ids_w_hbm.at[pl.ds(pl.multiple_of(base, TPW), TPW)], idx_w)
    pltpu.sync_copy(ids_pt_hbm.at[pl.ds(pl.multiple_of(base, TPW), TPW)], idx_pt)

    def fire(c, b):
        loc = pl.multiple_of(c * CHUNK, CHUNK)
        pltpu.async_copy(weight_hbm.at[idx_w.at[pl.ds(loc, CHUNK)]],
                         wbuf[b], sem[b])
        pltpu.async_copy(pt_tab_hbm.at[idx_pt.at[pl.ds(loc, CHUNK)]],
                         ptbuf[b], sem[b])

    def wait_gathers(c, b):
        loc = pl.multiple_of(c * CHUNK, CHUNK)
        pltpu.make_async_copy(weight_hbm.at[idx_w.at[pl.ds(loc, CHUNK)]],
                              wbuf[b], sem[b]).wait()
        pltpu.make_async_copy(pt_tab_hbm.at[idx_pt.at[pl.ds(loc, CHUNK)]],
                              ptbuf[b], sem[b]).wait()

    def out_slice(c):
        off = pl.multiple_of(base + c * CHUNK, CHUNK)
        return out_hbm.at[pl.ds(off, CHUNK)]

    fire(0, 0)

    def pair_body(g2, carry):
        for b in range(2):
            c = g2 * 2 + b
            wait_gathers(c, b)

            @pl.when(jnp.logical_and(c >= 1, c + 1 < NCHUNK))
            def _():
                pltpu.make_async_copy(wbuf[1 - b], out_slice(c - 1),
                                      osem[1 - b]).wait()

            @pl.when(c + 1 < NCHUNK)
            def _():
                fire(c + 1, 1 - b)

            def tok(t, c2):
                for j in range(NJ):
                    sl = pl.ds(j * LANES, LANES)
                    wbuf[b][t, sl] = wbuf[b][t, sl] * svec + ptbuf[b][t, sl]
                return c2

            lax.fori_loop(0, CHUNK, tok, 0)
            pltpu.async_copy(wbuf[b], out_slice(c), osem[b])
        return carry

    lax.fori_loop(0, NCHUNK // 2, pair_body, 0)
    pltpu.make_async_copy(wbuf[0], out_slice(NCHUNK - 2), osem[0]).wait()
    pltpu.make_async_copy(wbuf[1], out_slice(NCHUNK - 1), osem[1]).wait()


def kernel(input, combo_position_ids, position_encoding, combo_tokens_type_ids,
           token_type_embedding, input_embedding_scalar, weight):
    ids_w = input.astype(jnp.int32)
    ids_pt = (combo_position_ids.astype(jnp.int32) * TYPE_VOCAB
              + combo_tokens_type_ids.astype(jnp.int32))
    pt_tab = _pt_build(position_encoding, token_type_embedding)
    sv = jnp.full((LANES,), input_embedding_scalar, dtype=jnp.float32)
    return _emb2_kernel(ids_w, ids_pt, pt_tab, sv, weight)

# --- scband reference (transcript-rebuilt; emitter-appended) ---
"""Pipeline reference for scband-embedding-bert-36249523978527 (READ-ONLY COPY).

The authoritative reference and input builder live on the scoring server;
editing this copy changes nothing except your own understanding.
"""

import jax, jax.numpy as jnp
import numpy as np

VOCAB = 100000
HIDDEN = 768
TOKENS = 32768
MAX_POS = 8192
TYPE_VOCAB = 2


def setup_inputs(seed: int = 0) -> dict:
    key = jax.random.key(seed)
    k1, k2, k3, k4, k5, k6 = jax.random.split(key, 6)
    input_ids = jax.random.randint(k1, (TOKENS,), 0, VOCAB, dtype=jnp.int64 if jax.config.jax_enable_x64 else jnp.int32)
    combo_position_ids = jax.random.randint(k2, (TOKENS,), 0, MAX_POS, dtype=jnp.int32)
    combo_tokens_type_ids = jax.random.randint(k3, (TOKENS,), 0, TYPE_VOCAB, dtype=jnp.int32)
    weight = jax.random.normal(k4, (VOCAB, HIDDEN), dtype=jnp.float32) * 0.02
    position_encoding = jax.random.normal(k5, (MAX_POS, HIDDEN), dtype=jnp.float32) * 0.02
    token_type_embedding = jax.random.normal(k6, (TYPE_VOCAB, HIDDEN), dtype=jnp.float32) * 0.02
    return {
        "input": input_ids,
        "combo_position_ids": combo_position_ids,
        "position_encoding": position_encoding,
        "combo_tokens_type_ids": combo_tokens_type_ids,
        "token_type_embedding": token_type_embedding,
        "input_embedding_scalar": 1.0,
        "weight": weight,
    }


def reference(input, combo_position_ids, position_encoding, combo_tokens_type_ids, token_type_embedding, input_embedding_scalar, weight):
    # word embedding gather, scaled
    word_emb = jnp.take(weight, input, axis=0) * input_embedding_scalar
    # position embedding gather
    pos_emb = jnp.take(position_encoding, combo_position_ids, axis=0)
    # token type embedding gather
    type_emb = jnp.take(token_type_embedding, combo_tokens_type_ids, axis=0)
    output = word_emb + pos_emb + type_emb
    # tp_size == 1: no all-gather / reshape needed
    return output

if __name__ == "__main__":
    import jax
    _d = setup_inputs()
    print(jax.jit(kernel)(*tuple(_d.values())))

</pallas_src>

<mosaic_0001>
#map = affine_map<(d0, d1) -> (0)>
#map1 = affine_map<(d0, d1) -> (0, 0)>
module attributes {stable_mosaic.version = 14 : i64} {
  func.func @_emb2_kernel(%arg0: i32, %arg1: i32, %arg2: memref<32768xi32, #tpu.memory_space<hbm>>, %arg3: memref<32768xi32, #tpu.memory_space<hbm>>, %arg4: memref<16384x768xf32, #tpu.memory_space<hbm>>, %arg5: memref<16xf32, #tpu.memory_space<hbm>>, %arg6: memref<100000x768xf32, #tpu.memory_space<hbm>>, %arg7: memref<32768x768xf32, #tpu.memory_space<hbm>>, %arg8: memref<1024xi32, #tpu.memory_space<vmem>>, %arg9: memref<1024xi32, #tpu.memory_space<vmem>>, %arg10: memref<32x768xf32, #tpu.memory_space<vmem>>, %arg11: memref<32x768xf32, #tpu.memory_space<vmem>>, %arg12: memref<32x768xf32, #tpu.memory_space<vmem>>, %arg13: memref<32x768xf32, #tpu.memory_space<vmem>>, %arg14: memref<16xf32, #tpu.memory_space<vmem>>, %arg15: memref<!tpu.dma_semaphore, #tpu.memory_space<semaphore_mem>>, %arg16: memref<!tpu.dma_semaphore, #tpu.memory_space<semaphore_mem>>, %arg17: memref<!tpu.dma_semaphore, #tpu.memory_space<semaphore_mem>>, %arg18: memref<!tpu.dma_semaphore, #tpu.memory_space<semaphore_mem>>) attributes {dimension_semantics = [#tpu.dimension_semantics<core_parallel>, #tpu.dimension_semantics<subcore_parallel>], iteration_bounds = array<i64: 2, 16>, scalar_prefetch = 0 : i64, scratch_operands = 11 : i64, tpu.core_type = #tpu.core_type<sc_vector_subcore>, window_params = [{transform_indices = #map}, {transform_indices = #map}, {transform_indices = #map1}, {transform_indices = #map}, {transform_indices = #map1}, {transform_indices = #map1}]} {
    %mul3A = arith.constant 2 : i32
    %mul3A_0 = arith.muli %arg1, %mul3A : i32
    %add3A = arith.addi %mul3A_0, %arg0 : i32
    %mul3A_1 = arith.constant 1024 : i32
    %mul3A_2 = arith.muli %add3A, %mul3A_1 : i32
    "tpu.region"() ({
      %run_scoped3A = tpu.sem_alloc : memref<!tpu.dma_semaphore, #tpu.memory_space<semaphore_mem>>
      tpu.enqueue_dma source(%arg5 : memref<16xf32, #tpu.memory_space<hbm>>) target(%arg14 : memref<16xf32, #tpu.memory_space<vmem>>) target_semaphore(%run_scoped3A : memref<!tpu.dma_semaphore, #tpu.memory_space<semaphore_mem>>)
      tpu.wait_dma2 semaphore(%run_scoped3A : memref<!tpu.dma_semaphore, #tpu.memory_space<semaphore_mem>>) src(%arg5 : memref<16xf32, #tpu.memory_space<hbm>>) dst(%arg14 : memref<16xf32, #tpu.memory_space<vmem>>)
      tpu.yield
    }) : () -> ()
    %get3A = arith.constant 0 : index
    %get3A_3 = tpu.vector_load %arg14[%get3A] {strides = array<i32>} : memref<16xf32, #tpu.memory_space<vmem>>, vector<16xf32>,
    %get3A_4 = vector.shape_cast %get3A_3 : vector<16xf32> to vector<16xf32>
    %multiple_of3A = tpu.assume_multiple %mul3A_2, 1024 : i32
    "tpu.region"() ({
      %run_scoped3A = tpu.sem_alloc : memref<!tpu.dma_semaphore, #tpu.memory_space<semaphore_mem>>
      %dma_start3A_33 = tpu.memref_slice %arg2[%multiple_of3A] : memref<32768xi32, #tpu.memory_space<hbm>> -> memref<1024xi32, #tpu.memory_space<hbm>>
      %dma_start3A_34 = tpu.memref_slice %arg2[%multiple_of3A] : memref<32768xi32, #tpu.memory_space<hbm>> -> memref<1024xi32, #tpu.memory_space<hbm>>
      tpu.enqueue_dma source(%dma_start3A_34 : memref<1024xi32, #tpu.memory_space<hbm>>) target(%arg8 : memref<1024xi32, #tpu.memory_space<vmem>>) target_semaphore(%run_scoped3A : memref<!tpu.dma_semaphore, #tpu.memory_space<semaphore_mem>>)
      %dma_wait3A_35 = tpu.memref_slice %arg2[%multiple_of3A] : memref<32768xi32, #tpu.memory_space<hbm>> -> memref<1024xi32, #tpu.memory_space<hbm>>
      %dma_wait3A_36 = tpu.memref_slice %arg2[%multiple_of3A] : memref<32768xi32, #tpu.memory_space<hbm>> -> memref<1024xi32, #tpu.memory_space<hbm>>
      tpu.wait_dma2 semaphore(%run_scoped3A : memref<!tpu.dma_semaphore, #tpu.memory_space<semaphore_mem>>) src(%dma_wait3A_36 : memref<1024xi32, #tpu.memory_space<hbm>>) dst(%arg8 : memref<1024xi32, #tpu.memory_space<vmem>>)
      tpu.yield
    }) : () -> ()
    %multiple_of3A_5 = tpu.assume_multiple %mul3A_2, 1024 : i32
    "tpu.region"() ({
      %run_scoped3A = tpu.sem_alloc : memref<!tpu.dma_semaphore, #tpu.memory_space<semaphore_mem>>
      %dma_start3A_33 = tpu.memref_slice %arg3[%multiple_of3A_5] : memref<32768xi32, #tpu.memory_space<hbm>> -> memref<1024xi32, #tpu.memory_space<hbm>>
      %dma_start3A_34 = tpu.memref_slice %arg3[%multiple_of3A_5] : memref<32768xi32, #tpu.memory_space<hbm>> -> memref<1024xi32, #tpu.memory_space<hbm>>
      tpu.enqueue_dma source(%dma_start3A_34 : memref<1024xi32, #tpu.memory_space<hbm>>) target(%arg9 : memref<1024xi32, #tpu.memory_space<vmem>>) target_semaphore(%run_scoped3A : memref<!tpu.dma_semaphore, #tpu.memory_space<semaphore_mem>>)
      %dma_wait3A_35 = tpu.memref_slice %arg3[%multiple_of3A_5] : memref<32768xi32, #tpu.memory_space<hbm>> -> memref<1024xi32, #tpu.memory_space<hbm>>
      %dma_wait3A_36 = tpu.memref_slice %arg3[%multiple_of3A_5] : memref<32768xi32, #tpu.memory_space<hbm>> -> memref<1024xi32, #tpu.memory_space<hbm>>
      tpu.wait_dma2 semaphore(%run_scoped3A : memref<!tpu.dma_semaphore, #tpu.memory_space<semaphore_mem>>) src(%dma_wait3A_36 : memref<1024xi32, #tpu.memory_space<hbm>>) dst(%arg9 : memref<1024xi32, #tpu.memory_space<vmem>>)
      tpu.yield
    }) : () -> ()
    %multiple_of3A_6 = arith.constant 0 : i32
    %multiple_of3A_7 = tpu.assume_multiple %multiple_of3A_6, 32 : i32
    %dma_start3A = tpu.memref_slice %arg8[%multiple_of3A_7] : memref<1024xi32, #tpu.memory_space<vmem>> -> memref<32xi32, #tpu.memory_space<vmem>>
    %dma_start3A_8 = arith.constant 0 : i32
    %dma_start3A_9 = arith.constant 0 : i32
    %dma_start3A_10 = tpu.memref_slice %arg6[%dma_start3A_8, %dma_start3A_9] : memref<100000x768xf32, #tpu.memory_space<hbm>> -> memref<100000x768xf32, #tpu.memory_space<hbm>>
    tpu.enqueue_indirect_dma source(%dma_start3A_10 : memref<100000x768xf32, #tpu.memory_space<hbm>>) target(%arg10 : memref<32x768xf32, #tpu.memory_space<vmem>>) offsets(%dma_start3A : memref<32xi32, #tpu.memory_space<vmem>>) semaphore(%arg15 : memref<!tpu.dma_semaphore, #tpu.memory_space<semaphore_mem>>)
    %dma_start3A_11 = tpu.memref_slice %arg9[%multiple_of3A_7] : memref<1024xi32, #tpu.memory_space<vmem>> -> memref<32xi32, #tpu.memory_space<vmem>>
    %dma_start3A_12 = arith.constant 0 : i32
    %dma_start3A_13 = arith.constant 0 : i32
    %dma_start3A_14 = tpu.memref_slice %arg4[%dma_start3A_12, %dma_start3A_13] : memref<16384x768xf32, #tpu.memory_space<hbm>> -> memref<16384x768xf32, #tpu.memory_space<hbm>>
    tpu.enqueue_indirect_dma source(%dma_start3A_14 : memref<16384x768xf32, #tpu.memory_space<hbm>>) target(%arg12 : memref<32x768xf32, #tpu.memory_space<vmem>>) offsets(%dma_start3A_11 : memref<32xi32, #tpu.memory_space<vmem>>) semaphore(%arg15 : memref<!tpu.dma_semaphore, #tpu.memory_space<semaphore_mem>>)
    %scan3A = arith.constant 0 : i32
    %scan3A_15 = arith.constant 0 : i32
    %scan3A_16 = arith.constant 16 : i32
    %scan3A_17 = arith.addi %scan3A_15, %scan3A_16 : i32
    %scan3A_18 = arith.constant 1 : i32
    scf.for %scan3A_33 = %scan3A_15 to %scan3A_17 step %scan3A_18  : i32 {
      %mul3A_34 = arith.constant 2 : i32
      %mul3A_35 = arith.muli %scan3A_33, %mul3A_34 : i32
      %add3A_36 = arith.constant 0 : i32
      %add3A_37 = arith.addi %mul3A_35, %add3A_36 : i32
      %mul3A_38 = arith.constant 32 : i32
      %mul3A_39 = arith.muli %add3A_37, %mul3A_38 : i32
      %multiple_of3A_40 = tpu.assume_multiple %mul3A_39, 32 : i32
      %dma_wait3A_41 = tpu.memref_slice %arg8[%multiple_of3A_40] : memref<1024xi32, #tpu.memory_space<vmem>> -> memref<32xi32, #tpu.memory_space<vmem>>
      %dma_wait3A_42 = arith.constant 0 : i32
      %dma_wait3A_43 = arith.constant 0 : i32
      %dma_wait3A_44 = tpu.memref_slice %arg6[%dma_wait3A_42, %dma_wait3A_43] : memref<100000x768xf32, #tpu.memory_space<hbm>> -> memref<100000x768xf32, #tpu.memory_space<hbm>>
      tpu.wait_indirect_dma semaphore(%arg15 : memref<!tpu.dma_semaphore, #tpu.memory_space<semaphore_mem>>) src(%dma_wait3A_44 : memref<100000x768xf32, #tpu.memory_space<hbm>>) dst(%arg10 : memref<32x768xf32, #tpu.memory_space<vmem>>)
      %dma_wait3A_45 = tpu.memref_slice %arg9[%multiple_of3A_40] : memref<1024xi32, #tpu.memory_space<vmem>> -> memref<32xi32, #tpu.memory_space<vmem>>
      %dma_wait3A_46 = arith.constant 0 : i32
      %dma_wait3A_47 = arith.constant 0 : i32
      %dma_wait3A_48 = tpu.memref_slice %arg4[%dma_wait3A_46, %dma_wait3A_47] : memref<16384x768xf32, #tpu.memory_space<hbm>> -> memref<16384x768xf32, #tpu.memory_space<hbm>>
      tpu.wait_indirect_dma semaphore(%arg15 : memref<!tpu.dma_semaphore, #tpu.memory_space<semaphore_mem>>) src(%dma_wait3A_48 : memref<16384x768xf32, #tpu.memory_space<hbm>>) dst(%arg12 : memref<32x768xf32, #tpu.memory_space<vmem>>)
      %ge3A = arith.constant 1 : i32
      %ge3A_49 = arith.cmpi sge, %add3A_37, %ge3A : i32
      %add3A_50 = arith.constant 1 : i32
      %add3A_51 = arith.addi %add3A_37, %add3A_50 : i32
      %lt3A = arith.constant 32 : i32
      %lt3A_52 = arith.cmpi slt, %add3A_51, %lt3A : i32
      %and3A = arith.andi %ge3A_49, %lt3A_52 : i1
      %convert_element_type3A = arith.extui %and3A : i1 to i32
      %cond3A = arith.constant 0 : i32
      %cond3A_53 = arith.cmpi ne, %convert_element_type3A, %cond3A : i32
      scf.if %cond3A_53 {
        %sub3A = arith.constant 1 : i32
        %sub3A_121 = arith.subi %add3A_37, %sub3A : i32
        %mul3A_122 = arith.constant 32 : i32
        %mul3A_123 = arith.muli %sub3A_121, %mul3A_122 : i32
        %add3A_124 = arith.addi %mul3A_2, %mul3A_123 : i32
        %multiple_of3A_125 = tpu.assume_multiple %add3A_124, 32 : i32
        %dma_wait3A_126 = arith.constant 0 : i32
        %dma_wait3A_127 = tpu.memref_slice %arg7[%multiple_of3A_125, %dma_wait3A_126] : memref<32768x768xf32, #tpu.memory_space<hbm>> -> memref<32x768xf32, #tpu.memory_space<hbm>>
        %dma_wait3A_128 = arith.constant 0 : i32
        %dma_wait3A_129 = tpu.memref_slice %arg7[%multiple_of3A_125, %dma_wait3A_128] : memref<32768x768xf32, #tpu.memory_space<hbm>> -> memref<32x768xf32, #tpu.memory_space<hbm>>
        tpu.wait_dma2 semaphore(%arg18 : memref<!tpu.dma_semaphore, #tpu.memory_space<semaphore_mem>>) src(%arg11 : memref<32x768xf32, #tpu.memory_space<vmem>>) dst(%dma_wait3A_129 : memref<32x768xf32, #tpu.memory_space<hbm>>)
      } else {
      }
      %add3A_54 = arith.constant 1 : i32
      %add3A_55 = arith.addi %add3A_37, %add3A_54 : i32
      %lt3A_56 = arith.constant 32 : i32
      %lt3A_57 = arith.cmpi slt, %add3A_55, %lt3A_56 : i32
      %convert_element_type3A_58 = arith.extui %lt3A_57 : i1 to i32
      %cond3A_59 = arith.constant 0 : i32
      %cond3A_60 = arith.cmpi ne, %convert_element_type3A_58, %cond3A_59 : i32
      scf.if %cond3A_60 {
        %add3A_121 = arith.constant 1 : i32
        %add3A_122 = arith.addi %add3A_37, %add3A_121 : i32
        %mul3A_123 = arith.constant 32 : i32
        %mul3A_124 = arith.muli %add3A_122, %mul3A_123 : i32
        %multiple_of3A_125 = tpu.assume_multiple %mul3A_124, 32 : i32
        %dma_start3A_126 = tpu.memref_slice %arg8[%multiple_of3A_125] : memref<1024xi32, #tpu.memory_space<vmem>> -> memref<32xi32, #tpu.memory_space<vmem>>
        %dma_start3A_127 = arith.constant 0 : i32
        %dma_start3A_128 = arith.constant 0 : i32
        %dma_start3A_129 = tpu.memref_slice %arg6[%dma_start3A_127, %dma_start3A_128] : memref<100000x768xf32, #tpu.memory_space<hbm>> -> memref<100000x768xf32, #tpu.memory_space<hbm>>
        tpu.enqueue_indirect_dma source(%dma_start3A_129 : memref<100000x768xf32, #tpu.memory_space<hbm>>) target(%arg11 : memref<32x768xf32, #tpu.memory_space<vmem>>) offsets(%dma_start3A_126 : memref<32xi32, #tpu.memory_space<vmem>>) semaphore(%arg16 : memref<!tpu.dma_semaphore, #tpu.memory_space<semaphore_mem>>)
        %dma_start3A_130 = tpu.memref_slice %arg9[%multiple_of3A_125] : memref<1024xi32, #tpu.memory_space<vmem>> -> memref<32xi32, #tpu.memory_space<vmem>>
        %dma_start3A_131 = arith.constant 0 : i32
        %dma_start3A_132 = arith.constant 0 : i32
        %dma_start3A_133 = tpu.memref_slice %arg4[%dma_start3A_131, %dma_start3A_132] : memref<16384x768xf32, #tpu.memory_space<hbm>> -> memref<16384x768xf32, #tpu.memory_space<hbm>>
        tpu.enqueue_indirect_dma source(%dma_start3A_133 : memref<16384x768xf32, #tpu.memory_space<hbm>>) target(%arg13 : memref<32x768xf32, #tpu.memory_space<vmem>>) offsets(%dma_start3A_130 : memref<32xi32, #tpu.memory_space<vmem>>) semaphore(%arg16 : memref<!tpu.dma_semaphore, #tpu.memory_space<semaphore_mem>>)
      } else {
      }
      %scan3A_61 = arith.constant 0 : i32
      %scan3A_62 = arith.constant 0 : i32
      %scan3A_63 = arith.constant 32 : i32
      %scan3A_64 = arith.addi %scan3A_62, %scan3A_63 : i32
      %scan3A_65 = arith.constant 1 : i32
      scf.for %scan3A_121 = %scan3A_62 to %scan3A_64 step %scan3A_65  : i32 {
        %get3A_122 = arith.index_cast %scan3A_121 : i32 to index
        %get3A_123 = arith.constant 0 : index
        %get3A_124 = tpu.vector_load %arg10[%get3A_122, %get3A_123] {strides = array<i32>} : memref<32x768xf32, #tpu.memory_space<vmem>>, vector<1x16xf32>,
        %get3A_125 = vector.shape_cast %get3A_124 : vector<1x16xf32> to vector<16xf32>
        %mul3A_126 = arith.mulf %get3A_125, %get3A_4 : vector<16xf32>
        %get3A_127 = arith.index_cast %scan3A_121 : i32 to index
        %get3A_128 = arith.constant 0 : index
        %get3A_129 = tpu.vector_load %arg12[%get3A_127, %get3A_128] {strides = array<i32>} : memref<32x768xf32, #tpu.memory_space<vmem>>, vector<1x16xf32>,
        %get3A_130 = vector.shape_cast %get3A_129 : vector<1x16xf32> to vector<16xf32>
        %add3A_131 = arith.addf %mul3A_126, %get3A_130 : vector<16xf32>
        %swap3A = arith.index_cast %scan3A_121 : i32 to index
        %swap3A_132 = arith.constant 0 : index
        %swap3A_133 = tpu.vector_load %arg10[%swap3A, %swap3A_132] {strides = array<i32>} : memref<32x768xf32, #tpu.memory_space<vmem>>, vector<1x16xf32>,
        %swap3A_134 = vector.shape_cast %swap3A_133 : vector<1x16xf32> to vector<16xf32>
        %swap3A_135 = vector.shape_cast %add3A_131 : vector<16xf32> to vector<1x16xf32>
        tpu.vector_store %arg10[%swap3A, %swap3A_132], %swap3A_135 {strides = array<i32>} : memref<32x768xf32, #tpu.memory_space<vmem>>, vector<1x16xf32>,
        %get3A_136 = arith.index_cast %scan3A_121 : i32 to index
        %get3A_137 = arith.constant 16 : index
        %get3A_138 = tpu.vector_load %arg10[%get3A_136, %get3A_137] {strides = array<i32>} : memref<32x768xf32, #tpu.memory_space<vmem>>, vector<1x16xf32>,
        %get3A_139 = vector.shape_cast %get3A_138 : vector<1x16xf32> to vector<16xf32>
        %mul3A_140 = arith.mulf %get3A_139, %get3A_4 : vector<16xf32>
        %get3A_141 = arith.index_cast %scan3A_121 : i32 to index
        %get3A_142 = arith.constant 16 : index
        %get3A_143 = tpu.vector_load %arg12[%get3A_141, %get3A_142] {strides = array<i32>} : memref<32x768xf32, #tpu.memory_space<vmem>>, vector<1x16xf32>,
        %get3A_144 = vector.shape_cast %get3A_143 : vector<1x16xf32> to vector<16xf32>
        %add3A_145 = arith.addf %mul3A_140, %get3A_144 : vector<16xf32>
        %swap3A_146 = arith.index_cast %scan3A_121 : i32 to index
        %swap3A_147 = arith.constant 16 : index
        %swap3A_148 = tpu.vector_load %arg10[%swap3A_146, %swap3A_147] {strides = array<i32>} : memref<32x768xf32, #tpu.memory_space<vmem>>, vector<1x16xf32>,
        %swap3A_149 = vector.shape_cast %swap3A_148 : vector<1x16xf32> to vector<16xf32>
        %swap3A_150 = vector.shape_cast %add3A_145 : vector<16xf32> to vector<1x16xf32>
        tpu.vector_store %arg10[%swap3A_146, %swap3A_147], %swap3A_150 {strides = array<i32>} : memref<32x768xf32, #tpu.memory_space<vmem>>, vector<1x16xf32>,
        %get3A_151 = arith.index_cast %scan3A_121 : i32 to index
        %get3A_152 = arith.constant 32 : index
        %get3A_153 = tpu.vector_load %arg10[%get3A_151, %get3A_152] {strides = array<i32>} : memref<32x768xf32, #tpu.memory_space<vmem>>, vector<1x16xf32>,
        %get3A_154 = vector.shape_cast %get3A_153 : vector<1x16xf32> to vector<16xf32>
        %mul3A_155 = arith.mulf %get3A_154, %get3A_4 : vector<16xf32>
        %get3A_156 = arith.index_cast %scan3A_121 : i32 to index
        %get3A_157 = arith.constant 32 : index
        %get3A_158 = tpu.vector_load %arg12[%get3A_156, %get3A_157] {strides = array<i32>} : memref<32x768xf32, #tpu.memory_space<vmem>>, vector<1x16xf32>,
        %get3A_159 = vector.shape_cast %get3A_158 : vector<1x16xf32> to vector<16xf32>
        %add3A_160 = arith.addf %mul3A_155, %get3A_159 : vector<16xf32>
        %swap3A_161 = arith.index_cast %scan3A_121 : i32 to index
        %swap3A_162 = arith.constant 32 : index
        %swap3A_163 = tpu.vector_load %arg10[%swap3A_161, %swap3A_162] {strides = array<i32>} : memref<32x768xf32, #tpu.memory_space<vmem>>, vector<1x16xf32>,
        %swap3A_164 = vector.shape_cast %swap3A_163 : vector<1x16xf32> to vector<16xf32>
        %swap3A_165 = vector.shape_cast %add3A_160 : vector<16xf32> to vector<1x16xf32>
        tpu.vector_store %arg10[%swap3A_161, %swap3A_162], %swap3A_165 {strides = array<i32>} : memref<32x768xf32, #tpu.memory_space<vmem>>, vector<1x16xf32>,
        %get3A_166 = arith.index_cast %scan3A_121 : i32 to index
        %get3A_167 = arith.constant 48 : index
        %get3A_168 = tpu.vector_load %arg10[%get3A_166, %get3A_167] {strides = array<i32>} : memref<32x768xf32, #tpu.memory_space<vmem>>, vector<1x16xf32>,
        %get3A_169 = vector.shape_cast %get3A_168 : vector<1x16xf32> to vector<16xf32>
        %mul3A_170 = arith.mulf %get3A_169, %get3A_4 : vector<16xf32>
        %get3A_171 = arith.index_cast %scan3A_121 : i32 to index
        %get3A_172 = arith.constant 48 : index
        %get3A_173 = tpu.vector_load %arg12[%get3A_171, %get3A_172] {strides = array<i32>} : memref<32x768xf32, #tpu.memory_space<vmem>>, vector<1x16xf32>,
        %get3A_174 = vector.shape_cast %get3A_173 : vector<1x16xf32> to vector<16xf32>
        %add3A_175 = arith.addf %mul3A_170, %get3A_174 : vector<16xf32>
        %swap3A_176 = arith.index_cast %scan3A_121 : i32 to index
        %swap3A_177 = arith.constant 48 : index
        %swap3A_178 = tpu.vector_load %arg10[%swap3A_176, %swap3A_177] {strides = array<i32>} : memref<32x768xf32, #tpu.memory_space<vmem>>, vector<1x16xf32>,
        %swap3A_179 = vector.shape_cast %swap3A_178 : vector<1x16xf32> to vector<16xf32>
        %swap3A_180 = vector.shape_cast %add3A_175 : vector<16xf32> to vector<1x16xf32>
        tpu.vector_store %arg10[%swap3A_176, %swap3A_177], %swap3A_180 {strides = array<i32>} : memref<32x768xf32, #tpu.memory_space<vmem>>, vector<1x16xf32>,
        %get3A_181 = arith.index_cast %scan3A_121 : i32 to index
        %get3A_182 = arith.constant 64 : index
        %get3A_183 = tpu.vector_load %arg10[%get3A_181, %get3A_182] {strides = array<i32>} : memref<32x768xf32, #tpu.memory_space<vmem>>, vector<1x16xf32>,
        %get3A_184 = vector.shape_cast %get3A_183 : vector<1x16xf32> to vector<16xf32>
        %mul3A_185 = arith.mulf %get3A_184, %get3A_4 : vector<16xf32>
        %get3A_186 = arith.index_cast %scan3A_121 : i32 to index
        %get3A_187 = arith.constant 64 : index
        %get3A_188 = tpu.vector_load %arg12[%get3A_186, %get3A_187] {strides = array<i32>} : memref<32x768xf32, #tpu.memory_space<vmem>>, vector<1x16xf32>,
        %get3A_189 = vector.shape_cast %get3A_188 : vector<1x16xf32> to vector<16xf32>
        %add3A_190 = arith.addf %mul3A_185, %get3A_189 : vector<16xf32>
        %swap3A_191 = arith.index_cast %scan3A_121 : i32 to index
        %swap3A_192 = arith.constant 64 : index
        %swap3A_193 = tpu.vector_load %arg10[%swap3A_191, %swap3A_192] {strides = array<i32>} : memref<32x768xf32, #tpu.memory_space<vmem>>, vector<1x16xf32>,
        %swap3A_194 = vector.shape_cast %swap3A_193 : vector<1x16xf32> to vector<16xf32>
        %swap3A_195 = vector.shape_cast %add3A_190 : vector<16xf32> to vector<1x16xf32>
        tpu.vector_store %arg10[%swap3A_191, %swap3A_192], %swap3A_195 {strides = array<i32>} : memref<32x768xf32, #tpu.memory_space<vmem>>, vector<1x16xf32>,
        %get3A_196 = arith.index_cast %scan3A_121 : i32 to index
        %get3A_197 = arith.constant 80 : index
        %get3A_198 = tpu.vector_load %arg10[%get3A_196, %get3A_197] {strides = array<i32>} : memref<32x768xf32, #tpu.memory_space<vmem>>, vector<1x16xf32>,
        %get3A_199 = vector.shape_cast %get3A_198 : vector<1x16xf32> to vector<16xf32>
        %mul3A_200 = arith.mulf %get3A_199, %get3A_4 : vector<16xf32>
        %get3A_201 = arith.index_cast %scan3A_121 : i32 to index
        %get3A_202 = arith.constant 80 : index
        %get3A_203 = tpu.vector_load %arg12[%get3A_201, %get3A_202] {strides = array<i32>} : memref<32x768xf32, #tpu.memory_space<vmem>>, vector<1x16xf32>,
        %get3A_204 = vector.shape_cast %get3A_203 : vector<1x16xf32> to vector<16xf32>
        %add3A_205 = arith.addf %mul3A_200, %get3A_204 : vector<16xf32>
        %swap3A_206 = arith.index_cast %scan3A_121 : i32 to index
        %swap3A_207 = arith.constant 80 : index
        %swap3A_208 = tpu.vector_load %arg10[%swap3A_206, %swap3A_207] {strides = array<i32>} : memref<32x768xf32, #tpu.memory_space<vmem>>, vector<1x16xf32>,
        %swap3A_209 = vector.shape_cast %swap3A_208 : vector<1x16xf32> to vector<16xf32>
        %swap3A_210 = vector.shape_cast %add3A_205 : vector<16xf32> to vector<1x16xf32>
        tpu.vector_store %arg10[%swap3A_206, %swap3A_207], %swap3A_210 {strides = array<i32>} : memref<32x768xf32, #tpu.memory_space<vmem>>, vector<1x16xf32>,
        %get3A_211 = arith.index_cast %scan3A_121 : i32 to index
        %get3A_212 = arith.constant 96 : index
        %get3A_213 = tpu.vector_load %arg10[%get3A_211, %get3A_212] {strides = array<i32>} : memref<32x768xf32, #tpu.memory_space<vmem>>, vector<1x16xf32>,
        %get3A_214 = vector.shape_cast %get3A_213 : vector<1x16xf32> to vector<16xf32>
        %mul3A_215 = arith.mulf %get3A_214, %get3A_4 : vector<16xf32>
        %get3A_216 = arith.index_cast %scan3A_121 : i32 to index
        %get3A_217 = arith.constant 96 : index
        %get3A_218 = tpu.vector_load %arg12[%get3A_216, %get3A_217] {strides = array<i32>} : memref<32x768xf32, #tpu.memory_space<vmem>>, vector<1x16xf32>,
        %get3A_219 = vector.shape_cast %get3A_218 : vector<1x16xf32> to vector<16xf32>
        %add3A_220 = arith.addf %mul3A_215, %get3A_219 : vector<16xf32>
        %swap3A_221 = arith.index_cast %scan3A_121 : i32 to index
        %swap3A_222 = arith.constant 96 : index
        %swap3A_223 = tpu.vector_load %arg10[%swap3A_221, %swap3A_222] {strides = array<i32>} : memref<32x768xf32, #tpu.memory_space<vmem>>, vector<1x16xf32>,
        %swap3A_224 = vector.shape_cast %swap3A_223 : vector<1x16xf32> to vector<16xf32>
        %swap3A_225 = vector.shape_cast %add3A_220 : vector<16xf32> to vector<1x16xf32>
        tpu.vector_store %arg10[%swap3A_221, %swap3A_222], %swap3A_225 {strides = array<i32>} : memref<32x768xf32, #tpu.memory_space<vmem>>, vector<1x16xf32>,
        %get3A_226 = arith.index_cast %scan3A_121 : i32 to index
        %get3A_227 = arith.constant 112 : index
        %get3A_228 = tpu.vector_load %arg10[%get3A_226, %get3A_227] {strides = array<i32>} : memref<32x768xf32, #tpu.memory_space<vmem>>, vector<1x16xf32>,
        %get3A_229 = vector.shape_cast %get3A_228 : vector<1x16xf32> to vector<16xf32>
        %mul3A_230 = arith.mulf %get3A_229, %get3A_4 : vector<16xf32>
        %get3A_231 = arith.index_cast %scan3A_121 : i32 to index
        %get3A_232 = arith.constant 112 : index
        %get3A_233 = tpu.vector_load %arg12[%get3A_231, %get3A_232] {strides = array<i32>} : memref<32x768xf32, #tpu.memory_space<vmem>>, vector<1x16xf32>,
        %get3A_234 = vector.shape_cast %get3A_233 : vector<1x16xf32> to vector<16xf32>
        %add3A_235 = arith.addf %mul3A_230, %get3A_234 : vector<16xf32>
        %swap3A_236 = arith.index_cast %scan3A_121 : i32 to index
        %swap3A_237 = arith.constant 112 : index
        %swap3A_238 = tpu.vector_load %arg10[%swap3A_236, %swap3A_237] {strides = array<i32>} : memref<32x768xf32, #tpu.memory_space<vmem>>, vector<1x16xf32>,
        %swap3A_239 = vector.shape_cast %swap3A_238 : vector<1x16xf32> to vector<16xf32>
        %swap3A_240 = vector.shape_cast %add3A_235 : vector<16xf32> to vector<1x16xf32>
        tpu.vector_store %arg10[%swap3A_236, %swap3A_237], %swap3A_240 {strides = array<i32>} : memref<32x768xf32, #tpu.memory_space<vmem>>, vector<1x16xf32>,
        %get3A_241 = arith.index_cast %scan3A_121 : i32 to index
        %get3A_242 = arith.constant 128 : index
        %get3A_243 = tpu.vector_load %arg10[%get3A_241, %get3A_242] {strides = array<i32>} : memref<32x768xf32, #tpu.memory_space<vmem>>, vector<1x16xf32>,
        %get3A_244 = vector.shape_cast %get3A_243 : vector<1x16xf32> to vector<16xf32>
        %mul3A_245 = arith.mulf %get3A_244, %get3A_4 : vector<16xf32>
        %get3A_246 = arith.index_cast %scan3A_121 : i32 to index
        %get3A_247 = arith.constant 128 : index
        %get3A_248 = tpu.vector_load %arg12[%get3A_246, %get3A_247] {strides = array<i32>} : memref<32x768xf32, #tpu.memory_space<vmem>>, vector<1x16xf32>,
        %get3A_249 = vector.shape_cast %get3A_248 : vector<1x16xf32> to vector<16xf32>
        %add3A_250 = arith.addf %mul3A_245, %get3A_249 : vector<16xf32>
        %swap3A_251 = arith.index_cast %scan3A_121 : i32 to index
        %swap3A_252 = arith.constant 128 : index
        %swap3A_253 = tpu.vector_load %arg10[%swap3A_251, %swap3A_252] {strides = array<i32>} : memref<32x768xf32, #tpu.memory_space<vmem>>, vector<1x16xf32>,
        %swap3A_254 = vector.shape_cast %swap3A_253 : vector<1x16xf32> to vector<16xf32>
        %swap3A_255 = vector.shape_cast %add3A_250 : vector<16xf32> to vector<1x16xf32>
        tpu.vector_store %arg10[%swap3A_251, %swap3A_252], %swap3A_255 {strides = array<i32>} : memref<32x768xf32, #tpu.memory_space<vmem>>, vector<1x16xf32>,
        %get3A_256 = arith.index_cast %scan3A_121 : i32 to index
        %get3A_257 = arith.constant 144 : index
        %get3A_258 = tpu.vector_load %arg10[%get3A_256, %get3A_257] {strides = array<i32>} : memref<32x768xf32, #tpu.memory_space<vmem>>, vector<1x16xf32>,
        %get3A_259 = vector.shape_cast %get3A_258 : vector<1x16xf32> to vector<16xf32>
        %mul3A_260 = arith.mulf %get3A_259, %get3A_4 : vector<16xf32>
        %get3A_261 = arith.index_cast %scan3A_121 : i32 to index
        %get3A_262 = arith.constant 144 : index
        %get3A_263 = tpu.vector_load %arg12[%get3A_261, %get3A_262] {strides = array<i32>} : memref<32x768xf32, #tpu.memory_space<vmem>>, vector<1x16xf32>,
        %get3A_264 = vector.shape_cast %get3A_263 : vector<1x16xf32> to vector<16xf32>
        %add3A_265 = arith.addf %mul3A_260, %get3A_264 : vector<16xf32>
        %swap3A_266 = arith.index_cast %scan3A_121 : i32 to index
        %swap3A_267 = arith.constant 144 : index
        %swap3A_268 = tpu.vector_load %arg10[%swap3A_266, %swap3A_267] {strides = array<i32>} : memref<32x768xf32, #tpu.memory_space<vmem>>, vector<1x16xf32>,
        %swap3A_269 = vector.shape_cast %swap3A_268 : vector<1x16xf32> to vector<16xf32>
        %swap3A_270 = vector.shape_cast %add3A_265 : vector<16xf32> to vector<1x16xf32>
        tpu.vector_store %arg10[%swap3A_266, %swap3A_267], %swap3A_270 {strides = array<i32>} : memref<32x768xf32, #tpu.memory_space<vmem>>, vector<1x16xf32>,
        %get3A_271 = arith.index_cast %scan3A_121 : i32 to index
        %get3A_272 = arith.constant 160 : index
        %get3A_273 = tpu.vector_load %arg10[%get3A_271, %get3A_272] {strides = array<i32>} : memref<32x768xf32, #tpu.memory_space<vmem>>, vector<1x16xf32>,
        %get3A_274 = vector.shape_cast %get3A_273 : vector<1x16xf32> to vector<16xf32>
        %mul3A_275 = arith.mulf %get3A_274, %get3A_4 : vector<16xf32>
        %get3A_276 = arith.index_cast %scan3A_121 : i32 to index
        %get3A_277 = arith.constant 160 : index
        %get3A_278 = tpu.vector_load %arg12[%get3A_276, %get3A_277] {strides = array<i32>} : memref<32x768xf32, #tpu.memory_space<vmem>>, vector<1x16xf32>,
        %get3A_279 = vector.shape_cast %get3A_278 : vector<1x16xf32> to vector<16xf32>
        %add3A_280 = arith.addf %mul3A_275, %get3A_279 : vector<16xf32>
        %swap3A_281 = arith.index_cast %scan3A_121 : i32 to index
        %swap3A_282 = arith.constant 160 : index
        %swap3A_283 = tpu.vector_load %arg10[%swap3A_281, %swap3A_282] {strides = array<i32>} : memref<32x768xf32, #tpu.memory_space<vmem>>, vector<1x16xf32>,
        %swap3A_284 = vector.shape_cast %swap3A_283 : vector<1x16xf32> to vector<16xf32>
        %swap3A_285 = vector.shape_cast %add3A_280 : vector<16xf32> to vector<1x16xf32>
        tpu.vector_store %arg10[%swap3A_281, %swap3A_282], %swap3A_285 {strides = array<i32>} : memref<32x768xf32, #tpu.memory_space<vmem>>, vector<1x16xf32>,
        %get3A_286 = arith.index_cast %scan3A_121 : i32 to index
        %get3A_287 = arith.constant 176 : index
        %get3A_288 = tpu.vector_load %arg10[%get3A_286, %get3A_287] {strides = array<i32>} : memref<32x768xf32, #tpu.memory_space<vmem>>, vector<1x16xf32>,
        %get3A_289 = vector.shape_cast %get3A_288 : vector<1x16xf32> to vector<16xf32>
        %mul3A_290 = arith.mulf %get3A_289, %get3A_4 : vector<16xf32>
        %get3A_291 = arith.index_cast %scan3A_121 : i32 to index
        %get3A_292 = arith.constant 176 : index
        %get3A_293 = tpu.vector_load %arg12[%get3A_291, %get3A_292] {strides = array<i32>} : memref<32x768xf32, #tpu.memory_space<vmem>>, vector<1x16xf32>,
        %get3A_294 = vector.shape_cast %get3A_293 : vector<1x16xf32> to vector<16xf32>
        %add3A_295 = arith.addf %mul3A_290, %get3A_294 : vector<16xf32>
        %swap3A_296 = arith.index_cast %scan3A_121 : i32 to index
        %swap3A_297 = arith.constant 176 : index
        %swap3A_298 = tpu.vector_load %arg10[%swap3A_296, %swap3A_297] {strides = array<i32>} : memref<32x768xf32, #tpu.memory_space<vmem>>, vector<1x16xf32>,
        %swap3A_299 = vector.shape_cast %swap3A_298 : vector<1x16xf32> to vector<16xf32>
        %swap3A_300 = vector.shape_cast %add3A_295 : vector<16xf32> to vector<1x16xf32>
        tpu.vector_store %arg10[%swap3A_296, %swap3A_297], %swap3A_300 {strides = array<i32>} : memref<32x768xf32, #tpu.memory_space<vmem>>, vector<1x16xf32>,
        %get3A_301 = arith.index_cast %scan3A_121 : i32 to index
        %get3A_302 = arith.constant 192 : index
        %get3A_303 = tpu.vector_load %arg10[%get3A_301, %get3A_302] {strides = array<i32>} : memref<32x768xf32, #tpu.memory_space<vmem>>, vector<1x16xf32>,
        %get3A_304 = vector.shape_cast %get3A_303 : vector<1x16xf32> to vector<16xf32>
        %mul3A_305 = arith.mulf %get3A_304, %get3A_4 : vector<16xf32>
        %get3A_306 = arith.index_cast %scan3A_121 : i32 to index
        %get3A_307 = arith.constant 192 : index
        %get3A_308 = tpu.vector_load %arg12[%get3A_306, %get3A_307] {strides = array<i32>} : memref<32x768xf32, #tpu.memory_space<vmem>>, vector<1x16xf32>,
        %get3A_309 = vector.shape_cast %get3A_308 : vector<1x16xf32> to vector<16xf32>
        %add3A_310 = arith.addf %mul3A_305, %get3A_309 : vector<16xf32>
        %swap3A_311 = arith.index_cast %scan3A_121 : i32 to index
        %swap3A_312 = arith.constant 192 : index
        %swap3A_313 = tpu.vector_load %arg10[%swap3A_311, %swap3A_312] {strides = array<i32>} : memref<32x768xf32, #tpu.memory_space<vmem>>, vector<1x16xf32>,
        %swap3A_314 = vector.shape_cast %swap3A_313 : vector<1x16xf32> to vector<16xf32>
        %swap3A_315 = vector.shape_cast %add3A_310 : vector<16xf32> to vector<1x16xf32>
        tpu.vector_store %arg10[%swap3A_311, %swap3A_312], %swap3A_315 {strides = array<i32>} : memref<32x768xf32, #tpu.memory_space<vmem>>, vector<1x16xf32>,
        %get3A_316 = arith.index_cast %scan3A_121 : i32 to index
        %get3A_317 = arith.constant 208 : index
        %get3A_318 = tpu.vector_load %arg10[%get3A_316, %get3A_317] {strides = array<i32>} : memref<32x768xf32, #tpu.memory_space<vmem>>, vector<1x16xf32>,
        %get3A_319 = vector.shape_cast %get3A_318 : vector<1x16xf32> to vector<16xf32>
        %mul3A_320 = arith.mulf %get3A_319, %get3A_4 : vector<16xf32>
        %get3A_321 = arith.index_cast %scan3A_121 : i32 to index
        %get3A_322 = arith.constant 208 : index
        %get3A_323 = tpu.vector_load %arg12[%get3A_321, %get3A_322] {strides = array<i32>} : memref<32x768xf32, #tpu.memory_space<vmem>>, vector<1x16xf32>,
        %get3A_324 = vector.shape_cast %get3A_323 : vector<1x16xf32> to vector<16xf32>
        %add3A_325 = arith.addf %mul3A_320, %get3A_324 : vector<16xf32>
        %swap3A_326 = arith.index_cast %scan3A_121 : i32 to index
        %swap3A_327 = arith.constant 208 : index
        %swap3A_328 = tpu.vector_load %arg10[%swap3A_326, %swap3A_327] {strides = array<i32>} : memref<32x768xf32, #tpu.memory_space<vmem>>, vector<1x16xf32>,
        %swap3A_329 = vector.shape_cast %swap3A_328 : vector<1x16xf32> to vector<16xf32>
        %swap3A_330 = vector.shape_cast %add3A_325 : vector<16xf32> to vector<1x16xf32>
        tpu.vector_store %arg10[%swap3A_326, %swap3A_327], %swap3A_330 {strides = array<i32>} : memref<32x768xf32, #tpu.memory_space<vmem>>, vector<1x16xf32>,
        %get3A_331 = arith.index_cast %scan3A_121 : i32 to index
        %get3A_332 = arith.constant 224 : index
        %get3A_333 = tpu.vector_load %arg10[%get3A_331, %get3A_332] {strides = array<i32>} : memref<32x768xf32, #tpu.memory_space<vmem>>, vector<1x16xf32>,
        %get3A_334 = vector.shape_cast %get3A_333 : vector<1x16xf32> to vector<16xf32>
        %mul3A_335 = arith.mulf %get3A_334, %get3A_4 : vector<16xf32>
        %get3A_336 = arith.index_cast %scan3A_121 : i32 to index
        %get3A_337 = arith.constant 224 : index
        %get3A_338 = tpu.vector_load %arg12[%get3A_336, %get3A_337] {strides = array<i32>} : memref<32x768xf32, #tpu.memory_space<vmem>>, vector<1x16xf32>,
        %get3A_339 = vector.shape_cast %get3A_338 : vector<1x16xf32> to vector<16xf32>
        %add3A_340 = arith.addf %mul3A_335, %get3A_339 : vector<16xf32>
        %swap3A_341 = arith.index_cast %scan3A_121 : i32 to index
        %swap3A_342 = arith.constant 224 : index
        %swap3A_343 = tpu.vector_load %arg10[%swap3A_341, %swap3A_342] {strides = array<i32>} : memref<32x768xf32, #tpu.memory_space<vmem>>, vector<1x16xf32>,
        %swap3A_344 = vector.shape_cast %swap3A_343 : vector<1x16xf32> to vector<16xf32>
        %swap3A_345 = vector.shape_cast %add3A_340 : vector<16xf32> to vector<1x16xf32>
        tpu.vector_store %arg10[%swap3A_341, %swap3A_342], %swap3A_345 {strides = array<i32>} : memref<32x768xf32, #tpu.memory_space<vmem>>, vector<1x16xf32>,
        %get3A_346 = arith.index_cast %scan3A_121 : i32 to index
        %get3A_347 = arith.constant 240 : index
        %get3A_348 = tpu.vector_load %arg10[%get3A_346, %get3A_347] {strides = array<i32>} : memref<32x768xf32, #tpu.memory_space<vmem>>, vector<1x16xf32>,
        %get3A_349 = vector.shape_cast %get3A_348 : vector<1x16xf32> to vector<16xf32>
        %mul3A_350 = arith.mulf %get3A_349, %get3A_4 : vector<16xf32>
        %get3A_351 = arith.index_cast %scan3A_121 : i32 to index
        %get3A_352 = arith.constant 240 : index
        %get3A_353 = tpu.vector_load %arg12[%get3A_351, %get3A_352] {strides = array<i32>} : memref<32x768xf32, #tpu.memory_space<vmem>>, vector<1x16xf32>,
        %get3A_354 = vector.shape_cast %get3A_353 : vector<1x16xf32> to vector<16xf32>
        %add3A_355 = arith.addf %mul3A_350, %get3A_354 : vector<16xf32>
        %swap3A_356 = arith.index_cast %scan3A_121 : i32 to index
        %swap3A_357 = arith.constant 240 : index
        %swap3A_358 = tpu.vector_load %arg10[%swap3A_356, %swap3A_357] {strides = array<i32>} : memref<32x768xf32, #tpu.memory_space<vmem>>, vector<1x16xf32>,
        %swap3A_359 = vector.shape_cast %swap3A_358 : vector<1x16xf32> to vector<16xf32>
        %swap3A_360 = vector.shape_cast %add3A_355 : vector<16xf32> to vector<1x16xf32>
        tpu.vector_store %arg10[%swap3A_356, %swap3A_357], %swap3A_360 {strides = array<i32>} : memref<32x768xf32, #tpu.memory_space<vmem>>, vector<1x16xf32>,
        %get3A_361 = arith.index_cast %scan3A_121 : i32 to index
        %get3A_362 = arith.constant 256 : index
        %get3A_363 = tpu.vector_load %arg10[%get3A_361, %get3A_362] {strides = array<i32>} : memref<32x768xf32, #tpu.memory_space<vmem>>, vector<1x16xf32>,
        %get3A_364 = vector.shape_cast %get3A_363 : vector<1x16xf32> to vector<16xf32>
        %mul3A_365 = arith.mulf %get3A_364, %get3A_4 : vector<16xf32>
        %get3A_366 = arith.index_cast %scan3A_121 : i32 to index
        %get3A_367 = arith.constant 256 : index
        %get3A_368 = tpu.vector_load %arg12[%get3A_366, %get3A_367] {strides = array<i32>} : memref<32x768xf32, #tpu.memory_space<vmem>>, vector<1x16xf32>,
        %get3A_369 = vector.shape_cast %get3A_368 : vector<1x16xf32> to vector<16xf32>
        %add3A_370 = arith.addf %mul3A_365, %get3A_369 : vector<16xf32>
        %swap3A_371 = arith.index_cast %scan3A_121 : i32 to index
        %swap3A_372 = arith.constant 256 : index
        %swap3A_373 = tpu.vector_load %arg10[%swap3A_371, %swap3A_372] {strides = array<i32>} : memref<32x768xf32, #tpu.memory_space<vmem>>, vector<1x16xf32>,
        %swap3A_374 = vector.shape_cast %swap3A_373 : vector<1x16xf32> to vector<16xf32>
        %swap3A_375 = vector.shape_cast %add3A_370 : vector<16xf32> to vector<1x16xf32>
        tpu.vector_store %arg10[%swap3A_371, %swap3A_372], %swap3A_375 {strides = array<i32>} : memref<32x768xf32, #tpu.memory_space<vmem>>, vector<1x16xf32>,
        %get3A_376 = arith.index_cast %scan3A_121 : i32 to index
        %get3A_377 = arith.constant 272 : index
        %get3A_378 = tpu.vector_load %arg10[%get3A_376, %get3A_377] {strides = array<i32>} : memref<32x768xf32, #tpu.memory_space<vmem>>, vector<1x16xf32>,
        %get3A_379 = vector.shape_cast %get3A_378 : vector<1x16xf32> to vector<16xf32>
        %mul3A_380 = arith.mulf %get3A_379, %get3A_4 : vector<16xf32>
        %get3A_381 = arith.index_cast %scan3A_121 : i32 to index
        %get3A_382 = arith.constant 272 : index
        %get3A_383 = tpu.vector_load %arg12[%get3A_381, %get3A_382] {strides = array<i32>} : memref<32x768xf32, #tpu.memory_space<vmem>>, vector<1x16xf32>,
        %get3A_384 = vector.shape_cast %get3A_383 : vector<1x16xf32> to vector<16xf32>
        %add3A_385 = arith.addf %mul3A_380, %get3A_384 : vector<16xf32>
        %swap3A_386 = arith.index_cast %scan3A_121 : i32 to index
        %swap3A_387 = arith.constant 272 : index
        %swap3A_388 = tpu.vector_load %arg10[%swap3A_386, %swap3A_387] {strides = array<i32>} : memref<32x768xf32, #tpu.memory_space<vmem>>, vector<1x16xf32>,
        %swap3A_389 = vector.shape_cast %swap3A_388 : vector<1x16xf32> to vector<16xf32>
        %swap3A_390 = vector.shape_cast %add3A_385 : vector<16xf32> to vector<1x16xf32>
        tpu.vector_store %arg10[%swap3A_386, %swap3A_387], %swap3A_390 {strides = array<i32>} : memref<32x768xf32, #tpu.memory_space<vmem>>, vector<1x16xf32>,
        %get3A_391 = arith.index_cast %scan3A_121 : i32 to index
        %get3A_392 = arith.constant 288 : index
        %get3A_393 = tpu.vector_load %arg10[%get3A_391, %get3A_392] {strides = array<i32>} : memref<32x768xf32, #tpu.memory_space<vmem>>, vector<1x16xf32>,
        %get3A_394 = vector.shape_cast %get3A_393 : vector<1x16xf32> to vector<16xf32>
        %mul3A_395 = arith.mulf %get3A_394, %get3A_4 : vector<16xf32>
        %get3A_396 = arith.index_cast %scan3A_121 : i32 to index
        %get3A_397 = arith.constant 288 : index
        %get3A_398 = tpu.vector_load %arg12[%get3A_396, %get3A_397] {strides = array<i32>} : memref<32x768xf32, #tpu.memory_space<vmem>>, vector<1x16xf32>,
        %get3A_399 = vector.shape_cast %get3A_398 : vector<1x16xf32> to vector<16xf32>
        %add3A_400 = arith.addf %mul3A_395, %get3A_399 : vector<16xf32>
        %swap3A_401 = arith.index_cast %scan3A_121 : i32 to index
        %swap3A_402 = arith.constant 288 : index
        %swap3A_403 = tpu.vector_load %arg10[%swap3A_401, %swap3A_402] {strides = array<i32>} : memref<32x768xf32, #tpu.memory_space<vmem>>, vector<1x16xf32>,
        %swap3A_404 = vector.shape_cast %swap3A_403 : vector<1x16xf32> to vector<16xf32>
        %swap3A_405 = vector.shape_cast %add3A_400 : vector<16xf32> to vector<1x16xf32>
        tpu.vector_store %arg10[%swap3A_401, %swap3A_402], %swap3A_405 {strides = array<i32>} : memref<32x768xf32, #tpu.memory_space<vmem>>, vector<1x16xf32>,
        %get3A_406 = arith.index_cast %scan3A_121 : i32 to index
        %get3A_407 = arith.constant 304 : index
        %get3A_408 = tpu.vector_load %arg10[%get3A_406, %get3A_407] {strides = array<i32>} : memref<32x768xf32, #tpu.memory_space<vmem>>, vector<1x16xf32>,
        %get3A_409 = vector.shape_cast %get3A_408 : vector<1x16xf32> to vector<16xf32>
        %mul3A_410 = arith.mulf %get3A_409, %get3A_4 : vector<16xf32>
        %get3A_411 = arith.index_cast %scan3A_121 : i32 to index
        %get3A_412 = arith.constant 304 : index
        %get3A_413 = tpu.vector_load %arg12[%get3A_411, %get3A_412] {strides = array<i32>} : memref<32x768xf32, #tpu.memory_space<vmem>>, vector<1x16xf32>,
        %get3A_414 = vector.shape_cast %get3A_413 : vector<1x16xf32> to vector<16xf32>
        %add3A_415 = arith.addf %mul3A_410, %get3A_414 : vector<16xf32>
        %swap3A_416 = arith.index_cast %scan3A_121 : i32 to index
        %swap3A_417 = arith.constant 304 : index
        %swap3A_418 = tpu.vector_load %arg10[%swap3A_416, %swap3A_417] {strides = array<i32>} : memref<32x768xf32, #tpu.memory_space<vmem>>, vector<1x16xf32>,
        %swap3A_419 = vector.shape_cast %swap3A_418 : vector<1x16xf32> to vector<16xf32>
        %swap3A_420 = vector.shape_cast %add3A_415 : vector<16xf32> to vector<1x16xf32>
        tpu.vector_store %arg10[%swap3A_416, %swap3A_417], %swap3A_420 {strides = array<i32>} : memref<32x768xf32, #tpu.memory_space<vmem>>, vector<1x16xf32>,
        %get3A_421 = arith.index_cast %scan3A_121 : i32 to index
        %get3A_422 = arith.constant 320 : index
        %get3A_423 = tpu.vector_load %arg10[%get3A_421, %get3A_422] {strides = array<i32>} : memref<32x768xf32, #tpu.memory_space<vmem>>, vector<1x16xf32>,
        %get3A_424 = vector.shape_cast %get3A_423 : vector<1x16xf32> to vector<16xf32>
        %mul3A_425 = arith.mulf %get3A_424, %get3A_4 : vector<16xf32>
        %get3A_426 = arith.index_cast %scan3A_121 : i32 to index
        %get3A_427 = arith.constant 320 : index
        %get3A_428 = tpu.vector_load %arg12[%get3A_426, %get3A_427] {strides = array<i32>} : memref<32x768xf32, #tpu.memory_space<vmem>>, vector<1x16xf32>,
        %get3A_429 = vector.shape_cast %get3A_428 : vector<1x16xf32> to vector<16xf32>
        %add3A_430 = arith.addf %mul3A_425, %get3A_429 : vector<16xf32>
        %swap3A_431 = arith.index_cast %scan3A_121 : i32 to index
        %swap3A_432 = arith.constant 320 : index
        %swap3A_433 = tpu.vector_load %arg10[%swap3A_431, %swap3A_432] {strides = array<i32>} : memref<32x768xf32, #tpu.memory_space<vmem>>, vector<1x16xf32>,
        %swap3A_434 = vector.shape_cast %swap3A_433 : vector<1x16xf32> to vector<16xf32>
        %swap3A_435 = vector.shape_cast %add3A_430 : vector<16xf32> to vector<1x16xf32>
        tpu.vector_store %arg10[%swap3A_431, %swap3A_432], %swap3A_435 {strides = array<i32>} : memref<32x768xf32, #tpu.memory_space<vmem>>, vector<1x16xf32>,
        %get3A_436 = arith.index_cast %scan3A_121 : i32 to index
        %get3A_437 = arith.constant 336 : index
        %get3A_438 = tpu.vector_load %arg10[%get3A_436, %get3A_437] {strides = array<i32>} : memref<32x768xf32, #tpu.memory_space<vmem>>, vector<1x16xf32>,
        %get3A_439 = vector.shape_cast %get3A_438 : vector<1x16xf32> to vector<16xf32>
        %mul3A_440 = arith.mulf %get3A_439, %get3A_4 : vector<16xf32>
        %get3A_441 = arith.index_cast %scan3A_121 : i32 to index
        %get3A_442 = arith.constant 336 : index
        %get3A_443 = tpu.vector_load %arg12[%get3A_441, %get3A_442] {strides = array<i32>} : memref<32x768xf32, #tpu.memory_space<vmem>>, vector<1x16xf32>,
        %get3A_444 = vector.shape_cast %get3A_443 : vector<1x16xf32> to vector<16xf32>
        %add3A_445 = arith.addf %mul3A_440, %get3A_444 : vector<16xf32>
        %swap3A_446 = arith.index_cast %scan3A_121 : i32 to index
        %swap3A_447 = arith.constant 336 : index
        %swap3A_448 = tpu.vector_load %arg10[%swap3A_446, %swap3A_447] {strides = array<i32>} : memref<32x768xf32, #tpu.memory_space<vmem>>, vector<1x16xf32>,
        %swap3A_449 = vector.shape_cast %swap3A_448 : vector<1x16xf32> to vector<16xf32>
        %swap3A_450 = vector.shape_cast %add3A_445 : vector<16xf32> to vector<1x16xf32>
        tpu.vector_store %arg10[%swap3A_446, %swap3A_447], %swap3A_450 {strides = array<i32>} : memref<32x768xf32, #tpu.memory_space<vmem>>, vector<1x16xf32>,
        %get3A_451 = arith.index_cast %scan3A_121 : i32 to index
        %get3A_452 = arith.constant 352 : index
        %get3A_453 = tpu.vector_load %arg10[%get3A_451, %get3A_452] {strides = array<i32>} : memref<32x768xf32, #tpu.memory_space<vmem>>, vector<1x16xf32>,
        %get3A_454 = vector.shape_cast %get3A_453 : vector<1x16xf32> to vector<16xf32>
        %mul3A_455 = arith.mulf %get3A_454, %get3A_4 : vector<16xf32>
        %get3A_456 = arith.index_cast %scan3A_121 : i32 to index
        %get3A_457 = arith.constant 352 : index
        %get3A_458 = tpu.vector_load %arg12[%get3A_456, %get3A_457] {strides = array<i32>} : memref<32x768xf32, #tpu.memory_space<vmem>>, vector<1x16xf32>,
        %get3A_459 = vector.shape_cast %get3A_458 : vector<1x16xf32> to vector<16xf32>
        %add3A_460 = arith.addf %mul3A_455, %get3A_459 : vector<16xf32>
        %swap3A_461 = arith.index_cast %scan3A_121 : i32 to index
        %swap3A_462 = arith.constant 352 : index
        %swap3A_463 = tpu.vector_load %arg10[%swap3A_461, %swap3A_462] {strides = array<i32>} : memref<32x768xf32, #tpu.memory_space<vmem>>, vector<1x16xf32>,
        %swap3A_464 = vector.shape_cast %swap3A_463 : vector<1x16xf32> to vector<16xf32>
        %swap3A_465 = vector.shape_cast %add3A_460 : vector<16xf32> to vector<1x16xf32>
        tpu.vector_store %arg10[%swap3A_461, %swap3A_462], %swap3A_465 {strides = array<i32>} : memref<32x768xf32, #tpu.memory_space<vmem>>, vector<1x16xf32>,
        %get3A_466 = arith.index_cast %scan3A_121 : i32 to index
        %get3A_467 = arith.constant 368 : index
        %get3A_468 = tpu.vector_load %arg10[%get3A_466, %get3A_467] {strides = array<i32>} : memref<32x768xf32, #tpu.memory_space<vmem>>, vector<1x16xf32>,
        %get3A_469 = vector.shape_cast %get3A_468 : vector<1x16xf32> to vector<16xf32>
        %mul3A_470 = arith.mulf %get3A_469, %get3A_4 : vector<16xf32>
        %get3A_471 = arith.index_cast %scan3A_121 : i32 to index
        %get3A_472 = arith.constant 368 : index
        %get3A_473 = tpu.vector_load %arg12[%get3A_471, %get3A_472] {strides = array<i32>} : memref<32x768xf32, #tpu.memory_space<vmem>>, vector<1x16xf32>,
        %get3A_474 = vector.shape_cast %get3A_473 : vector<1x16xf32> to vector<16xf32>
        %add3A_475 = arith.addf %mul3A_470, %get3A_474 : vector<16xf32>
        %swap3A_476 = arith.index_cast %scan3A_121 : i32 to index
        %swap3A_477 = arith.constant 368 : index
        %swap3A_478 = tpu.vector_load %arg10[%swap3A_476, %swap3A_477] {strides = array<i32>} : memref<32x768xf32, #tpu.memory_space<vmem>>, vector<1x16xf32>,
        %swap3A_479 = vector.shape_cast %swap3A_478 : vector<1x16xf32> to vector<16xf32>
        %swap3A_480 = vector.shape_cast %add3A_475 : vector<16xf32> to vector<1x16xf32>
        tpu.vector_store %arg10[%swap3A_476, %swap3A_477], %swap3A_480 {strides = array<i32>} : memref<32x768xf32, #tpu.memory_space<vmem>>, vector<1x16xf32>,
        %get3A_481 = arith.index_cast %scan3A_121 : i32 to index
        %get3A_482 = arith.constant 384 : index
        %get3A_483 = tpu.vector_load %arg10[%get3A_481, %get3A_482] {strides = array<i32>} : memref<32x768xf32, #tpu.memory_space<vmem>>, vector<1x16xf32>,
        %get3A_484 = vector.shape_cast %get3A_483 : vector<1x16xf32> to vector<16xf32>
        %mul3A_485 = arith.mulf %get3A_484, %get3A_4 : vector<16xf32>
        %get3A_486 = arith.index_cast %scan3A_121 : i32 to index
        %get3A_487 = arith.constant 384 : index
        %get3A_488 = tpu.vector_load %arg12[%get3A_486, %get3A_487] {strides = array<i32>} : memref<32x768xf32, #tpu.memory_space<vmem>>, vector<1x16xf32>,
        %get3A_489 = vector.shape_cast %get3A_488 : vector<1x16xf32> to vector<16xf32>
        %add3A_490 = arith.addf %mul3A_485, %get3A_489 : vector<16xf32>
        %swap3A_491 = arith.index_cast %scan3A_121 : i32 to index
        %swap3A_492 = arith.constant 384 : index
        %swap3A_493 = tpu.vector_load %arg10[%swap3A_491, %swap3A_492] {strides = array<i32>} : memref<32x768xf32, #tpu.memory_space<vmem>>, vector<1x16xf32>,
        %swap3A_494 = vector.shape_cast %swap3A_493 : vector<1x16xf32> to vector<16xf32>
        %swap3A_495 = vector.shape_cast %add3A_490 : vector<16xf32> to vector<1x16xf32>
        tpu.vector_store %arg10[%swap3A_491, %swap3A_492], %swap3A_495 {strides = array<i32>} : memref<32x768xf32, #tpu.memory_space<vmem>>, vector<1x16xf32>,
        %get3A_496 = arith.index_cast %scan3A_121 : i32 to index
        %get3A_497 = arith.constant 400 : index
        %get3A_498 = tpu.vector_load %arg10[%get3A_496, %get3A_497] {strides = array<i32>} : memref<32x768xf32, #tpu.memory_space<vmem>>, vector<1x16xf32>,
        %get3A_499 = vector.shape_cast %get3A_498 : vector<1x16xf32> to vector<16xf32>
        %mul3A_500 = arith.mulf %get3A_499, %get3A_4 : vector<16xf32>
        %get3A_501 = arith.index_cast %scan3A_121 : i32 to index
        %get3A_502 = arith.constant 400 : index
        %get3A_503 = tpu.vector_load %arg12[%get3A_501, %get3A_502] {strides = array<i32>} : memref<32x768xf32, #tpu.memory_space<vmem>>, vector<1x16xf32>,
        %get3A_504 = vector.shape_cast %get3A_503 : vector<1x16xf32> to vector<16xf32>
        %add3A_505 = arith.addf %mul3A_500, %get3A_504 : vector<16xf32>
        %swap3A_506 = arith.index_cast %scan3A_121 : i32 to index
        %swap3A_507 = arith.constant 400 : index
        %swap3A_508 = tpu.vector_load %arg10[%swap3A_506, %swap3A_507] {strides = array<i32>} : memref<32x768xf32, #tpu.memory_space<vmem>>, vector<1x16xf32>,
        %swap3A_509 = vector.shape_cast %swap3A_508 : vector<1x16xf32> to vector<16xf32>
        %swap3A_510 = vector.shape_cast %add3A_505 : vector<16xf32> to vector<1x16xf32>
        tpu.vector_store %arg10[%swap3A_506, %swap3A_507], %swap3A_510 {strides = array<i32>} : memref<32x768xf32, #tpu.memory_space<vmem>>, vector<1x16xf32>,
        %get3A_511 = arith.index_cast %scan3A_121 : i32 to index
        %get3A_512 = arith.constant 416 : index
        %get3A_513 = tpu.vector_load %arg10[%get3A_511, %get3A_512] {strides = array<i32>} : memref<32x768xf32, #tpu.memory_space<vmem>>, vector<1x16xf32>,
        %get3A_514 = vector.shape_cast %get3A_513 : vector<1x16xf32> to vector<16xf32>
        %mul3A_515 = arith.mulf %get3A_514, %get3A_4 : vector<16xf32>
        %get3A_516 = arith.index_cast %scan3A_121 : i32 to index
        %get3A_517 = arith.constant 416 : index
        %get3A_518 = tpu.vector_load %arg12[%get3A_516, %get3A_517] {strides = array<i32>} : memref<32x768xf32, #tpu.memory_space<vmem>>, vector<1x16xf32>,
        %get3A_519 = vector.shape_cast %get3A_518 : vector<1x16xf32> to vector<16xf32>
        %add3A_520 = arith.addf %mul3A_515, %get3A_519 : vector<16xf32>
        %swap3A_521 = arith.index_cast %scan3A_121 : i32 to index
        %swap3A_522 = arith.constant 416 : index
        %swap3A_523 = tpu.vector_load %arg10[%swap3A_521, %swap3A_522] {strides = array<i32>} : memref<32x768xf32, #tpu.memory_space<vmem>>, vector<1x16xf32>,
        %swap3A_524 = vector.shape_cast %swap3A_523 : vector<1x16xf32> to vector<16xf32>
        %swap3A_525 = vector.shape_cast %add3A_520 : vector<16xf32> to vector<1x16xf32>
        tpu.vector_store %arg10[%swap3A_521, %swap3A_522], %swap3A_525 {strides = array<i32>} : memref<32x768xf32, #tpu.memory_space<vmem>>, vector<1x16xf32>,
        %get3A_526 = arith.index_cast %scan3A_121 : i32 to index
        %get3A_527 = arith.constant 432 : index
        %get3A_528 = tpu.vector_load %arg10[%get3A_526, %get3A_527] {strides = array<i32>} : memref<32x768xf32, #tpu.memory_space<vmem>>, vector<1x16xf32>,
        %get3A_529 = vector.shape_cast %get3A_528 : vector<1x16xf32> to vector<16xf32>
        %mul3A_530 = arith.mulf %get3A_529, %get3A_4 : vector<16xf32>
        %get3A_531 = arith.index_cast %scan3A_121 : i32 to index
        %get3A_532 = arith.constant 432 : index
        %get3A_533 = tpu.vector_load %arg12[%get3A_531, %get3A_532] {strides = array<i32>} : memref<32x768xf32, #tpu.memory_space<vmem>>, vector<1x16xf32>,
        %get3A_534 = vector.shape_cast %get3A_533 : vector<1x16xf32> to vector<16xf32>
        %add3A_535 = arith.addf %mul3A_530, %get3A_534 : vector<16xf32>
        %swap3A_536 = arith.index_cast %scan3A_121 : i32 to index
        %swap3A_537 = arith.constant 432 : index
        %swap3A_538 = tpu.vector_load %arg10[%swap3A_536, %swap3A_537] {strides = array<i32>} : memref<32x768xf32, #tpu.memory_space<vmem>>, vector<1x16xf32>,
        %swap3A_539 = vector.shape_cast %swap3A_538 : vector<1x16xf32> to vector<16xf32>
        %swap3A_540 = vector.shape_cast %add3A_535 : vector<16xf32> to vector<1x16xf32>
        tpu.vector_store %arg10[%swap3A_536, %swap3A_537], %swap3A_540 {strides = array<i32>} : memref<32x768xf32, #tpu.memory_space<vmem>>, vector<1x16xf32>,
        %get3A_541 = arith.index_cast %scan3A_121 : i32 to index
        %get3A_542 = arith.constant 448 : index
        %get3A_543 = tpu.vector_load %arg10[%get3A_541, %get3A_542] {strides = array<i32>} : memref<32x768xf32, #tpu.memory_space<vmem>>, vector<1x16xf32>,
        %get3A_544 = vector.shape_cast %get3A_543 : vector<1x16xf32> to vector<16xf32>
        %mul3A_545 = arith.mulf %get3A_544, %get3A_4 : vector<16xf32>
        %get3A_546 = arith.index_cast %scan3A_121 : i32 to index
        %get3A_547 = arith.constant 448 : index
        %get3A_548 = tpu.vector_load %arg12[%get3A_546, %get3A_547] {strides = array<i32>} : memref<32x768xf32, #tpu.memory_space<vmem>>, vector<1x16xf32>,
        %get3A_549 = vector.shape_cast %get3A_548 : vector<1x16xf32> to vector<16xf32>
        %add3A_550 = arith.addf %mul3A_545, %get3A_549 : vector<16xf32>
        %swap3A_551 = arith.index_cast %scan3A_121 : i32 to index
        %swap3A_552 = arith.constant 448 : index
        %swap3A_553 = tpu.vector_load %arg10[%swap3A_551, %swap3A_552] {strides = array<i32>} : memref<32x768xf32, #tpu.memory_space<vmem>>, vector<1x16xf32>,
        %swap3A_554 = vector.shape_cast %swap3A_553 : vector<1x16xf32> to vector<16xf32>
        %swap3A_555 = vector.shape_cast %add3A_550 : vector<16xf32> to vector<1x16xf32>
        tpu.vector_store %arg10[%swap3A_551, %swap3A_552], %swap3A_555 {strides = array<i32>} : memref<32x768xf32, #tpu.memory_space<vmem>>, vector<1x16xf32>,
        %get3A_556 = arith.index_cast %scan3A_121 : i32 to index
        %get3A_557 = arith.constant 464 : index
        %get3A_558 = tpu.vector_load %arg10[%get3A_556, %get3A_557] {strides = array<i32>} : memref<32x768xf32, #tpu.memory_space<vmem>>, vector<1x16xf32>,
        %get3A_559 = vector.shape_cast %get3A_558 : vector<1x16xf32> to vector<16xf32>
        %mul3A_560 = arith.mulf %get3A_559, %get3A_4 : vector<16xf32>
        %get3A_561 = arith.index_cast %scan3A_121 : i32 to index
        %get3A_562 = arith.constant 464 : index
        %get3A_563 = tpu.vector_load %arg12[%get3A_561, %get3A_562] {strides = array<i32>} : memref<32x768xf32, #tpu.memory_space<vmem>>, vector<1x16xf32>,
        %get3A_564 = vector.shape_cast %get3A_563 : vector<1x16xf32> to vector<16xf32>
        %add3A_565 = arith.addf %mul3A_560, %get3A_564 : vector<16xf32>
        %swap3A_566 = arith.index_cast %scan3A_121 : i32 to index
        %swap3A_567 = arith.constant 464 : index
        %swap3A_568 = tpu.vector_load %arg10[%swap3A_566, %swap3A_567] {strides = array<i32>} : memref<32x768xf32, #tpu.memory_space<vmem>>, vector<1x16xf32>,
        %swap3A_569 = vector.shape_cast %swap3A_568 : vector<1x16xf32> to vector<16xf32>
        %swap3A_570 = vector.shape_cast %add3A_565 : vector<16xf32> to vector<1x16xf32>
        tpu.vector_store %arg10[%swap3A_566, %swap3A_567], %swap3A_570 {strides = array<i32>} : memref<32x768xf32, #tpu.memory_space<vmem>>, vector<1x16xf32>,
        %get3A_571 = arith.index_cast %scan3A_121 : i32 to index
        %get3A_572 = arith.constant 480 : index
        %get3A_573 = tpu.vector_load %arg10[%get3A_571, %get3A_572] {strides = array<i32>} : memref<32x768xf32, #tpu.memory_space<vmem>>, vector<1x16xf32>,
        %get3A_574 = vector.shape_cast %get3A_573 : vector<1x16xf32> to vector<16xf32>
        %mul3A_575 = arith.mulf %get3A_574, %get3A_4 : vector<16xf32>
        %get3A_576 = arith.index_cast %scan3A_121 : i32 to index
        %get3A_577 = arith.constant 480 : index
        %get3A_578 = tpu.vector_load %arg12[%get3A_576, %get3A_577] {strides = array<i32>} : memref<32x768xf32, #tpu.memory_space<vmem>>, vector<1x16xf32>,
        %get3A_579 = vector.shape_cast %get3A_578 : vector<1x16xf32> to vector<16xf32>
        %add3A_580 = arith.addf %mul3A_575, %get3A_579 : vector<16xf32>
        %swap3A_581 = arith.index_cast %scan3A_121 : i32 to index
        %swap3A_582 = arith.constant 480 : index
        %swap3A_583 = tpu.vector_load %arg10[%swap3A_581, %swap3A_582] {strides = array<i32>} : memref<32x768xf32, #tpu.memory_space<vmem>>, vector<1x16xf32>,
        %swap3A_584 = vector.shape_cast %swap3A_583 : vector<1x16xf32> to vector<16xf32>
        %swap3A_585 = vector.shape_cast %add3A_580 : vector<16xf32> to vector<1x16xf32>
        tpu.vector_store %arg10[%swap3A_581, %swap3A_582], %swap3A_585 {strides = array<i32>} : memref<32x768xf32, #tpu.memory_space<vmem>>, vector<1x16xf32>,
        %get3A_586 = arith.index_cast %scan3A_121 : i32 to index
        %get3A_587 = arith.constant 496 : index
        %get3A_588 = tpu.vector_load %arg10[%get3A_586, %get3A_587] {strides = array<i32>} : memref<32x768xf32, #tpu.memory_space<vmem>>, vector<1x16xf32>,
        %get3A_589 = vector.shape_cast %get3A_588 : vector<1x16xf32> to vector<16xf32>
        %mul3A_590 = arith.mulf %get3A_589, %get3A_4 : vector<16xf32>
        %get3A_591 = arith.index_cast %scan3A_121 : i32 to index
        %get3A_592 = arith.constant 496 : index
        %get3A_593 = tpu.vector_load %arg12[%get3A_591, %get3A_592] {strides = array<i32>} : memref<32x768xf32, #tpu.memory_space<vmem>>, vector<1x16xf32>,
        %get3A_594 = vector.shape_cast %get3A_593 : vector<1x16xf32> to vector<16xf32>
        %add3A_595 = arith.addf %mul3A_590, %get3A_594 : vector<16xf32>
        %swap3A_596 = arith.index_cast %scan3A_121 : i32 to index
        %swap3A_597 = arith.constant 496 : index
        %swap3A_598 = tpu.vector_load %arg10[%swap3A_596, %swap3A_597] {strides = array<i32>} : memref<32x768xf32, #tpu.memory_space<vmem>>, vector<1x16xf32>,
        %swap3A_599 = vector.shape_cast %swap3A_598 : vector<1x16xf32> to vector<16xf32>
        %swap3A_600 = vector.shape_cast %add3A_595 : vector<16xf32> to vector<1x16xf32>
        tpu.vector_store %arg10[%swap3A_596, %swap3A_597], %swap3A_600 {strides = array<i32>} : memref<32x768xf32, #tpu.memory_space<vmem>>, vector<1x16xf32>,
        %get3A_601 = arith.index_cast %scan3A_121 : i32 to index
        %get3A_602 = arith.constant 512 : index
        %get3A_603 = tpu.vector_load %arg10[%get3A_601, %get3A_602] {strides = array<i32>} : memref<32x768xf32, #tpu.memory_space<vmem>>, vector<1x16xf32>,
        %get3A_604 = vector.shape_cast %get3A_603 : vector<1x16xf32> to vector<16xf32>
        %mul3A_605 = arith.mulf %get3A_604, %get3A_4 : vector<16xf32>
        %get3A_606 = arith.index_cast %scan3A_121 : i32 to index
        %get3A_607 = arith.constant 512 : index
        %get3A_608 = tpu.vector_load %arg12[%get3A_606, %get3A_607] {strides = array<i32>} : memref<32x768xf32, #tpu.memory_space<vmem>>, vector<1x16xf32>,
        %get3A_609 = vector.shape_cast %get3A_608 : vector<1x16xf32> to vector<16xf32>
        %add3A_610 = arith.addf %mul3A_605, %get3A_609 : vector<16xf32>
        %swap3A_611 = arith.index_cast %scan3A_121 : i32 to index
        %swap3A_612 = arith.constant 512 : index
        %swap3A_613 = tpu.vector_load %arg10[%swap3A_611, %swap3A_612] {strides = array<i32>} : memref<32x768xf32, #tpu.memory_space<vmem>>, vector<1x16xf32>,
        %swap3A_614 = vector.shape_cast %swap3A_613 : vector<1x16xf32> to vector<16xf32>
        %swap3A_615 = vector.shape_cast %add3A_610 : vector<16xf32> to vector<1x16xf32>
        tpu.vector_store %arg10[%swap3A_611, %swap3A_612], %swap3A_615 {strides = array<i32>} : memref<32x768xf32, #tpu.memory_space<vmem>>, vector<1x16xf32>,
        %get3A_616 = arith.index_cast %scan3A_121 : i32 to index
        %get3A_617 = arith.constant 528 : index
        %get3A_618 = tpu.vector_load %arg10[%get3A_616, %get3A_617] {strides = array<i32>} : memref<32x768xf32, #tpu.memory_space<vmem>>, vector<1x16xf32>,
        %get3A_619 = vector.shape_cast %get3A_618 : vector<1x16xf32> to vector<16xf32>
        %mul3A_620 = arith.mulf %get3A_619, %get3A_4 : vector<16xf32>
        %get3A_621 = arith.index_cast %scan3A_121 : i32 to index
        %get3A_622 = arith.constant 528 : index
        %get3A_623 = tpu.vector_load %arg12[%get3A_621, %get3A_622] {strides = array<i32>} : memref<32x768xf32, #tpu.memory_space<vmem>>, vector<1x16xf32>,
        %get3A_624 = vector.shape_cast %get3A_623 : vector<1x16xf32> to vector<16xf32>
        %add3A_625 = arith.addf %mul3A_620, %get3A_624 : vector<16xf32>
        %swap3A_626 = arith.index_cast %scan3A_121 : i32 to index
        %swap3A_627 = arith.constant 528 : index
        %swap3A_628 = tpu.vector_load %arg10[%swap3A_626, %swap3A_627] {strides = array<i32>} : memref<32x768xf32, #tpu.memory_space<vmem>>, vector<1x16xf32>,
        %swap3A_629 = vector.shape_cast %swap3A_628 : vector<1x16xf32> to vector<16xf32>
        %swap3A_630 = vector.shape_cast %add3A_625 : vector<16xf32> to vector<1x16xf32>
        tpu.vector_store %arg10[%swap3A_626, %swap3A_627], %swap3A_630 {strides = array<i32>} : memref<32x768xf32, #tpu.memory_space<vmem>>, vector<1x16xf32>,
        %get3A_631 = arith.index_cast %scan3A_121 : i32 to index
        %get3A_632 = arith.constant 544 : index
        %get3A_633 = tpu.vector_load %arg10[%get3A_631, %get3A_632] {strides = array<i32>} : memref<32x768xf32, #tpu.memory_space<vmem>>, vector<1x16xf32>,
        %get3A_634 = vector.shape_cast %get3A_633 : vector<1x16xf32> to vector<16xf32>
        %mul3A_635 = arith.mulf %get3A_634, %get3A_4 : vector<16xf32>
        %get3A_636 = arith.index_cast %scan3A_121 : i32 to index
        %get3A_637 = arith.constant 544 : index
        %get3A_638 = tpu.vector_load %arg12[%get3A_636, %get3A_637] {strides = array<i32>} : memref<32x768xf32, #tpu.memory_space<vmem>>, vector<1x16xf32>,
        %get3A_639 = vector.shape_cast %get3A_638 : vector<1x16xf32> to vector<16xf32>
        %add3A_640 = arith.addf %mul3A_635, %get3A_639 : vector<16xf32>
        %swap3A_641 = arith.index_cast %scan3A_121 : i32 to index
        %swap3A_642 = arith.constant 544 : index
        %swap3A_643 = tpu.vector_load %arg10[%swap3A_641, %swap3A_642] {strides = array<i32>} : memref<32x768xf32, #tpu.memory_space<vmem>>, vector<1x16xf32>,
        %swap3A_644 = vector.shape_cast %swap3A_643 : vector<1x16xf32> to vector<16xf32>
        %swap3A_645 = vector.shape_cast %add3A_640 : vector<16xf32> to vector<1x16xf32>
        tpu.vector_store %arg10[%swap3A_641, %swap3A_642], %swap3A_645 {strides = array<i32>} : memref<32x768xf32, #tpu.memory_space<vmem>>, vector<1x16xf32>,
        %get3A_646 = arith.index_cast %scan3A_121 : i32 to index
        %get3A_647 = arith.constant 560 : index
        %get3A_648 = tpu.vector_load %arg10[%get3A_646, %get3A_647] {strides = array<i32>} : memref<32x768xf32, #tpu.memory_space<vmem>>, vector<1x16xf32>,
        %get3A_649 = vector.shape_cast %get3A_648 : vector<1x16xf32> to vector<16xf32>
        %mul3A_650 = arith.mulf %get3A_649, %get3A_4 : vector<16xf32>
        %get3A_651 = arith.index_cast %scan3A_121 : i32 to index
        %get3A_652 = arith.constant 560 : index
        %get3A_653 = tpu.vector_load %arg12[%get3A_651, %get3A_652] {strides = array<i32>} : memref<32x768xf32, #tpu.memory_space<vmem>>, vector<1x16xf32>,
        %get3A_654 = vector.shape_cast %get3A_653 : vector<1x16xf32> to vector<16xf32>
        %add3A_655 = arith.addf %mul3A_650, %get3A_654 : vector<16xf32>
        %swap3A_656 = arith.index_cast %scan3A_121 : i32 to index
        %swap3A_657 = arith.constant 560 : index
        %swap3A_658 = tpu.vector_load %arg10[%swap3A_656, %swap3A_657] {strides = array<i32>} : memref<32x768xf32, #tpu.memory_space<vmem>>, vector<1x16xf32>,
        %swap3A_659 = vector.shape_cast %swap3A_658 : vector<1x16xf32> to vector<16xf32>
        %swap3A_660 = vector.shape_cast %add3A_655 : vector<16xf32> to vector<1x16xf32>
        tpu.vector_store %arg10[%swap3A_656, %swap3A_657], %swap3A_660 {strides = array<i32>} : memref<32x768xf32, #tpu.memory_space<vmem>>, vector<1x16xf32>,
        %get3A_661 = arith.index_cast %scan3A_121 : i32 to index
        %get3A_662 = arith.constant 576 : index
        %get3A_663 = tpu.vector_load %arg10[%get3A_661, %get3A_662] {strides = array<i32>} : memref<32x768xf32, #tpu.memory_space<vmem>>, vector<1x16xf32>,
        %get3A_664 = vector.shape_cast %get3A_663 : vector<1x16xf32> to vector<16xf32>
        %mul3A_665 = arith.mulf %get3A_664, %get3A_4 : vector<16xf32>
        %get3A_666 = arith.index_cast %scan3A_121 : i32 to index
        %get3A_667 = arith.constant 576 : index
        %get3A_668 = tpu.vector_load %arg12[%get3A_666, %get3A_667] {strides = array<i32>} : memref<32x768xf32, #tpu.memory_space<vmem>>, vector<1x16xf32>,
        %get3A_669 = vector.shape_cast %get3A_668 : vector<1x16xf32> to vector<16xf32>
        %add3A_670 = arith.addf %mul3A_665, %get3A_669 : vector<16xf32>
        %swap3A_671 = arith.index_cast %scan3A_121 : i32 to index
        %swap3A_672 = arith.constant 576 : index
        %swap3A_673 = tpu.vector_load %arg10[%swap3A_671, %swap3A_672] {strides = array<i32>} : memref<32x768xf32, #tpu.memory_space<vmem>>, vector<1x16xf32>,
        %swap3A_674 = vector.shape_cast %swap3A_673 : vector<1x16xf32> to vector<16xf32>
        %swap3A_675 = vector.shape_cast %add3A_670 : vector<16xf32> to vector<1x16xf32>
        tpu.vector_store %arg10[%swap3A_671, %swap3A_672], %swap3A_675 {strides = array<i32>} : memref<32x768xf32, #tpu.memory_space<vmem>>, vector<1x16xf32>,
        %get3A_676 = arith.index_cast %scan3A_121 : i32 to index
        %get3A_677 = arith.constant 592 : index
        %get3A_678 = tpu.vector_load %arg10[%get3A_676, %get3A_677] {strides = array<i32>} : memref<32x768xf32, #tpu.memory_space<vmem>>, vector<1x16xf32>,
        %get3A_679 = vector.shape_cast %get3A_678 : vector<1x16xf32> to vector<16xf32>
        %mul3A_680 = arith.mulf %get3A_679, %get3A_4 : vector<16xf32>
        %get3A_681 = arith.index_cast %scan3A_121 : i32 to index
        %get3A_682 = arith.constant 592 : index
        %get3A_683 = tpu.vector_load %arg12[%get3A_681, %get3A_682] {strides = array<i32>} : memref<32x768xf32, #tpu.memory_space<vmem>>, vector<1x16xf32>,
        %get3A_684 = vector.shape_cast %get3A_683 : vector<1x16xf32> to vector<16xf32>
        %add3A_685 = arith.addf %mul3A_680, %get3A_684 : vector<16xf32>
        %swap3A_686 = arith.index_cast %scan3A_121 : i32 to index
        %swap3A_687 = arith.constant 592 : index
        %swap3A_688 = tpu.vector_load %arg10[%swap3A_686, %swap3A_687] {strides = array<i32>} : memref<32x768xf32, #tpu.memory_space<vmem>>, vector<1x16xf32>,
        %swap3A_689 = vector.shape_cast %swap3A_688 : vector<1x16xf32> to vector<16xf32>
        %swap3A_690 = vector.shape_cast %add3A_685 : vector<16xf32> to vector<1x16xf32>
        tpu.vector_store %arg10[%swap3A_686, %swap3A_687], %swap3A_690 {strides = array<i32>} : memref<32x768xf32, #tpu.memory_space<vmem>>, vector<1x16xf32>,
        %get3A_691 = arith.index_cast %scan3A_121 : i32 to index
        %get3A_692 = arith.constant 608 : index
        %get3A_693 = tpu.vector_load %arg10[%get3A_691, %get3A_692] {strides = array<i32>} : memref<32x768xf32, #tpu.memory_space<vmem>>, vector<1x16xf32>,
        %get3A_694 = vector.shape_cast %get3A_693 : vector<1x16xf32> to vector<16xf32>
        %mul3A_695 = arith.mulf %get3A_694, %get3A_4 : vector<16xf32>
        %get3A_696 = arith.index_cast %scan3A_121 : i32 to index
        %get3A_697 = arith.constant 608 : index
        %get3A_698 = tpu.vector_load %arg12[%get3A_696, %get3A_697] {strides = array<i32>} : memref<32x768xf32, #tpu.memory_space<vmem>>, vector<1x16xf32>,
        %get3A_699 = vector.shape_cast %get3A_698 : vector<1x16xf32> to vector<16xf32>
        %add3A_700 = arith.addf %mul3A_695, %get3A_699 : vector<16xf32>
        %swap3A_701 = arith.index_cast %scan3A_121 : i32 to index
        %swap3A_702 = arith.constant 608 : index
        %swap3A_703 = tpu.vector_load %arg10[%swap3A_701, %swap3A_702] {strides = array<i32>} : memref<32x768xf32, #tpu.memory_space<vmem>>, vector<1x16xf32>,
        %swap3A_704 = vector.shape_cast %swap3A_703 : vector<1x16xf32> to vector<16xf32>
        %swap3A_705 = vector.shape_cast %add3A_700 : vector<16xf32> to vector<1x16xf32>
        tpu.vector_store %arg10[%swap3A_701, %swap3A_702], %swap3A_705 {strides = array<i32>} : memref<32x768xf32, #tpu.memory_space<vmem>>, vector<1x16xf32>,
        %get3A_706 = arith.index_cast %scan3A_121 : i32 to index
        %get3A_707 = arith.constant 624 : index
        %get3A_708 = tpu.vector_load %arg10[%get3A_706, %get3A_707] {strides = array<i32>} : memref<32x768xf32, #tpu.memory_space<vmem>>, vector<1x16xf32>,
        %get3A_709 = vector.shape_cast %get3A_708 : vector<1x16xf32> to vector<16xf32>
        %mul3A_710 = arith.mulf %get3A_709, %get3A_4 : vector<16xf32>
        %get3A_711 = arith.index_cast %scan3A_121 : i32 to index
        %get3A_712 = arith.constant 624 : index
        %get3A_713 = tpu.vector_load %arg12[%get3A_711, %get3A_712] {strides = array<i32>} : memref<32x768xf32, #tpu.memory_space<vmem>>, vector<1x16xf32>,
        %get3A_714 = vector.shape_cast %get3A_713 : vector<1x16xf32> to vector<16xf32>
        %add3A_715 = arith.addf %mul3A_710, %get3A_714 : vector<16xf32>
        %swap3A_716 = arith.index_cast %scan3A_121 : i32 to index
        %swap3A_717 = arith.constant 624 : index
        %swap3A_718 = tpu.vector_load %arg10[%swap3A_716, %swap3A_717] {strides = array<i32>} : memref<32x768xf32, #tpu.memory_space<vmem>>, vector<1x16xf32>,
        %swap3A_719 = vector.shape_cast %swap3A_718 : vector<1x16xf32> to vector<16xf32>
        %swap3A_720 = vector.shape_cast %add3A_715 : vector<16xf32> to vector<1x16xf32>
        tpu.vector_store %arg10[%swap3A_716, %swap3A_717], %swap3A_720 {strides = array<i32>} : memref<32x768xf32, #tpu.memory_space<vmem>>, vector<1x16xf32>,
        %get3A_721 = arith.index_cast %scan3A_121 : i32 to index
        %get3A_722 = arith.constant 640 : index
        %get3A_723 = tpu.vector_load %arg10[%get3A_721, %get3A_722] {strides = array<i32>} : memref<32x768xf32, #tpu.memory_space<vmem>>, vector<1x16xf32>,
        %get3A_724 = vector.shape_cast %get3A_723 : vector<1x16xf32> to vector<16xf32>
        %mul3A_725 = arith.mulf %get3A_724, %get3A_4 : vector<16xf32>
        %get3A_726 = arith.index_cast %scan3A_121 : i32 to index
        %get3A_727 = arith.constant 640 : index
        %get3A_728 = tpu.vector_load %arg12[%get3A_726, %get3A_727] {strides = array<i32>} : memref<32x768xf32, #tpu.memory_space<vmem>>, vector<1x16xf32>,
        %get3A_729 = vector.shape_cast %get3A_728 : vector<1x16xf32> to vector<16xf32>
        %add3A_730 = arith.addf %mul3A_725, %get3A_729 : vector<16xf32>
        %swap3A_731 = arith.index_cast %scan3A_121 : i32 to index
        %swap3A_732 = arith.constant 640 : index
        %swap3A_733 = tpu.vector_load %arg10[%swap3A_731, %swap3A_732] {strides = array<i32>} : memref<32x768xf32, #tpu.memory_space<vmem>>, vector<1x16xf32>,
        %swap3A_734 = vector.shape_cast %swap3A_733 : vector<1x16xf32> to vector<16xf32>
        %swap3A_735 = vector.shape_cast %add3A_730 : vector<16xf32> to vector<1x16xf32>
        tpu.vector_store %arg10[%swap3A_731, %swap3A_732], %swap3A_735 {strides = array<i32>} : memref<32x768xf32, #tpu.memory_space<vmem>>, vector<1x16xf32>,
        %get3A_736 = arith.index_cast %scan3A_121 : i32 to index
        %get3A_737 = arith.constant 656 : index
        %get3A_738 = tpu.vector_load %arg10[%get3A_736, %get3A_737] {strides = array<i32>} : memref<32x768xf32, #tpu.memory_space<vmem>>, vector<1x16xf32>,
        %get3A_739 = vector.shape_cast %get3A_738 : vector<1x16xf32> to vector<16xf32>
        %mul3A_740 = arith.mulf %get3A_739, %get3A_4 : vector<16xf32>
        %get3A_741 = arith.index_cast %scan3A_121 : i32 to index
        %get3A_742 = arith.constant 656 : index
        %get3A_743 = tpu.vector_load %arg12[%get3A_741, %get3A_742] {strides = array<i32>} : memref<32x768xf32, #tpu.memory_space<vmem>>, vector<1x16xf32>,
        %get3A_744 = vector.shape_cast %get3A_743 : vector<1x16xf32> to vector<16xf32>
        %add3A_745 = arith.addf %mul3A_740, %get3A_744 : vector<16xf32>
        %swap3A_746 = arith.index_cast %scan3A_121 : i32 to index
        %swap3A_747 = arith.constant 656 : index
        %swap3A_748 = tpu.vector_load %arg10[%swap3A_746, %swap3A_747] {strides = array<i32>} : memref<32x768xf32, #tpu.memory_space<vmem>>, vector<1x16xf32>,
        %swap3A_749 = vector.shape_cast %swap3A_748 : vector<1x16xf32> to vector<16xf32>
        %swap3A_750 = vector.shape_cast %add3A_745 : vector<16xf32> to vector<1x16xf32>
        tpu.vector_store %arg10[%swap3A_746, %swap3A_747], %swap3A_750 {strides = array<i32>} : memref<32x768xf32, #tpu.memory_space<vmem>>, vector<1x16xf32>,
        %get3A_751 = arith.index_cast %scan3A_121 : i32 to index
        %get3A_752 = arith.constant 672 : index
        %get3A_753 = tpu.vector_load %arg10[%get3A_751, %get3A_752] {strides = array<i32>} : memref<32x768xf32, #tpu.memory_space<vmem>>, vector<1x16xf32>,
        %get3A_754 = vector.shape_cast %get3A_753 : vector<1x16xf32> to vector<16xf32>
        %mul3A_755 = arith.mulf %get3A_754, %get3A_4 : vector<16xf32>
        %get3A_756 = arith.index_cast %scan3A_121 : i32 to index
        %get3A_757 = arith.constant 672 : index
        %get3A_758 = tpu.vector_load %arg12[%get3A_756, %get3A_757] {strides = array<i32>} : memref<32x768xf32, #tpu.memory_space<vmem>>, vector<1x16xf32>,
        %get3A_759 = vector.shape_cast %get3A_758 : vector<1x16xf32> to vector<16xf32>
        %add3A_760 = arith.addf %mul3A_755, %get3A_759 : vector<16xf32>
        %swap3A_761 = arith.index_cast %scan3A_121 : i32 to index
        %swap3A_762 = arith.constant 672 : index
        %swap3A_763 = tpu.vector_load %arg10[%swap3A_761, %swap3A_762] {strides = array<i32>} : memref<32x768xf32, #tpu.memory_space<vmem>>, vector<1x16xf32>,
        %swap3A_764 = vector.shape_cast %swap3A_763 : vector<1x16xf32> to vector<16xf32>
        %swap3A_765 = vector.shape_cast %add3A_760 : vector<16xf32> to vector<1x16xf32>
        tpu.vector_store %arg10[%swap3A_761, %swap3A_762], %swap3A_765 {strides = array<i32>} : memref<32x768xf32, #tpu.memory_space<vmem>>, vector<1x16xf32>,
        %get3A_766 = arith.index_cast %scan3A_121 : i32 to index
        %get3A_767 = arith.constant 688 : index
        %get3A_768 = tpu.vector_load %arg10[%get3A_766, %get3A_767] {strides = array<i32>} : memref<32x768xf32, #tpu.memory_space<vmem>>, vector<1x16xf32>,
        %get3A_769 = vector.shape_cast %get3A_768 : vector<1x16xf32> to vector<16xf32>
        %mul3A_770 = arith.mulf %get3A_769, %get3A_4 : vector<16xf32>
        %get3A_771 = arith.index_cast %scan3A_121 : i32 to index
        %get3A_772 = arith.constant 688 : index
        %get3A_773 = tpu.vector_load %arg12[%get3A_771, %get3A_772] {strides = array<i32>} : memref<32x768xf32, #tpu.memory_space<vmem>>, vector<1x16xf32>,
        %get3A_774 = vector.shape_cast %get3A_773 : vector<1x16xf32> to vector<16xf32>
        %add3A_775 = arith.addf %mul3A_770, %get3A_774 : vector<16xf32>
        %swap3A_776 = arith.index_cast %scan3A_121 : i32 to index
        %swap3A_777 = arith.constant 688 : index
        %swap3A_778 = tpu.vector_load %arg10[%swap3A_776, %swap3A_777] {strides = array<i32>} : memref<32x768xf32, #tpu.memory_space<vmem>>, vector<1x16xf32>,
        %swap3A_779 = vector.shape_cast %swap3A_778 : vector<1x16xf32> to vector<16xf32>
        %swap3A_780 = vector.shape_cast %add3A_775 : vector<16xf32> to vector<1x16xf32>
        tpu.vector_store %arg10[%swap3A_776, %swap3A_777], %swap3A_780 {strides = array<i32>} : memref<32x768xf32, #tpu.memory_space<vmem>>, vector<1x16xf32>,
        %get3A_781 = arith.index_cast %scan3A_121 : i32 to index
        %get3A_782 = arith.constant 704 : index
        %get3A_783 = tpu.vector_load %arg10[%get3A_781, %get3A_782] {strides = array<i32>} : memref<32x768xf32, #tpu.memory_space<vmem>>, vector<1x16xf32>,
        %get3A_784 = vector.shape_cast %get3A_783 : vector<1x16xf32> to vector<16xf32>
        %mul3A_785 = arith.mulf %get3A_784, %get3A_4 : vector<16xf32>
        %get3A_786 = arith.index_cast %scan3A_121 : i32 to index
        %get3A_787 = arith.constant 704 : index
        %get3A_788 = tpu.vector_load %arg12[%get3A_786, %get3A_787] {strides = array<i32>} : memref<32x768xf32, #tpu.memory_space<vmem>>, vector<1x16xf32>,
        %get3A_789 = vector.shape_cast %get3A_788 : vector<1x16xf32> to vector<16xf32>
        %add3A_790 = arith.addf %mul3A_785, %get3A_789 : vector<16xf32>
        %swap3A_791 = arith.index_cast %scan3A_121 : i32 to index
        %swap3A_792 = arith.constant 704 : index
        %swap3A_793 = tpu.vector_load %arg10[%swap3A_791, %swap3A_792] {strides = array<i32>} : memref<32x768xf32, #tpu.memory_space<vmem>>, vector<1x16xf32>,
        %swap3A_794 = vector.shape_cast %swap3A_793 : vector<1x16xf32> to vector<16xf32>
        %swap3A_795 = vector.shape_cast %add3A_790 : vector<16xf32> to vector<1x16xf32>
        tpu.vector_store %arg10[%swap3A_791, %swap3A_792], %swap3A_795 {strides = array<i32>} : memref<32x768xf32, #tpu.memory_space<vmem>>, vector<1x16xf32>,
        %get3A_796 = arith.index_cast %scan3A_121 : i32 to index
        %get3A_797 = arith.constant 720 : index
        %get3A_798 = tpu.vector_load %arg10[%get3A_796, %get3A_797] {strides = array<i32>} : memref<32x768xf32, #tpu.memory_space<vmem>>, vector<1x16xf32>,
        %get3A_799 = vector.shape_cast %get3A_798 : vector<1x16xf32> to vector<16xf32>
        %mul3A_800 = arith.mulf %get3A_799, %get3A_4 : vector<16xf32>
        %get3A_801 = arith.index_cast %scan3A_121 : i32 to index
        %get3A_802 = arith.constant 720 : index
        %get3A_803 = tpu.vector_load %arg12[%get3A_801, %get3A_802] {strides = array<i32>} : memref<32x768xf32, #tpu.memory_space<vmem>>, vector<1x16xf32>,
        %get3A_804 = vector.shape_cast %get3A_803 : vector<1x16xf32> to vector<16xf32>
        %add3A_805 = arith.addf %mul3A_800, %get3A_804 : vector<16xf32>
        %swap3A_806 = arith.index_cast %scan3A_121 : i32 to index
        %swap3A_807 = arith.constant 720 : index
        %swap3A_808 = tpu.vector_load %arg10[%swap3A_806, %swap3A_807] {strides = array<i32>} : memref<32x768xf32, #tpu.memory_space<vmem>>, vector<1x16xf32>,
        %swap3A_809 = vector.shape_cast %swap3A_808 : vector<1x16xf32> to vector<16xf32>
        %swap3A_810 = vector.shape_cast %add3A_805 : vector<16xf32> to vector<1x16xf32>
        tpu.vector_store %arg10[%swap3A_806, %swap3A_807], %swap3A_810 {strides = array<i32>} : memref<32x768xf32, #tpu.memory_space<vmem>>, vector<1x16xf32>,
        %get3A_811 = arith.index_cast %scan3A_121 : i32 to index
        %get3A_812 = arith.constant 736 : index
        %get3A_813 = tpu.vector_load %arg10[%get3A_811, %get3A_812] {strides = array<i32>} : memref<32x768xf32, #tpu.memory_space<vmem>>, vector<1x16xf32>,
        %get3A_814 = vector.shape_cast %get3A_813 : vector<1x16xf32> to vector<16xf32>
        %mul3A_815 = arith.mulf %get3A_814, %get3A_4 : vector<16xf32>
        %get3A_816 = arith.index_cast %scan3A_121 : i32 to index
        %get3A_817 = arith.constant 736 : index
        %get3A_818 = tpu.vector_load %arg12[%get3A_816, %get3A_817] {strides = array<i32>} : memref<32x768xf32, #tpu.memory_space<vmem>>, vector<1x16xf32>,
        %get3A_819 = vector.shape_cast %get3A_818 : vector<1x16xf32> to vector<16xf32>
        %add3A_820 = arith.addf %mul3A_815, %get3A_819 : vector<16xf32>
        %swap3A_821 = arith.index_cast %scan3A_121 : i32 to index
        %swap3A_822 = arith.constant 736 : index
        %swap3A_823 = tpu.vector_load %arg10[%swap3A_821, %swap3A_822] {strides = array<i32>} : memref<32x768xf32, #tpu.memory_space<vmem>>, vector<1x16xf32>,
        %swap3A_824 = vector.shape_cast %swap3A_823 : vector<1x16xf32> to vector<16xf32>
        %swap3A_825 = vector.shape_cast %add3A_820 : vector<16xf32> to vector<1x16xf32>
        tpu.vector_store %arg10[%swap3A_821, %swap3A_822], %swap3A_825 {strides = array<i32>} : memref<32x768xf32, #tpu.memory_space<vmem>>, vector<1x16xf32>,
        %get3A_826 = arith.index_cast %scan3A_121 : i32 to index
        %get3A_827 = arith.constant 752 : index
        %get3A_828 = tpu.vector_load %arg10[%get3A_826, %get3A_827] {strides = array<i32>} : memref<32x768xf32, #tpu.memory_space<vmem>>, vector<1x16xf32>,
        %get3A_829 = vector.shape_cast %get3A_828 : vector<1x16xf32> to vector<16xf32>
        %mul3A_830 = arith.mulf %get3A_829, %get3A_4 : vector<16xf32>
        %get3A_831 = arith.index_cast %scan3A_121 : i32 to index
        %get3A_832 = arith.constant 752 : index
        %get3A_833 = tpu.vector_load %arg12[%get3A_831, %get3A_832] {strides = array<i32>} : memref<32x768xf32, #tpu.memory_space<vmem>>, vector<1x16xf32>,
        %get3A_834 = vector.shape_cast %get3A_833 : vector<1x16xf32> to vector<16xf32>
        %add3A_835 = arith.addf %mul3A_830, %get3A_834 : vector<16xf32>
        %swap3A_836 = arith.index_cast %scan3A_121 : i32 to index
        %swap3A_837 = arith.constant 752 : index
        %swap3A_838 = tpu.vector_load %arg10[%swap3A_836, %swap3A_837] {strides = array<i32>} : memref<32x768xf32, #tpu.memory_space<vmem>>, vector<1x16xf32>,
        %swap3A_839 = vector.shape_cast %swap3A_838 : vector<1x16xf32> to vector<16xf32>
        %swap3A_840 = vector.shape_cast %add3A_835 : vector<16xf32> to vector<1x16xf32>
        tpu.vector_store %arg10[%swap3A_836, %swap3A_837], %swap3A_840 {strides = array<i32>} : memref<32x768xf32, #tpu.memory_space<vmem>>, vector<1x16xf32>,
      }
      %scan3A_66 = arith.constant 32 : i32
      %mul3A_67 = arith.constant 32 : i32
      %mul3A_68 = arith.muli %add3A_37, %mul3A_67 : i32
      %add3A_69 = arith.addi %mul3A_2, %mul3A_68 : i32
      %multiple_of3A_70 = tpu.assume_multiple %add3A_69, 32 : i32
      %dma_start3A_71 = arith.constant 0 : i32
      %dma_start3A_72 = tpu.memref_slice %arg7[%multiple_of3A_70, %dma_start3A_71] : memref<32768x768xf32, #tpu.memory_space<hbm>> -> memref<32x768xf32, #tpu.memory_space<hbm>>
      %dma_start3A_73 = arith.constant 0 : i32
      %dma_start3A_74 = tpu.memref_slice %arg7[%multiple_of3A_70, %dma_start3A_73] : memref<32768x768xf32, #tpu.memory_space<hbm>> -> memref<32x768xf32, #tpu.memory_space<hbm>>
      tpu.enqueue_dma source(%arg10 : memref<32x768xf32, #tpu.memory_space<vmem>>) target(%dma_start3A_74 : memref<32x768xf32, #tpu.memory_space<hbm>>) target_semaphore(%arg17 : memref<!tpu.dma_semaphore, #tpu.memory_space<semaphore_mem>>)
      %mul3A_75 = arith.constant 2 : i32
      %mul3A_76 = arith.muli %scan3A_33, %mul3A_75 : i32
      %add3A_77 = arith.constant 1 : i32
      %add3A_78 = arith.addi %mul3A_76, %add3A_77 : i32
      %mul3A_79 = arith.constant 32 : i32
      %mul3A_80 = arith.muli %add3A_78, %mul3A_79 : i32
      %multiple_of3A_81 = tpu.assume_multiple %mul3A_80, 32 : i32
      %dma_wait3A_82 = tpu.memref_slice %arg8[%multiple_of3A_81] : memref<1024xi32, #tpu.memory_space<vmem>> -> memref<32xi32, #tpu.memory_space<vmem>>
      %dma_wait3A_83 = arith.constant 0 : i32
      %dma_wait3A_84 = arith.constant 0 : i32
      %dma_wait3A_85 = tpu.memref_slice %arg6[%dma_wait3A_83, %dma_wait3A_84] : memref<100000x768xf32, #tpu.memory_space<hbm>> -> memref<100000x768xf32, #tpu.memory_space<hbm>>
      tpu.wait_indirect_dma semaphore(%arg16 : memref<!tpu.dma_semaphore, #tpu.memory_space<semaphore_mem>>) src(%dma_wait3A_85 : memref<100000x768xf32, #tpu.memory_space<hbm>>) dst(%arg11 : memref<32x768xf32, #tpu.memory_space<vmem>>)
      %dma_wait3A_86 = tpu.memref_slice %arg9[%multiple_of3A_81] : memref<1024xi32, #tpu.memory_space<vmem>> -> memref<32xi32, #tpu.memory_space<vmem>>
      %dma_wait3A_87 = arith.constant 0 : i32
      %dma_wait3A_88 = arith.constant 0 : i32
      %dma_wait3A_89 = tpu.memref_slice %arg4[%dma_wait3A_87, %dma_wait3A_88] : memref<16384x768xf32, #tpu.memory_space<hbm>> -> memref<16384x768xf32, #tpu.memory_space<hbm>>
      tpu.wait_indirect_dma semaphore(%arg16 : memref<!tpu.dma_semaphore, #tpu.memory_space<semaphore_mem>>) src(%dma_wait3A_89 : memref<16384x768xf32, #tpu.memory_space<hbm>>) dst(%arg13 : memref<32x768xf32, #tpu.memory_space<vmem>>)
      %ge3A_90 = arith.constant 1 : i32
      %ge3A_91 = arith.cmpi sge, %add3A_78, %ge3A_90 : i32
      %add3A_92 = arith.constant 1 : i32
      %add3A_93 = arith.addi %add3A_78, %add3A_92 : i32
      %lt3A_94 = arith.constant 32 : i32
      %lt3A_95 = arith.cmpi slt, %add3A_93, %lt3A_94 : i32
      %and3A_96 = arith.andi %ge3A_91, %lt3A_95 : i1
      %convert_element_type3A_97 = arith.extui %and3A_96 : i1 to i32
      %cond3A_98 = arith.constant 0 : i32
      %cond3A_99 = arith.cmpi ne, %convert_element_type3A_97, %cond3A_98 : i32
      scf.if %cond3A_99 {
        %sub3A = arith.constant 1 : i32
        %sub3A_121 = arith.subi %add3A_78, %sub3A : i32
        %mul3A_122 = arith.constant 32 : i32
        %mul3A_123 = arith.muli %sub3A_121, %mul3A_122 : i32
        %add3A_124 = arith.addi %mul3A_2, %mul3A_123 : i32
        %multiple_of3A_125 = tpu.assume_multiple %add3A_124, 32 : i32
        %dma_wait3A_126 = arith.constant 0 : i32
        %dma_wait3A_127 = tpu.memref_slice %arg7[%multiple_of3A_125, %dma_wait3A_126] : memref<32768x768xf32, #tpu.memory_space<hbm>> -> memref<32x768xf32, #tpu.memory_space<hbm>>
        %dma_wait3A_128 = arith.constant 0 : i32
        %dma_wait3A_129 = tpu.memref_slice %arg7[%multiple_of3A_125, %dma_wait3A_128] : memref<32768x768xf32, #tpu.memory_space<hbm>> -> memref<32x768xf32, #tpu.memory_space<hbm>>
        tpu.wait_dma2 semaphore(%arg17 : memref<!tpu.dma_semaphore, #tpu.memory_space<semaphore_mem>>) src(%arg10 : memref<32x768xf32, #tpu.memory_space<vmem>>) dst(%dma_wait3A_129 : memref<32x768xf32, #tpu.memory_space<hbm>>)
      } else {
      }
      %add3A_100 = arith.constant 1 : i32
      %add3A_101 = arith.addi %add3A_78, %add3A_100 : i32
      %lt3A_102 = arith.constant 32 : i32
      %lt3A_103 = arith.cmpi slt, %add3A_101, %lt3A_102 : i32
      %convert_element_type3A_104 = arith.extui %lt3A_103 : i1 to i32
      %cond3A_105 = arith.constant 0 : i32
      %cond3A_106 = arith.cmpi ne, %convert_element_type3A_104, %cond3A_105 : i32
      scf.if %cond3A_106 {
        %add3A_121 = arith.constant 1 : i32
        %add3A_122 = arith.addi %add3A_78, %add3A_121 : i32
        %mul3A_123 = arith.constant 32 : i32
        %mul3A_124 = arith.muli %add3A_122, %mul3A_123 : i32
        %multiple_of3A_125 = tpu.assume_multiple %mul3A_124, 32 : i32
        %dma_start3A_126 = tpu.memref_slice %arg8[%multiple_of3A_125] : memref<1024xi32, #tpu.memory_space<vmem>> -> memref<32xi32, #tpu.memory_space<vmem>>
        %dma_start3A_127 = arith.constant 0 : i32
        %dma_start3A_128 = arith.constant 0 : i32
        %dma_start3A_129 = tpu.memref_slice %arg6[%dma_start3A_127, %dma_start3A_128] : memref<100000x768xf32, #tpu.memory_space<hbm>> -> memref<100000x768xf32, #tpu.memory_space<hbm>>
        tpu.enqueue_indirect_dma source(%dma_start3A_129 : memref<100000x768xf32, #tpu.memory_space<hbm>>) target(%arg10 : memref<32x768xf32, #tpu.memory_space<vmem>>) offsets(%dma_start3A_126 : memref<32xi32, #tpu.memory_space<vmem>>) semaphore(%arg15 : memref<!tpu.dma_semaphore, #tpu.memory_space<semaphore_mem>>)
        %dma_start3A_130 = tpu.memref_slice %arg9[%multiple_of3A_125] : memref<1024xi32, #tpu.memory_space<vmem>> -> memref<32xi32, #tpu.memory_space<vmem>>
        %dma_start3A_131 = arith.constant 0 : i32
        %dma_start3A_132 = arith.constant 0 : i32
        %dma_start3A_133 = tpu.memref_slice %arg4[%dma_start3A_131, %dma_start3A_132] : memref<16384x768xf32, #tpu.memory_space<hbm>> -> memref<16384x768xf32, #tpu.memory_space<hbm>>
        tpu.enqueue_indirect_dma source(%dma_start3A_133 : memref<16384x768xf32, #tpu.memory_space<hbm>>) target(%arg12 : memref<32x768xf32, #tpu.memory_space<vmem>>) offsets(%dma_start3A_130 : memref<32xi32, #tpu.memory_space<vmem>>) semaphore(%arg15 : memref<!tpu.dma_semaphore, #tpu.memory_space<semaphore_mem>>)
      } else {
      }
      %scan3A_107 = arith.constant 0 : i32
      %scan3A_108 = arith.constant 0 : i32
      %scan3A_109 = arith.constant 32 : i32
      %scan3A_110 = arith.addi %scan3A_108, %scan3A_109 : i32
      %scan3A_111 = arith.constant 1 : i32
      scf.for %scan3A_121 = %scan3A_108 to %scan3A_110 step %scan3A_111  : i32 {
        %get3A_122 = arith.index_cast %scan3A_121 : i32 to index
        %get3A_123 = arith.constant 0 : index
        %get3A_124 = tpu.vector_load %arg11[%get3A_122, %get3A_123] {strides = array<i32>} : memref<32x768xf32, #tpu.memory_space<vmem>>, vector<1x16xf32>,
        %get3A_125 = vector.shape_cast %get3A_124 : vector<1x16xf32> to vector<16xf32>
        %mul3A_126 = arith.mulf %get3A_125, %get3A_4 : vector<16xf32>
        %get3A_127 = arith.index_cast %scan3A_121 : i32 to index
        %get3A_128 = arith.constant 0 : index
        %get3A_129 = tpu.vector_load %arg13[%get3A_127, %get3A_128] {strides = array<i32>} : memref<32x768xf32, #tpu.memory_space<vmem>>, vector<1x16xf32>,
        %get3A_130 = vector.shape_cast %get3A_129 : vector<1x16xf32> to vector<16xf32>
        %add3A_131 = arith.addf %mul3A_126, %get3A_130 : vector<16xf32>
        %swap3A = arith.index_cast %scan3A_121 : i32 to index
        %swap3A_132 = arith.constant 0 : index
        %swap3A_133 = tpu.vector_load %arg11[%swap3A, %swap3A_132] {strides = array<i32>} : memref<32x768xf32, #tpu.memory_space<vmem>>, vector<1x16xf32>,
        %swap3A_134 = vector.shape_cast %swap3A_133 : vector<1x16xf32> to vector<16xf32>
        %swap3A_135 = vector.shape_cast %add3A_131 : vector<16xf32> to vector<1x16xf32>
        tpu.vector_store %arg11[%swap3A, %swap3A_132], %swap3A_135 {strides = array<i32>} : memref<32x768xf32, #tpu.memory_space<vmem>>, vector<1x16xf32>,
        %get3A_136 = arith.index_cast %scan3A_121 : i32 to index
        %get3A_137 = arith.constant 16 : index
        %get3A_138 = tpu.vector_load %arg11[%get3A_136, %get3A_137] {strides = array<i32>} : memref<32x768xf32, #tpu.memory_space<vmem>>, vector<1x16xf32>,
        %get3A_139 = vector.shape_cast %get3A_138 : vector<1x16xf32> to vector<16xf32>
        %mul3A_140 = arith.mulf %get3A_139, %get3A_4 : vector<16xf32>
        %get3A_141 = arith.index_cast %scan3A_121 : i32 to index
        %get3A_142 = arith.constant 16 : index
        %get3A_143 = tpu.vector_load %arg13[%get3A_141, %get3A_142] {strides = array<i32>} : memref<32x768xf32, #tpu.memory_space<vmem>>, vector<1x16xf32>,
        %get3A_144 = vector.shape_cast %get3A_143 : vector<1x16xf32> to vector<16xf32>
        %add3A_145 = arith.addf %mul3A_140, %get3A_144 : vector<16xf32>
        %swap3A_146 = arith.index_cast %scan3A_121 : i32 to index
        %swap3A_147 = arith.constant 16 : index
        %swap3A_148 = tpu.vector_load %arg11[%swap3A_146, %swap3A_147] {strides = array<i32>} : memref<32x768xf32, #tpu.memory_space<vmem>>, vector<1x16xf32>,
        %swap3A_149 = vector.shape_cast %swap3A_148 : vector<1x16xf32> to vector<16xf32>
        %swap3A_150 = vector.shape_cast %add3A_145 : vector<16xf32> to vector<1x16xf32>
        tpu.vector_store %arg11[%swap3A_146, %swap3A_147], %swap3A_150 {strides = array<i32>} : memref<32x768xf32, #tpu.memory_space<vmem>>, vector<1x16xf32>,
        %get3A_151 = arith.index_cast %scan3A_121 : i32 to index
        %get3A_152 = arith.constant 32 : index
        %get3A_153 = tpu.vector_load %arg11[%get3A_151, %get3A_152] {strides = array<i32>} : memref<32x768xf32, #tpu.memory_space<vmem>>, vector<1x16xf32>,
        %get3A_154 = vector.shape_cast %get3A_153 : vector<1x16xf32> to vector<16xf32>
        %mul3A_155 = arith.mulf %get3A_154, %get3A_4 : vector<16xf32>
        %get3A_156 = arith.index_cast %scan3A_121 : i32 to index
        %get3A_157 = arith.constant 32 : index
        %get3A_158 = tpu.vector_load %arg13[%get3A_156, %get3A_157] {strides = array<i32>} : memref<32x768xf32, #tpu.memory_space<vmem>>, vector<1x16xf32>,
        %get3A_159 = vector.shape_cast %get3A_158 : vector<1x16xf32> to vector<16xf32>
        %add3A_160 = arith.addf %mul3A_155, %get3A_159 : vector<16xf32>
        %swap3A_161 = arith.index_cast %scan3A_121 : i32 to index
        %swap3A_162 = arith.constant 32 : index
        %swap3A_163 = tpu.vector_load %arg11[%swap3A_161, %swap3A_162] {strides = array<i32>} : memref<32x768xf32, #tpu.memory_space<vmem>>, vector<1x16xf32>,
        %swap3A_164 = vector.shape_cast %swap3A_163 : vector<1x16xf32> to vector<16xf32>
        %swap3A_165 = vector.shape_cast %add3A_160 : vector<16xf32> to vector<1x16xf32>
        tpu.vector_store %arg11[%swap3A_161, %swap3A_162], %swap3A_165 {strides = array<i32>} : memref<32x768xf32, #tpu.memory_space<vmem>>, vector<1x16xf32>,
        %get3A_166 = arith.index_cast %scan3A_121 : i32 to index
        %get3A_167 = arith.constant 48 : index
        %get3A_168 = tpu.vector_load %arg11[%get3A_166, %get3A_167] {strides = array<i32>} : memref<32x768xf32, #tpu.memory_space<vmem>>, vector<1x16xf32>,
        %get3A_169 = vector.shape_cast %get3A_168 : vector<1x16xf32> to vector<16xf32>
        %mul3A_170 = arith.mulf %get3A_169, %get3A_4 : vector<16xf32>
        %get3A_171 = arith.index_cast %scan3A_121 : i32 to index
        %get3A_172 = arith.constant 48 : index
        %get3A_173 = tpu.vector_load %arg13[%get3A_171, %get3A_172] {strides = array<i32>} : memref<32x768xf32, #tpu.memory_space<vmem>>, vector<1x16xf32>,
        %get3A_174 = vector.shape_cast %get3A_173 : vector<1x16xf32> to vector<16xf32>
        %add3A_175 = arith.addf %mul3A_170, %get3A_174 : vector<16xf32>
        %swap3A_176 = arith.index_cast %scan3A_121 : i32 to index
        %swap3A_177 = arith.constant 48 : index
        %swap3A_178 = tpu.vector_load %arg11[%swap3A_176, %swap3A_177] {strides = array<i32>} : memref<32x768xf32, #tpu.memory_space<vmem>>, vector<1x16xf32>,
        %swap3A_179 = vector.shape_cast %swap3A_178 : vector<1x16xf32> to vector<16xf32>
        %swap3A_180 = vector.shape_cast %add3A_175 : vector<16xf32> to vector<1x16xf32>
        tpu.vector_store %arg11[%swap3A_176, %swap3A_177], %swap3A_180 {strides = array<i32>} : memref<32x768xf32, #tpu.memory_space<vmem>>, vector<1x16xf32>,
        %get3A_181 = arith.index_cast %scan3A_121 : i32 to index
        %get3A_182 = arith.constant 64 : index
        %get3A_183 = tpu.vector_load %arg11[%get3A_181, %get3A_182] {strides = array<i32>} : memref<32x768xf32, #tpu.memory_space<vmem>>, vector<1x16xf32>,
        %get3A_184 = vector.shape_cast %get3A_183 : vector<1x16xf32> to vector<16xf32>
        %mul3A_185 = arith.mulf %get3A_184, %get3A_4 : vector<16xf32>
        %get3A_186 = arith.index_cast %scan3A_121 : i32 to index
        %get3A_187 = arith.constant 64 : index
        %get3A_188 = tpu.vector_load %arg13[%get3A_186, %get3A_187] {strides = array<i32>} : memref<32x768xf32, #tpu.memory_space<vmem>>, vector<1x16xf32>,
        %get3A_189 = vector.shape_cast %get3A_188 : vector<1x16xf32> to vector<16xf32>
        %add3A_190 = arith.addf %mul3A_185, %get3A_189 : vector<16xf32>
        %swap3A_191 = arith.index_cast %scan3A_121 : i32 to index
        %swap3A_192 = arith.constant 64 : index
        %swap3A_193 = tpu.vector_load %arg11[%swap3A_191, %swap3A_192] {strides = array<i32>} : memref<32x768xf32, #tpu.memory_space<vmem>>, vector<1x16xf32>,
        %swap3A_194 = vector.shape_cast %swap3A_193 : vector<1x16xf32> to vector<16xf32>
        %swap3A_195 = vector.shape_cast %add3A_190 : vector<16xf32> to vector<1x16xf32>
        tpu.vector_store %arg11[%swap3A_191, %swap3A_192], %swap3A_195 {strides = array<i32>} : memref<32x768xf32, #tpu.memory_space<vmem>>, vector<1x16xf32>,
        %get3A_196 = arith.index_cast %scan3A_121 : i32 to index
        %get3A_197 = arith.constant 80 : index
        %get3A_198 = tpu.vector_load %arg11[%get3A_196, %get3A_197] {strides = array<i32>} : memref<32x768xf32, #tpu.memory_space<vmem>>, vector<1x16xf32>,
        %get3A_199 = vector.shape_cast %get3A_198 : vector<1x16xf32> to vector<16xf32>
        %mul3A_200 = arith.mulf %get3A_199, %get3A_4 : vector<16xf32>
        %get3A_201 = arith.index_cast %scan3A_121 : i32 to index
        %get3A_202 = arith.constant 80 : index
        %get3A_203 = tpu.vector_load %arg13[%get3A_201, %get3A_202] {strides = array<i32>} : memref<32x768xf32, #tpu.memory_space<vmem>>, vector<1x16xf32>,
        %get3A_204 = vector.shape_cast %get3A_203 : vector<1x16xf32> to vector<16xf32>
        %add3A_205 = arith.addf %mul3A_200, %get3A_204 : vector<16xf32>
        %swap3A_206 = arith.index_cast %scan3A_121 : i32 to index
        %swap3A_207 = arith.constant 80 : index
        %swap3A_208 = tpu.vector_load %arg11[%swap3A_206, %swap3A_207] {strides = array<i32>} : memref<32x768xf32, #tpu.memory_space<vmem>>, vector<1x16xf32>,
        %swap3A_209 = vector.shape_cast %swap3A_208 : vector<1x16xf32> to vector<16xf32>
        %swap3A_210 = vector.shape_cast %add3A_205 : vector<16xf32> to vector<1x16xf32>
        tpu.vector_store %arg11[%swap3A_206, %swap3A_207], %swap3A_210 {strides = array<i32>} : memref<32x768xf32, #tpu.memory_space<vmem>>, vector<1x16xf32>,
        %get3A_211 = arith.index_cast %scan3A_121 : i32 to index
        %get3A_212 = arith.constant 96 : index
        %get3A_213 = tpu.vector_load %arg11[%get3A_211, %get3A_212] {strides = array<i32>} : memref<32x768xf32, #tpu.memory_space<vmem>>, vector<1x16xf32>,
        %get3A_214 = vector.shape_cast %get3A_213 : vector<1x16xf32> to vector<16xf32>
        %mul3A_215 = arith.mulf %get3A_214, %get3A_4 : vector<16xf32>
        %get3A_216 = arith.index_cast %scan3A_121 : i32 to index
        %get3A_217 = arith.constant 96 : index
        %get3A_218 = tpu.vector_load %arg13[%get3A_216, %get3A_217] {strides = array<i32>} : memref<32x768xf32, #tpu.memory_space<vmem>>, vector<1x16xf32>,
        %get3A_219 = vector.shape_cast %get3A_218 : vector<1x16xf32> to vector<16xf32>
        %add3A_220 = arith.addf %mul3A_215, %get3A_219 : vector<16xf32>
        %swap3A_221 = arith.index_cast %scan3A_121 : i32 to index
        %swap3A_222 = arith.constant 96 : index
        %swap3A_223 = tpu.vector_load %arg11[%swap3A_221, %swap3A_222] {strides = array<i32>} : memref<32x768xf32, #tpu.memory_space<vmem>>, vector<1x16xf32>,
        %swap3A_224 = vector.shape_cast %swap3A_223 : vector<1x16xf32> to vector<16xf32>
        %swap3A_225 = vector.shape_cast %add3A_220 : vector<16xf32> to vector<1x16xf32>
        tpu.vector_store %arg11[%swap3A_221, %swap3A_222], %swap3A_225 {strides = array<i32>} : memref<32x768xf32, #tpu.memory_space<vmem>>, vector<1x16xf32>,
        %get3A_226 = arith.index_cast %scan3A_121 : i32 to index
        %get3A_227 = arith.constant 112 : index
        %get3A_228 = tpu.vector_load %arg11[%get3A_226, %get3A_227] {strides = array<i32>} : memref<32x768xf32, #tpu.memory_space<vmem>>, vector<1x16xf32>,
        %get3A_229 = vector.shape_cast %get3A_228 : vector<1x16xf32> to vector<16xf32>
        %mul3A_230 = arith.mulf %get3A_229, %get3A_4 : vector<16xf32>
        %get3A_231 = arith.index_cast %scan3A_121 : i32 to index
        %get3A_232 = arith.constant 112 : index
        %get3A_233 = tpu.vector_load %arg13[%get3A_231, %get3A_232] {strides = array<i32>} : memref<32x768xf32, #tpu.memory_space<vmem>>, vector<1x16xf32>,
        %get3A_234 = vector.shape_cast %get3A_233 : vector<1x16xf32> to vector<16xf32>
        %add3A_235 = arith.addf %mul3A_230, %get3A_234 : vector<16xf32>
        %swap3A_236 = arith.index_cast %scan3A_121 : i32 to index
        %swap3A_237 = arith.constant 112 : index
        %swap3A_238 = tpu.vector_load %arg11[%swap3A_236, %swap3A_237] {strides = array<i32>} : memref<32x768xf32, #tpu.memory_space<vmem>>, vector<1x16xf32>,
        %swap3A_239 = vector.shape_cast %swap3A_238 : vector<1x16xf32> to vector<16xf32>
        %swap3A_240 = vector.shape_cast %add3A_235 : vector<16xf32> to vector<1x16xf32>
        tpu.vector_store %arg11[%swap3A_236, %swap3A_237], %swap3A_240 {strides = array<i32>} : memref<32x768xf32, #tpu.memory_space<vmem>>, vector<1x16xf32>,
        %get3A_241 = arith.index_cast %scan3A_121 : i32 to index
        %get3A_242 = arith.constant 128 : index
        %get3A_243 = tpu.vector_load %arg11[%get3A_241, %get3A_242] {strides = array<i32>} : memref<32x768xf32, #tpu.memory_space<vmem>>, vector<1x16xf32>,
        %get3A_244 = vector.shape_cast %get3A_243 : vector<1x16xf32> to vector<16xf32>
        %mul3A_245 = arith.mulf %get3A_244, %get3A_4 : vector<16xf32>
        %get3A_246 = arith.index_cast %scan3A_121 : i32 to index
        %get3A_247 = arith.constant 128 : index
        %get3A_248 = tpu.vector_load %arg13[%get3A_246, %get3A_247] {strides = array<i32>} : memref<32x768xf32, #tpu.memory_space<vmem>>, vector<1x16xf32>,
        %get3A_249 = vector.shape_cast %get3A_248 : vector<1x16xf32> to vector<16xf32>
        %add3A_250 = arith.addf %mul3A_245, %get3A_249 : vector<16xf32>
        %swap3A_251 = arith.index_cast %scan3A_121 : i32 to index
        %swap3A_252 = arith.constant 128 : index
        %swap3A_253 = tpu.vector_load %arg11[%swap3A_251, %swap3A_252] {strides = array<i32>} : memref<32x768xf32, #tpu.memory_space<vmem>>, vector<1x16xf32>,
        %swap3A_254 = vector.shape_cast %swap3A_253 : vector<1x16xf32> to vector<16xf32>
        %swap3A_255 = vector.shape_cast %add3A_250 : vector<16xf32> to vector<1x16xf32>
        tpu.vector_store %arg11[%swap3A_251, %swap3A_252], %swap3A_255 {strides = array<i32>} : memref<32x768xf32, #tpu.memory_space<vmem>>, vector<1x16xf32>,
        %get3A_256 = arith.index_cast %scan3A_121 : i32 to index
        %get3A_257 = arith.constant 144 : index
        %get3A_258 = tpu.vector_load %arg11[%get3A_256, %get3A_257] {strides = array<i32>} : memref<32x768xf32, #tpu.memory_space<vmem>>, vector<1x16xf32>,
        %get3A_259 = vector.shape_cast %get3A_258 : vector<1x16xf32> to vector<16xf32>
        %mul3A_260 = arith.mulf %get3A_259, %get3A_4 : vector<16xf32>
        %get3A_261 = arith.index_cast %scan3A_121 : i32 to index
        %get3A_262 = arith.constant 144 : index
        %get3A_263 = tpu.vector_load %arg13[%get3A_261, %get3A_262] {strides = array<i32>} : memref<32x768xf32, #tpu.memory_space<vmem>>, vector<1x16xf32>,
        %get3A_264 = vector.shape_cast %get3A_263 : vector<1x16xf32> to vector<16xf32>
        %add3A_265 = arith.addf %mul3A_260, %get3A_264 : vector<16xf32>
        %swap3A_266 = arith.index_cast %scan3A_121 : i32 to index
        %swap3A_267 = arith.constant 144 : index
        %swap3A_268 = tpu.vector_load %arg11[%swap3A_266, %swap3A_267] {strides = array<i32>} : memref<32x768xf32, #tpu.memory_space<vmem>>, vector<1x16xf32>,
        %swap3A_269 = vector.shape_cast %swap3A_268 : vector<1x16xf32> to vector<16xf32>
        %swap3A_270 = vector.shape_cast %add3A_265 : vector<16xf32> to vector<1x16xf32>
        tpu.vector_store %arg11[%swap3A_266, %swap3A_267], %swap3A_270 {strides = array<i32>} : memref<32x768xf32, #tpu.memory_space<vmem>>, vector<1x16xf32>,
        %get3A_271 = arith.index_cast %scan3A_121 : i32 to index
        %get3A_272 = arith.constant 160 : index
        %get3A_273 = tpu.vector_load %arg11[%get3A_271, %get3A_272] {strides = array<i32>} : memref<32x768xf32, #tpu.memory_space<vmem>>, vector<1x16xf32>,
        %get3A_274 = vector.shape_cast %get3A_273 : vector<1x16xf32> to vector<16xf32>
        %mul3A_275 = arith.mulf %get3A_274, %get3A_4 : vector<16xf32>
        %get3A_276 = arith.index_cast %scan3A_121 : i32 to index
        %get3A_277 = arith.constant 160 : index
        %get3A_278 = tpu.vector_load %arg13[%get3A_276, %get3A_277] {strides = array<i32>} : memref<32x768xf32, #tpu.memory_space<vmem>>, vector<1x16xf32>,
        %get3A_279 = vector.shape_cast %get3A_278 : vector<1x16xf32> to vector<16xf32>
        %add3A_280 = arith.addf %mul3A_275, %get3A_279 : vector<16xf32>
        %swap3A_281 = arith.index_cast %scan3A_121 : i32 to index
        %swap3A_282 = arith.constant 160 : index
        %swap3A_283 = tpu.vector_load %arg11[%swap3A_281, %swap3A_282] {strides = array<i32>} : memref<32x768xf32, #tpu.memory_space<vmem>>, vector<1x16xf32>,
        %swap3A_284 = vector.shape_cast %swap3A_283 : vector<1x16xf32> to vector<16xf32>
        %swap3A_285 = vector.shape_cast %add3A_280 : vector<16xf32> to vector<1x16xf32>
        tpu.vector_store %arg11[%swap3A_281, %swap3A_282], %swap3A_285 {strides = array<i32>} : memref<32x768xf32, #tpu.memory_space<vmem>>, vector<1x16xf32>,
        %get3A_286 = arith.index_cast %scan3A_121 : i32 to index
        %get3A_287 = arith.constant 176 : index
        %get3A_288 = tpu.vector_load %arg11[%get3A_286, %get3A_287] {strides = array<i32>} : memref<32x768xf32, #tpu.memory_space<vmem>>, vector<1x16xf32>,
        %get3A_289 = vector.shape_cast %get3A_288 : vector<1x16xf32> to vector<16xf32>
        %mul3A_290 = arith.mulf %get3A_289, %get3A_4 : vector<16xf32>
        %get3A_291 = arith.index_cast %scan3A_121 : i32 to index
        %get3A_292 = arith.constant 176 : index
        %get3A_293 = tpu.vector_load %arg13[%get3A_291, %get3A_292] {strides = array<i32>} : memref<32x768xf32, #tpu.memory_space<vmem>>, vector<1x16xf32>,
        %get3A_294 = vector.shape_cast %get3A_293 : vector<1x16xf32> to vector<16xf32>
        %add3A_295 = arith.addf %mul3A_290, %get3A_294 : vector<16xf32>
        %swap3A_296 = arith.index_cast %scan3A_121 : i32 to index
        %swap3A_297 = arith.constant 176 : index
        %swap3A_298 = tpu.vector_load %arg11[%swap3A_296, %swap3A_297] {strides = array<i32>} : memref<32x768xf32, #tpu.memory_space<vmem>>, vector<1x16xf32>,
        %swap3A_299 = vector.shape_cast %swap3A_298 : vector<1x16xf32> to vector<16xf32>
        %swap3A_300 = vector.shape_cast %add3A_295 : vector<16xf32> to vector<1x16xf32>
        tpu.vector_store %arg11[%swap3A_296, %swap3A_297], %swap3A_300 {strides = array<i32>} : memref<32x768xf32, #tpu.memory_space<vmem>>, vector<1x16xf32>,
        %get3A_301 = arith.index_cast %scan3A_121 : i32 to index
        %get3A_302 = arith.constant 192 : index
        %get3A_303 = tpu.vector_load %arg11[%get3A_301, %get3A_302] {strides = array<i32>} : memref<32x768xf32, #tpu.memory_space<vmem>>, vector<1x16xf32>,
        %get3A_304 = vector.shape_cast %get3A_303 : vector<1x16xf32> to vector<16xf32>
        %mul3A_305 = arith.mulf %get3A_304, %get3A_4 : vector<16xf32>
        %get3A_306 = arith.index_cast %scan3A_121 : i32 to index
        %get3A_307 = arith.constant 192 : index
        %get3A_308 = tpu.vector_load %arg13[%get3A_306, %get3A_307] {strides = array<i32>} : memref<32x768xf32, #tpu.memory_space<vmem>>, vector<1x16xf32>,
        %get3A_309 = vector.shape_cast %get3A_308 : vector<1x16xf32> to vector<16xf32>
        %add3A_310 = arith.addf %mul3A_305, %get3A_309 : vector<16xf32>
        %swap3A_311 = arith.index_cast %scan3A_121 : i32 to index
        %swap3A_312 = arith.constant 192 : index
        %swap3A_313 = tpu.vector_load %arg11[%swap3A_311, %swap3A_312] {strides = array<i32>} : memref<32x768xf32, #tpu.memory_space<vmem>>, vector<1x16xf32>,
        %swap3A_314 = vector.shape_cast %swap3A_313 : vector<1x16xf32> to vector<16xf32>
        %swap3A_315 = vector.shape_cast %add3A_310 : vector<16xf32> to vector<1x16xf32>
        tpu.vector_store %arg11[%swap3A_311, %swap3A_312], %swap3A_315 {strides = array<i32>} : memref<32x768xf32, #tpu.memory_space<vmem>>, vector<1x16xf32>,
        %get3A_316 = arith.index_cast %scan3A_121 : i32 to index
        %get3A_317 = arith.constant 208 : index
        %get3A_318 = tpu.vector_load %arg11[%get3A_316, %get3A_317] {strides = array<i32>} : memref<32x768xf32, #tpu.memory_space<vmem>>, vector<1x16xf32>,
        %get3A_319 = vector.shape_cast %get3A_318 : vector<1x16xf32> to vector<16xf32>
        %mul3A_320 = arith.mulf %get3A_319, %get3A_4 : vector<16xf32>
        %get3A_321 = arith.index_cast %scan3A_121 : i32 to index
        %get3A_322 = arith.constant 208 : index
        %get3A_323 = tpu.vector_load %arg13[%get3A_321, %get3A_322] {strides = array<i32>} : memref<32x768xf32, #tpu.memory_space<vmem>>, vector<1x16xf32>,
        %get3A_324 = vector.shape_cast %get3A_323 : vector<1x16xf32> to vector<16xf32>
        %add3A_325 = arith.addf %mul3A_320, %get3A_324 : vector<16xf32>
        %swap3A_326 = arith.index_cast %scan3A_121 : i32 to index
        %swap3A_327 = arith.constant 208 : index
        %swap3A_328 = tpu.vector_load %arg11[%swap3A_326, %swap3A_327] {strides = array<i32>} : memref<32x768xf32, #tpu.memory_space<vmem>>, vector<1x16xf32>,
        %swap3A_329 = vector.shape_cast %swap3A_328 : vector<1x16xf32> to vector<16xf32>
        %swap3A_330 = vector.shape_cast %add3A_325 : vector<16xf32> to vector<1x16xf32>
        tpu.vector_store %arg11[%swap3A_326, %swap3A_327], %swap3A_330 {strides = array<i32>} : memref<32x768xf32, #tpu.memory_space<vmem>>, vector<1x16xf32>,
        %get3A_331 = arith.index_cast %scan3A_121 : i32 to index
        %get3A_332 = arith.constant 224 : index
        %get3A_333 = tpu.vector_load %arg11[%get3A_331, %get3A_332] {strides = array<i32>} : memref<32x768xf32, #tpu.memory_space<vmem>>, vector<1x16xf32>,
        %get3A_334 = vector.shape_cast %get3A_333 : vector<1x16xf32> to vector<16xf32>
        %mul3A_335 = arith.mulf %get3A_334, %get3A_4 : vector<16xf32>
        %get3A_336 = arith.index_cast %scan3A_121 : i32 to index
        %get3A_337 = arith.constant 224 : index
        %get3A_338 = tpu.vector_load %arg13[%get3A_336, %get3A_337] {strides = array<i32>} : memref<32x768xf32, #tpu.memory_space<vmem>>, vector<1x16xf32>,
        %get3A_339 = vector.shape_cast %get3A_338 : vector<1x16xf32> to vector<16xf32>
        %add3A_340 = arith.addf %mul3A_335, %get3A_339 : vector<16xf32>
        %swap3A_341 = arith.index_cast %scan3A_121 : i32 to index
        %swap3A_342 = arith.constant 224 : index
        %swap3A_343 = tpu.vector_load %arg11[%swap3A_341, %swap3A_342] {strides = array<i32>} : memref<32x768xf32, #tpu.memory_space<vmem>>, vector<1x16xf32>,
        %swap3A_344 = vector.shape_cast %swap3A_343 : vector<1x16xf32> to vector<16xf32>
        %swap3A_345 = vector.shape_cast %add3A_340 : vector<16xf32> to vector<1x16xf32>
        tpu.vector_store %arg11[%swap3A_341, %swap3A_342], %swap3A_345 {strides = array<i32>} : memref<32x768xf32, #tpu.memory_space<vmem>>, vector<1x16xf32>,
        %get3A_346 = arith.index_cast %scan3A_121 : i32 to index
        %get3A_347 = arith.constant 240 : index
        %get3A_348 = tpu.vector_load %arg11[%get3A_346, %get3A_347] {strides = array<i32>} : memref<32x768xf32, #tpu.memory_space<vmem>>, vector<1x16xf32>,
        %get3A_349 = vector.shape_cast %get3A_348 : vector<1x16xf32> to vector<16xf32>
        %mul3A_350 = arith.mulf %get3A_349, %get3A_4 : vector<16xf32>
        %get3A_351 = arith.index_cast %scan3A_121 : i32 to index
        %get3A_352 = arith.constant 240 : index
        %get3A_353 = tpu.vector_load %arg13[%get3A_351, %get3A_352] {strides = array<i32>} : memref<32x768xf32, #tpu.memory_space<vmem>>, vector<1x16xf32>,
        %get3A_354 = vector.shape_cast %get3A_353 : vector<1x16xf32> to vector<16xf32>
        %add3A_355 = arith.addf %mul3A_350, %get3A_354 : vector<16xf32>
        %swap3A_356 = arith.index_cast %scan3A_121 : i32 to index
        %swap3A_357 = arith.constant 240 : index
        %swap3A_358 = tpu.vector_load %arg11[%swap3A_356, %swap3A_357] {strides = array<i32>} : memref<32x768xf32, #tpu.memory_space<vmem>>, vector<1x16xf32>,
        %swap3A_359 = vector.shape_cast %swap3A_358 : vector<1x16xf32> to vector<16xf32>
        %swap3A_360 = vector.shape_cast %add3A_355 : vector<16xf32> to vector<1x16xf32>
        tpu.vector_store %arg11[%swap3A_356, %swap3A_357], %swap3A_360 {strides = array<i32>} : memref<32x768xf32, #tpu.memory_space<vmem>>, vector<1x16xf32>,
        %get3A_361 = arith.index_cast %scan3A_121 : i32 to index
        %get3A_362 = arith.constant 256 : index
        %get3A_363 = tpu.vector_load %arg11[%get3A_361, %get3A_362] {strides = array<i32>} : memref<32x768xf32, #tpu.memory_space<vmem>>, vector<1x16xf32>,
        %get3A_364 = vector.shape_cast %get3A_363 : vector<1x16xf32> to vector<16xf32>
        %mul3A_365 = arith.mulf %get3A_364, %get3A_4 : vector<16xf32>
        %get3A_366 = arith.index_cast %scan3A_121 : i32 to index
        %get3A_367 = arith.constant 256 : index
        %get3A_368 = tpu.vector_load %arg13[%get3A_366, %get3A_367] {strides = array<i32>} : memref<32x768xf32, #tpu.memory_space<vmem>>, vector<1x16xf32>,
        %get3A_369 = vector.shape_cast %get3A_368 : vector<1x16xf32> to vector<16xf32>
        %add3A_370 = arith.addf %mul3A_365, %get3A_369 : vector<16xf32>
        %swap3A_371 = arith.index_cast %scan3A_121 : i32 to index
        %swap3A_372 = arith.constant 256 : index
        %swap3A_373 = tpu.vector_load %arg11[%swap3A_371, %swap3A_372] {strides = array<i32>} : memref<32x768xf32, #tpu.memory_space<vmem>>, vector<1x16xf32>,
        %swap3A_374 = vector.shape_cast %swap3A_373 : vector<1x16xf32> to vector<16xf32>
        %swap3A_375 = vector.shape_cast %add3A_370 : vector<16xf32> to vector<1x16xf32>
        tpu.vector_store %arg11[%swap3A_371, %swap3A_372], %swap3A_375 {strides = array<i32>} : memref<32x768xf32, #tpu.memory_space<vmem>>, vector<1x16xf32>,
        %get3A_376 = arith.index_cast %scan3A_121 : i32 to index
        %get3A_377 = arith.constant 272 : index
        %get3A_378 = tpu.vector_load %arg11[%get3A_376, %get3A_377] {strides = array<i32>} : memref<32x768xf32, #tpu.memory_space<vmem>>, vector<1x16xf32>,
        %get3A_379 = vector.shape_cast %get3A_378 : vector<1x16xf32> to vector<16xf32>
        %mul3A_380 = arith.mulf %get3A_379, %get3A_4 : vector<16xf32>
        %get3A_381 = arith.index_cast %scan3A_121 : i32 to index
        %get3A_382 = arith.constant 272 : index
        %get3A_383 = tpu.vector_load %arg13[%get3A_381, %get3A_382] {strides = array<i32>} : memref<32x768xf32, #tpu.memory_space<vmem>>, vector<1x16xf32>,
        %get3A_384 = vector.shape_cast %get3A_383 : vector<1x16xf32> to vector<16xf32>
        %add3A_385 = arith.addf %mul3A_380, %get3A_384 : vector<16xf32>
        %swap3A_386 = arith.index_cast %scan3A_121 : i32 to index
        %swap3A_387 = arith.constant 272 : index
        %swap3A_388 = tpu.vector_load %arg11[%swap3A_386, %swap3A_387] {strides = array<i32>} : memref<32x768xf32, #tpu.memory_space<vmem>>, vector<1x16xf32>,
        %swap3A_389 = vector.shape_cast %swap3A_388 : vector<1x16xf32> to vector<16xf32>
        %swap3A_390 = vector.shape_cast %add3A_385 : vector<16xf32> to vector<1x16xf32>
        tpu.vector_store %arg11[%swap3A_386, %swap3A_387], %swap3A_390 {strides = array<i32>} : memref<32x768xf32, #tpu.memory_space<vmem>>, vector<1x16xf32>,
        %get3A_391 = arith.index_cast %scan3A_121 : i32 to index
        %get3A_392 = arith.constant 288 : index
        %get3A_393 = tpu.vector_load %arg11[%get3A_391, %get3A_392] {strides = array<i32>} : memref<32x768xf32, #tpu.memory_space<vmem>>, vector<1x16xf32>,
        %get3A_394 = vector.shape_cast %get3A_393 : vector<1x16xf32> to vector<16xf32>
        %mul3A_395 = arith.mulf %get3A_394, %get3A_4 : vector<16xf32>
        %get3A_396 = arith.index_cast %scan3A_121 : i32 to index
        %get3A_397 = arith.constant 288 : index
        %get3A_398 = tpu.vector_load %arg13[%get3A_396, %get3A_397] {strides = array<i32>} : memref<32x768xf32, #tpu.memory_space<vmem>>, vector<1x16xf32>,
        %get3A_399 = vector.shape_cast %get3A_398 : vector<1x16xf32> to vector<16xf32>
        %add3A_400 = arith.addf %mul3A_395, %get3A_399 : vector<16xf32>
        %swap3A_401 = arith.index_cast %scan3A_121 : i32 to index
        %swap3A_402 = arith.constant 288 : index
        %swap3A_403 = tpu.vector_load %arg11[%swap3A_401, %swap3A_402] {strides = array<i32>} : memref<32x768xf32, #tpu.memory_space<vmem>>, vector<1x16xf32>,
        %swap3A_404 = vector.shape_cast %swap3A_403 : vector<1x16xf32> to vector<16xf32>
        %swap3A_405 = vector.shape_cast %add3A_400 : vector<16xf32> to vector<1x16xf32>
        tpu.vector_store %arg11[%swap3A_401, %swap3A_402], %swap3A_405 {strides = array<i32>} : memref<32x768xf32, #tpu.memory_space<vmem>>, vector<1x16xf32>,
        %get3A_406 = arith.index_cast %scan3A_121 : i32 to index
        %get3A_407 = arith.constant 304 : index
        %get3A_408 = tpu.vector_load %arg11[%get3A_406, %get3A_407] {strides = array<i32>} : memref<32x768xf32, #tpu.memory_space<vmem>>, vector<1x16xf32>,
        %get3A_409 = vector.shape_cast %get3A_408 : vector<1x16xf32> to vector<16xf32>
        %mul3A_410 = arith.mulf %get3A_409, %get3A_4 : vector<16xf32>
        %get3A_411 = arith.index_cast %scan3A_121 : i32 to index
        %get3A_412 = arith.constant 304 : index
        %get3A_413 = tpu.vector_load %arg13[%get3A_411, %get3A_412] {strides = array<i32>} : memref<32x768xf32, #tpu.memory_space<vmem>>, vector<1x16xf32>,
        %get3A_414 = vector.shape_cast %get3A_413 : vector<1x16xf32> to vector<16xf32>
        %add3A_415 = arith.addf %mul3A_410, %get3A_414 : vector<16xf32>
        %swap3A_416 = arith.index_cast %scan3A_121 : i32 to index
        %swap3A_417 = arith.constant 304 : index
        %swap3A_418 = tpu.vector_load %arg11[%swap3A_416, %swap3A_417] {strides = array<i32>} : memref<32x768xf32, #tpu.memory_space<vmem>>, vector<1x16xf32>,
        %swap3A_419 = vector.shape_cast %swap3A_418 : vector<1x16xf32> to vector<16xf32>
        %swap3A_420 = vector.shape_cast %add3A_415 : vector<16xf32> to vector<1x16xf32>
        tpu.vector_store %arg11[%swap3A_416, %swap3A_417], %swap3A_420 {strides = array<i32>} : memref<32x768xf32, #tpu.memory_space<vmem>>, vector<1x16xf32>,
        %get3A_421 = arith.index_cast %scan3A_121 : i32 to index
        %get3A_422 = arith.constant 320 : index
        %get3A_423 = tpu.vector_load %arg11[%get3A_421, %get3A_422] {strides = array<i32>} : memref<32x768xf32, #tpu.memory_space<vmem>>, vector<1x16xf32>,
        %get3A_424 = vector.shape_cast %get3A_423 : vector<1x16xf32> to vector<16xf32>
        %mul3A_425 = arith.mulf %get3A_424, %get3A_4 : vector<16xf32>
        %get3A_426 = arith.index_cast %scan3A_121 : i32 to index
        %get3A_427 = arith.constant 320 : index
        %get3A_428 = tpu.vector_load %arg13[%get3A_426, %get3A_427] {strides = array<i32>} : memref<32x768xf32, #tpu.memory_space<vmem>>, vector<1x16xf32>,
        %get3A_429 = vector.shape_cast %get3A_428 : vector<1x16xf32> to vector<16xf32>
        %add3A_430 = arith.addf %mul3A_425, %get3A_429 : vector<16xf32>
        %swap3A_431 = arith.index_cast %scan3A_121 : i32 to index
        %swap3A_432 = arith.constant 320 : index
        %swap3A_433 = tpu.vector_load %arg11[%swap3A_431, %swap3A_432] {strides = array<i32>} : memref<32x768xf32, #tpu.memory_space<vmem>>, vector<1x16xf32>,
        %swap3A_434 = vector.shape_cast %swap3A_433 : vector<1x16xf32> to vector<16xf32>
        %swap3A_435 = vector.shape_cast %add3A_430 : vector<16xf32> to vector<1x16xf32>
        tpu.vector_store %arg11[%swap3A_431, %swap3A_432], %swap3A_435 {strides = array<i32>} : memref<32x768xf32, #tpu.memory_space<vmem>>, vector<1x16xf32>,
        %get3A_436 = arith.index_cast %scan3A_121 : i32 to index
        %get3A_437 = arith.constant 336 : index
        %get3A_438 = tpu.vector_load %arg11[%get3A_436, %get3A_437] {strides = array<i32>} : memref<32x768xf32, #tpu.memory_space<vmem>>, vector<1x16xf32>,
        %get3A_439 = vector.shape_cast %get3A_438 : vector<1x16xf32> to vector<16xf32>
        %mul3A_440 = arith.mulf %get3A_439, %get3A_4 : vector<16xf32>
        %get3A_441 = arith.index_cast %scan3A_121 : i32 to index
        %get3A_442 = arith.constant 336 : index
        %get3A_443 = tpu.vector_load %arg13[%get3A_441, %get3A_442] {strides = array<i32>} : memref<32x768xf32, #tpu.memory_space<vmem>>, vector<1x16xf32>,
        %get3A_444 = vector.shape_cast %get3A_443 : vector<1x16xf32> to vector<16xf32>
        %add3A_445 = arith.addf %mul3A_440, %get3A_444 : vector<16xf32>
        %swap3A_446 = arith.index_cast %scan3A_121 : i32 to index
        %swap3A_447 = arith.constant 336 : index
        %swap3A_448 = tpu.vector_load %arg11[%swap3A_446, %swap3A_447] {strides = array<i32>} : memref<32x768xf32, #tpu.memory_space<vmem>>, vector<1x16xf32>,
        %swap3A_449 = vector.shape_cast %swap3A_448 : vector<1x16xf32> to vector<16xf32>
        %swap3A_450 = vector.shape_cast %add3A_445 : vector<16xf32> to vector<1x16xf32>
        tpu.vector_store %arg11[%swap3A_446, %swap3A_447], %swap3A_450 {strides = array<i32>} : memref<32x768xf32, #tpu.memory_space<vmem>>, vector<1x16xf32>,
        %get3A_451 = arith.index_cast %scan3A_121 : i32 to index
        %get3A_452 = arith.constant 352 : index
        %get3A_453 = tpu.vector_load %arg11[%get3A_451, %get3A_452] {strides = array<i32>} : memref<32x768xf32, #tpu.memory_space<vmem>>, vector<1x16xf32>,
        %get3A_454 = vector.shape_cast %get3A_453 : vector<1x16xf32> to vector<16xf32>
        %mul3A_455 = arith.mulf %get3A_454, %get3A_4 : vector<16xf32>
        %get3A_456 = arith.index_cast %scan3A_121 : i32 to index
        %get3A_457 = arith.constant 352 : index
        %get3A_458 = tpu.vector_load %arg13[%get3A_456, %get3A_457] {strides = array<i32>} : memref<32x768xf32, #tpu.memory_space<vmem>>, vector<1x16xf32>,
        %get3A_459 = vector.shape_cast %get3A_458 : vector<1x16xf32> to vector<16xf32>
        %add3A_460 = arith.addf %mul3A_455, %get3A_459 : vector<16xf32>
        %swap3A_461 = arith.index_cast %scan3A_121 : i32 to index
        %swap3A_462 = arith.constant 352 : index
        %swap3A_463 = tpu.vector_load %arg11[%swap3A_461, %swap3A_462] {strides = array<i32>} : memref<32x768xf32, #tpu.memory_space<vmem>>, vector<1x16xf32>,
        %swap3A_464 = vector.shape_cast %swap3A_463 : vector<1x16xf32> to vector<16xf32>
        %swap3A_465 = vector.shape_cast %add3A_460 : vector<16xf32> to vector<1x16xf32>
        tpu.vector_store %arg11[%swap3A_461, %swap3A_462], %swap3A_465 {strides = array<i32>} : memref<32x768xf32, #tpu.memory_space<vmem>>, vector<1x16xf32>,
        %get3A_466 = arith.index_cast %scan3A_121 : i32 to index
        %get3A_467 = arith.constant 368 : index
        %get3A_468 = tpu.vector_load %arg11[%get3A_466, %get3A_467] {strides = array<i32>} : memref<32x768xf32, #tpu.memory_space<vmem>>, vector<1x16xf32>,
        %get3A_469 = vector.shape_cast %get3A_468 : vector<1x16xf32> to vector<16xf32>
        %mul3A_470 = arith.mulf %get3A_469, %get3A_4 : vector<16xf32>
        %get3A_471 = arith.index_cast %scan3A_121 : i32 to index
        %get3A_472 = arith.constant 368 : index
        %get3A_473 = tpu.vector_load %arg13[%get3A_471, %get3A_472] {strides = array<i32>} : memref<32x768xf32, #tpu.memory_space<vmem>>, vector<1x16xf32>,
        %get3A_474 = vector.shape_cast %get3A_473 : vector<1x16xf32> to vector<16xf32>
        %add3A_475 = arith.addf %mul3A_470, %get3A_474 : vector<16xf32>
        %swap3A_476 = arith.index_cast %scan3A_121 : i32 to index
        %swap3A_477 = arith.constant 368 : index
        %swap3A_478 = tpu.vector_load %arg11[%swap3A_476, %swap3A_477] {strides = array<i32>} : memref<32x768xf32, #tpu.memory_space<vmem>>, vector<1x16xf32>,
        %swap3A_479 = vector.shape_cast %swap3A_478 : vector<1x16xf32> to vector<16xf32>
        %swap3A_480 = vector.shape_cast %add3A_475 : vector<16xf32> to vector<1x16xf32>
        tpu.vector_store %arg11[%swap3A_476, %swap3A_477], %swap3A_480 {strides = array<i32>} : memref<32x768xf32, #tpu.memory_space<vmem>>, vector<1x16xf32>,
        %get3A_481 = arith.index_cast %scan3A_121 : i32 to index
        %get3A_482 = arith.constant 384 : index
        %get3A_483 = tpu.vector_load %arg11[%get3A_481, %get3A_482] {strides = array<i32>} : memref<32x768xf32, #tpu.memory_space<vmem>>, vector<1x16xf32>,
        %get3A_484 = vector.shape_cast %get3A_483 : vector<1x16xf32> to vector<16xf32>
        %mul3A_485 = arith.mulf %get3A_484, %get3A_4 : vector<16xf32>
        %get3A_486 = arith.index_cast %scan3A_121 : i32 to index
        %get3A_487 = arith.constant 384 : index
        %get3A_488 = tpu.vector_load %arg13[%get3A_486, %get3A_487] {strides = array<i32>} : memref<32x768xf32, #tpu.memory_space<vmem>>, vector<1x16xf32>,
        %get3A_489 = vector.shape_cast %get3A_488 : vector<1x16xf32> to vector<16xf32>
        %add3A_490 = arith.addf %mul3A_485, %get3A_489 : vector<16xf32>
        %swap3A_491 = arith.index_cast %scan3A_121 : i32 to index
        %swap3A_492 = arith.constant 384 : index
        %swap3A_493 = tpu.vector_load %arg11[%swap3A_491, %swap3A_492] {strides = array<i32>} : memref<32x768xf32, #tpu.memory_space<vmem>>, vector<1x16xf32>,
        %swap3A_494 = vector.shape_cast %swap3A_493 : vector<1x16xf32> to vector<16xf32>
        %swap3A_495 = vector.shape_cast %add3A_490 : vector<16xf32> to vector<1x16xf32>
        tpu.vector_store %arg11[%swap3A_491, %swap3A_492], %swap3A_495 {strides = array<i32>} : memref<32x768xf32, #tpu.memory_space<vmem>>, vector<1x16xf32>,
        %get3A_496 = arith.index_cast %scan3A_121 : i32 to index
        %get3A_497 = arith.constant 400 : index
        %get3A_498 = tpu.vector_load %arg11[%get3A_496, %get3A_497] {strides = array<i32>} : memref<32x768xf32, #tpu.memory_space<vmem>>, vector<1x16xf32>,
        %get3A_499 = vector.shape_cast %get3A_498 : vector<1x16xf32> to vector<16xf32>
        %mul3A_500 = arith.mulf %get3A_499, %get3A_4 : vector<16xf32>
        %get3A_501 = arith.index_cast %scan3A_121 : i32 to index
        %get3A_502 = arith.constant 400 : index
        %get3A_503 = tpu.vector_load %arg13[%get3A_501, %get3A_502] {strides = array<i32>} : memref<32x768xf32, #tpu.memory_space<vmem>>, vector<1x16xf32>,
        %get3A_504 = vector.shape_cast %get3A_503 : vector<1x16xf32> to vector<16xf32>
        %add3A_505 = arith.addf %mul3A_500, %get3A_504 : vector<16xf32>
        %swap3A_506 = arith.index_cast %scan3A_121 : i32 to index
        %swap3A_507 = arith.constant 400 : index
        %swap3A_508 = tpu.vector_load %arg11[%swap3A_506, %swap3A_507] {strides = array<i32>} : memref<32x768xf32, #tpu.memory_space<vmem>>, vector<1x16xf32>,
        %swap3A_509 = vector.shape_cast %swap3A_508 : vector<1x16xf32> to vector<16xf32>
        %swap3A_510 = vector.shape_cast %add3A_505 : vector<16xf32> to vector<1x16xf32>
        tpu.vector_store %arg11[%swap3A_506, %swap3A_507], %swap3A_510 {strides = array<i32>} : memref<32x768xf32, #tpu.memory_space<vmem>>, vector<1x16xf32>,
        %get3A_511 = arith.index_cast %scan3A_121 : i32 to index
        %get3A_512 = arith.constant 416 : index
        %get3A_513 = tpu.vector_load %arg11[%get3A_511, %get3A_512] {strides = array<i32>} : memref<32x768xf32, #tpu.memory_space<vmem>>, vector<1x16xf32>,
        %get3A_514 = vector.shape_cast %get3A_513 : vector<1x16xf32> to vector<16xf32>
        %mul3A_515 = arith.mulf %get3A_514, %get3A_4 : vector<16xf32>
        %get3A_516 = arith.index_cast %scan3A_121 : i32 to index
        %get3A_517 = arith.constant 416 : index
        %get3A_518 = tpu.vector_load %arg13[%get3A_516, %get3A_517] {strides = array<i32>} : memref<32x768xf32, #tpu.memory_space<vmem>>, vector<1x16xf32>,
        %get3A_519 = vector.shape_cast %get3A_518 : vector<1x16xf32> to vector<16xf32>
        %add3A_520 = arith.addf %mul3A_515, %get3A_519 : vector<16xf32>
        %swap3A_521 = arith.index_cast %scan3A_121 : i32 to index
        %swap3A_522 = arith.constant 416 : index
        %swap3A_523 = tpu.vector_load %arg11[%swap3A_521, %swap3A_522] {strides = array<i32>} : memref<32x768xf32, #tpu.memory_space<vmem>>, vector<1x16xf32>,
        %swap3A_524 = vector.shape_cast %swap3A_523 : vector<1x16xf32> to vector<16xf32>
        %swap3A_525 = vector.shape_cast %add3A_520 : vector<16xf32> to vector<1x16xf32>
        tpu.vector_store %arg11[%swap3A_521, %swap3A_522], %swap3A_525 {strides = array<i32>} : memref<32x768xf32, #tpu.memory_space<vmem>>, vector<1x16xf32>,
        %get3A_526 = arith.index_cast %scan3A_121 : i32 to index
        %get3A_527 = arith.constant 432 : index
        %get3A_528 = tpu.vector_load %arg11[%get3A_526, %get3A_527] {strides = array<i32>} : memref<32x768xf32, #tpu.memory_space<vmem>>, vector<1x16xf32>,
        %get3A_529 = vector.shape_cast %get3A_528 : vector<1x16xf32> to vector<16xf32>
        %mul3A_530 = arith.mulf %get3A_529, %get3A_4 : vector<16xf32>
        %get3A_531 = arith.index_cast %scan3A_121 : i32 to index
        %get3A_532 = arith.constant 432 : index
        %get3A_533 = tpu.vector_load %arg13[%get3A_531, %get3A_532] {strides = array<i32>} : memref<32x768xf32, #tpu.memory_space<vmem>>, vector<1x16xf32>,
        %get3A_534 = vector.shape_cast %get3A_533 : vector<1x16xf32> to vector<16xf32>
        %add3A_535 = arith.addf %mul3A_530, %get3A_534 : vector<16xf32>
        %swap3A_536 = arith.index_cast %scan3A_121 : i32 to index
        %swap3A_537 = arith.constant 432 : index
        %swap3A_538 = tpu.vector_load %arg11[%swap3A_536, %swap3A_537] {strides = array<i32>} : memref<32x768xf32, #tpu.memory_space<vmem>>, vector<1x16xf32>,
        %swap3A_539 = vector.shape_cast %swap3A_538 : vector<1x16xf32> to vector<16xf32>
        %swap3A_540 = vector.shape_cast %add3A_535 : vector<16xf32> to vector<1x16xf32>
        tpu.vector_store %arg11[%swap3A_536, %swap3A_537], %swap3A_540 {strides = array<i32>} : memref<32x768xf32, #tpu.memory_space<vmem>>, vector<1x16xf32>,
        %get3A_541 = arith.index_cast %scan3A_121 : i32 to index
        %get3A_542 = arith.constant 448 : index
        %get3A_543 = tpu.vector_load %arg11[%get3A_541, %get3A_542] {strides = array<i32>} : memref<32x768xf32, #tpu.memory_space<vmem>>, vector<1x16xf32>,
        %get3A_544 = vector.shape_cast %get3A_543 : vector<1x16xf32> to vector<16xf32>
        %mul3A_545 = arith.mulf %get3A_544, %get3A_4 : vector<16xf32>
        %get3A_546 = arith.index_cast %scan3A_121 : i32 to index
        %get3A_547 = arith.constant 448 : index
        %get3A_548 = tpu.vector_load %arg13[%get3A_546, %get3A_547] {strides = array<i32>} : memref<32x768xf32, #tpu.memory_space<vmem>>, vector<1x16xf32>,
        %get3A_549 = vector.shape_cast %get3A_548 : vector<1x16xf32> to vector<16xf32>
        %add3A_550 = arith.addf %mul3A_545, %get3A_549 : vector<16xf32>
        %swap3A_551 = arith.index_cast %scan3A_121 : i32 to index
        %swap3A_552 = arith.constant 448 : index
        %swap3A_553 = tpu.vector_load %arg11[%swap3A_551, %swap3A_552] {strides = array<i32>} : memref<32x768xf32, #tpu.memory_space<vmem>>, vector<1x16xf32>,
        %swap3A_554 = vector.shape_cast %swap3A_553 : vector<1x16xf32> to vector<16xf32>
        %swap3A_555 = vector.shape_cast %add3A_550 : vector<16xf32> to vector<1x16xf32>
        tpu.vector_store %arg11[%swap3A_551, %swap3A_552], %swap3A_555 {strides = array<i32>} : memref<32x768xf32, #tpu.memory_space<vmem>>, vector<1x16xf32>,
        %get3A_556 = arith.index_cast %scan3A_121 : i32 to index
        %get3A_557 = arith.constant 464 : index
        %get3A_558 = tpu.vector_load %arg11[%get3A_556, %get3A_557] {strides = array<i32>} : memref<32x768xf32, #tpu.memory_space<vmem>>, vector<1x16xf32>,
        %get3A_559 = vector.shape_cast %get3A_558 : vector<1x16xf32> to vector<16xf32>
        %mul3A_560 = arith.mulf %get3A_559, %get3A_4 : vector<16xf32>
        %get3A_561 = arith.index_cast %scan3A_121 : i32 to index
        %get3A_562 = arith.constant 464 : index
        %get3A_563 = tpu.vector_load %arg13[%get3A_561, %get3A_562] {strides = array<i32>} : memref<32x768xf32, #tpu.memory_space<vmem>>, vector<1x16xf32>,
        %get3A_564 = vector.shape_cast %get3A_563 : vector<1x16xf32> to vector<16xf32>
        %add3A_565 = arith.addf %mul3A_560, %get3A_564 : vector<16xf32>
        %swap3A_566 = arith.index_cast %scan3A_121 : i32 to index
        %swap3A_567 = arith.constant 464 : index
        %swap3A_568 = tpu.vector_load %arg11[%swap3A_566, %swap3A_567] {strides = array<i32>} : memref<32x768xf32, #tpu.memory_space<vmem>>, vector<1x16xf32>,
        %swap3A_569 = vector.shape_cast %swap3A_568 : vector<1x16xf32> to vector<16xf32>
        %swap3A_570 = vector.shape_cast %add3A_565 : vector<16xf32> to vector<1x16xf32>
        tpu.vector_store %arg11[%swap3A_566, %swap3A_567], %swap3A_570 {strides = array<i32>} : memref<32x768xf32, #tpu.memory_space<vmem>>, vector<1x16xf32>,
        %get3A_571 = arith.index_cast %scan3A_121 : i32 to index
        %get3A_572 = arith.constant 480 : index
        %get3A_573 = tpu.vector_load %arg11[%get3A_571, %get3A_572] {strides = array<i32>} : memref<32x768xf32, #tpu.memory_space<vmem>>, vector<1x16xf32>,
        %get3A_574 = vector.shape_cast %get3A_573 : vector<1x16xf32> to vector<16xf32>
        %mul3A_575 = arith.mulf %get3A_574, %get3A_4 : vector<16xf32>
        %get3A_576 = arith.index_cast %scan3A_121 : i32 to index
        %get3A_577 = arith.constant 480 : index
        %get3A_578 = tpu.vector_load %arg13[%get3A_576, %get3A_577] {strides = array<i32>} : memref<32x768xf32, #tpu.memory_space<vmem>>, vector<1x16xf32>,
        %get3A_579 = vector.shape_cast %get3A_578 : vector<1x16xf32> to vector<16xf32>
        %add3A_580 = arith.addf %mul3A_575, %get3A_579 : vector<16xf32>
        %swap3A_581 = arith.index_cast %scan3A_121 : i32 to index
        %swap3A_582 = arith.constant 480 : index
        %swap3A_583 = tpu.vector_load %arg11[%swap3A_581, %swap3A_582] {strides = array<i32>} : memref<32x768xf32, #tpu.memory_space<vmem>>, vector<1x16xf32>,
        %swap3A_584 = vector.shape_cast %swap3A_583 : vector<1x16xf32> to vector<16xf32>
        %swap3A_585 = vector.shape_cast %add3A_580 : vector<16xf32> to vector<1x16xf32>
        tpu.vector_store %arg11[%swap3A_581, %swap3A_582], %swap3A_585 {strides = array<i32>} : memref<32x768xf32, #tpu.memory_space<vmem>>, vector<1x16xf32>,
        %get3A_586 = arith.index_cast %scan3A_121 : i32 to index
        %get3A_587 = arith.constant 496 : index
        %get3A_588 = tpu.vector_load %arg11[%get3A_586, %get3A_587] {strides = array<i32>} : memref<32x768xf32, #tpu.memory_space<vmem>>, vector<1x16xf32>,
        %get3A_589 = vector.shape_cast %get3A_588 : vector<1x16xf32> to vector<16xf32>
        %mul3A_590 = arith.mulf %get3A_589, %get3A_4 : vector<16xf32>
        %get3A_591 = arith.index_cast %scan3A_121 : i32 to index
        %get3A_592 = arith.constant 496 : index
        %get3A_593 = tpu.vector_load %arg13[%get3A_591, %get3A_592] {strides = array<i32>} : memref<32x768xf32, #tpu.memory_space<vmem>>, vector<1x16xf32>,
        %get3A_594 = vector.shape_cast %get3A_593 : vector<1x16xf32> to vector<16xf32>
        %add3A_595 = arith.addf %mul3A_590, %get3A_594 : vector<16xf32>
        %swap3A_596 = arith.index_cast %scan3A_121 : i32 to index
        %swap3A_597 = arith.constant 496 : index
        %swap3A_598 = tpu.vector_load %arg11[%swap3A_596, %swap3A_597] {strides = array<i32>} : memref<32x768xf32, #tpu.memory_space<vmem>>, vector<1x16xf32>,
        %swap3A_599 = vector.shape_cast %swap3A_598 : vector<1x16xf32> to vector<16xf32>
        %swap3A_600 = vector.shape_cast %add3A_595 : vector<16xf32> to vector<1x16xf32>
        tpu.vector_store %arg11[%swap3A_596, %swap3A_597], %swap3A_600 {strides = array<i32>} : memref<32x768xf32, #tpu.memory_space<vmem>>, vector<1x16xf32>,
        %get3A_601 = arith.index_cast %scan3A_121 : i32 to index
        %get3A_602 = arith.constant 512 : index
        %get3A_603 = tpu.vector_load %arg11[%get3A_601, %get3A_602] {strides = array<i32>} : memref<32x768xf32, #tpu.memory_space<vmem>>, vector<1x16xf32>,
        %get3A_604 = vector.shape_cast %get3A_603 : vector<1x16xf32> to vector<16xf32>
        %mul3A_605 = arith.mulf %get3A_604, %get3A_4 : vector<16xf32>
        %get3A_606 = arith.index_cast %scan3A_121 : i32 to index
        %get3A_607 = arith.constant 512 : index
        %get3A_608 = tpu.vector_load %arg13[%get3A_606, %get3A_607] {strides = array<i32>} : memref<32x768xf32, #tpu.memory_space<vmem>>, vector<1x16xf32>,
        %get3A_609 = vector.shape_cast %get3A_608 : vector<1x16xf32> to vector<16xf32>
        %add3A_610 = arith.addf %mul3A_605, %get3A_609 : vector<16xf32>
        %swap3A_611 = arith.index_cast %scan3A_121 : i32 to index
        %swap3A_612 = arith.constant 512 : index
        %swap3A_613 = tpu.vector_load %arg11[%swap3A_611, %swap3A_612] {strides = array<i32>} : memref<32x768xf32, #tpu.memory_space<vmem>>, vector<1x16xf32>,
        %swap3A_614 = vector.shape_cast %swap3A_613 : vector<1x16xf32> to vector<16xf32>
        %swap3A_615 = vector.shape_cast %add3A_610 : vector<16xf32> to vector<1x16xf32>
        tpu.vector_store %arg11[%swap3A_611, %swap3A_612], %swap3A_615 {strides = array<i32>} : memref<32x768xf32, #tpu.memory_space<vmem>>, vector<1x16xf32>,
        %get3A_616 = arith.index_cast %scan3A_121 : i32 to index
        %get3A_617 = arith.constant 528 : index
        %get3A_618 = tpu.vector_load %arg11[%get3A_616, %get3A_617] {strides = array<i32>} : memref<32x768xf32, #tpu.memory_space<vmem>>, vector<1x16xf32>,
        %get3A_619 = vector.shape_cast %get3A_618 : vector<1x16xf32> to vector<16xf32>
        %mul3A_620 = arith.mulf %get3A_619, %get3A_4 : vector<16xf32>
        %get3A_621 = arith.index_cast %scan3A_121 : i32 to index
        %get3A_622 = arith.constant 528 : index
        %get3A_623 = tpu.vector_load %arg13[%get3A_621, %get3A_622] {strides = array<i32>} : memref<32x768xf32, #tpu.memory_space<vmem>>, vector<1x16xf32>,
        %get3A_624 = vector.shape_cast %get3A_623 : vector<1x16xf32> to vector<16xf32>
        %add3A_625 = arith.addf %mul3A_620, %get3A_624 : vector<16xf32>
        %swap3A_626 = arith.index_cast %scan3A_121 : i32 to index
        %swap3A_627 = arith.constant 528 : index
        %swap3A_628 = tpu.vector_load %arg11[%swap3A_626, %swap3A_627] {strides = array<i32>} : memref<32x768xf32, #tpu.memory_space<vmem>>, vector<1x16xf32>,
        %swap3A_629 = vector.shape_cast %swap3A_628 : vector<1x16xf32> to vector<16xf32>
        %swap3A_630 = vector.shape_cast %add3A_625 : vector<16xf32> to vector<1x16xf32>
        tpu.vector_store %arg11[%swap3A_626, %swap3A_627], %swap3A_630 {strides = array<i32>} : memref<32x768xf32, #tpu.memory_space<vmem>>, vector<1x16xf32>,
        %get3A_631 = arith.index_cast %scan3A_121 : i32 to index
        %get3A_632 = arith.constant 544 : index
        %get3A_633 = tpu.vector_load %arg11[%get3A_631, %get3A_632] {strides = array<i32>} : memref<32x768xf32, #tpu.memory_space<vmem>>, vector<1x16xf32>,
        %get3A_634 = vector.shape_cast %get3A_633 : vector<1x16xf32> to vector<16xf32>
        %mul3A_635 = arith.mulf %get3A_634, %get3A_4 : vector<16xf32>
        %get3A_636 = arith.index_cast %scan3A_121 : i32 to index
        %get3A_637 = arith.constant 544 : index
        %get3A_638 = tpu.vector_load %arg13[%get3A_636, %get3A_637] {strides = array<i32>} : memref<32x768xf32, #tpu.memory_space<vmem>>, vector<1x16xf32>,
        %get3A_639 = vector.shape_cast %get3A_638 : vector<1x16xf32> to vector<16xf32>
        %add3A_640 = arith.addf %mul3A_635, %get3A_639 : vector<16xf32>
        %swap3A_641 = arith.index_cast %scan3A_121 : i32 to index
        %swap3A_642 = arith.constant 544 : index
        %swap3A_643 = tpu.vector_load %arg11[%swap3A_641, %swap3A_642] {strides = array<i32>} : memref<32x768xf32, #tpu.memory_space<vmem>>, vector<1x16xf32>,
        %swap3A_644 = vector.shape_cast %swap3A_643 : vector<1x16xf32> to vector<16xf32>
        %swap3A_645 = vector.shape_cast %add3A_640 : vector<16xf32> to vector<1x16xf32>
        tpu.vector_store %arg11[%swap3A_641, %swap3A_642], %swap3A_645 {strides = array<i32>} : memref<32x768xf32, #tpu.memory_space<vmem>>, vector<1x16xf32>,
        %get3A_646 = arith.index_cast %scan3A_121 : i32 to index
        %get3A_647 = arith.constant 560 : index
        %get3A_648 = tpu.vector_load %arg11[%get3A_646, %get3A_647] {strides = array<i32>} : memref<32x768xf32, #tpu.memory_space<vmem>>, vector<1x16xf32>,
        %get3A_649 = vector.shape_cast %get3A_648 : vector<1x16xf32> to vector<16xf32>
        %mul3A_650 = arith.mulf %get3A_649, %get3A_4 : vector<16xf32>
        %get3A_651 = arith.index_cast %scan3A_121 : i32 to index
        %get3A_652 = arith.constant 560 : index
        %get3A_653 = tpu.vector_load %arg13[%get3A_651, %get3A_652] {strides = array<i32>} : memref<32x768xf32, #tpu.memory_space<vmem>>, vector<1x16xf32>,
        %get3A_654 = vector.shape_cast %get3A_653 : vector<1x16xf32> to vector<16xf32>
        %add3A_655 = arith.addf %mul3A_650, %get3A_654 : vector<16xf32>
        %swap3A_656 = arith.index_cast %scan3A_121 : i32 to index
        %swap3A_657 = arith.constant 560 : index
        %swap3A_658 = tpu.vector_load %arg11[%swap3A_656, %swap3A_657] {strides = array<i32>} : memref<32x768xf32, #tpu.memory_space<vmem>>, vector<1x16xf32>,
        %swap3A_659 = vector.shape_cast %swap3A_658 : vector<1x16xf32> to vector<16xf32>
        %swap3A_660 = vector.shape_cast %add3A_655 : vector<16xf32> to vector<1x16xf32>
        tpu.vector_store %arg11[%swap3A_656, %swap3A_657], %swap3A_660 {strides = array<i32>} : memref<32x768xf32, #tpu.memory_space<vmem>>, vector<1x16xf32>,
        %get3A_661 = arith.index_cast %scan3A_121 : i32 to index
        %get3A_662 = arith.constant 576 : index
        %get3A_663 = tpu.vector_load %arg11[%get3A_661, %get3A_662] {strides = array<i32>} : memref<32x768xf32, #tpu.memory_space<vmem>>, vector<1x16xf32>,
        %get3A_664 = vector.shape_cast %get3A_663 : vector<1x16xf32> to vector<16xf32>
        %mul3A_665 = arith.mulf %get3A_664, %get3A_4 : vector<16xf32>
        %get3A_666 = arith.index_cast %scan3A_121 : i32 to index
        %get3A_667 = arith.constant 576 : index
        %get3A_668 = tpu.vector_load %arg13[%get3A_666, %get3A_667] {strides = array<i32>} : memref<32x768xf32, #tpu.memory_space<vmem>>, vector<1x16xf32>,
        %get3A_669 = vector.shape_cast %get3A_668 : vector<1x16xf32> to vector<16xf32>
        %add3A_670 = arith.addf %mul3A_665, %get3A_669 : vector<16xf32>
        %swap3A_671 = arith.index_cast %scan3A_121 : i32 to index
        %swap3A_672 = arith.constant 576 : index
        %swap3A_673 = tpu.vector_load %arg11[%swap3A_671, %swap3A_672] {strides = array<i32>} : memref<32x768xf32, #tpu.memory_space<vmem>>, vector<1x16xf32>,
        %swap3A_674 = vector.shape_cast %swap3A_673 : vector<1x16xf32> to vector<16xf32>
        %swap3A_675 = vector.shape_cast %add3A_670 : vector<16xf32> to vector<1x16xf32>
        tpu.vector_store %arg11[%swap3A_671, %swap3A_672], %swap3A_675 {strides = array<i32>} : memref<32x768xf32, #tpu.memory_space<vmem>>, vector<1x16xf32>,
        %get3A_676 = arith.index_cast %scan3A_121 : i32 to index
        %get3A_677 = arith.constant 592 : index
        %get3A_678 = tpu.vector_load %arg11[%get3A_676, %get3A_677] {strides = array<i32>} : memref<32x768xf32, #tpu.memory_space<vmem>>, vector<1x16xf32>,
        %get3A_679 = vector.shape_cast %get3A_678 : vector<1x16xf32> to vector<16xf32>
        %mul3A_680 = arith.mulf %get3A_679, %get3A_4 : vector<16xf32>
        %get3A_681 = arith.index_cast %scan3A_121 : i32 to index
        %get3A_682 = arith.constant 592 : index
        %get3A_683 = tpu.vector_load %arg13[%get3A_681, %get3A_682] {strides = array<i32>} : memref<32x768xf32, #tpu.memory_space<vmem>>, vector<1x16xf32>,
        %get3A_684 = vector.shape_cast %get3A_683 : vector<1x16xf32> to vector<16xf32>
        %add3A_685 = arith.addf %mul3A_680, %get3A_684 : vector<16xf32>
        %swap3A_686 = arith.index_cast %scan3A_121 : i32 to index
        %swap3A_687 = arith.constant 592 : index
        %swap3A_688 = tpu.vector_load %arg11[%swap3A_686, %swap3A_687] {strides = array<i32>} : memref<32x768xf32, #tpu.memory_space<vmem>>, vector<1x16xf32>,
        %swap3A_689 = vector.shape_cast %swap3A_688 : vector<1x16xf32> to vector<16xf32>
        %swap3A_690 = vector.shape_cast %add3A_685 : vector<16xf32> to vector<1x16xf32>
        tpu.vector_store %arg11[%swap3A_686, %swap3A_687], %swap3A_690 {strides = array<i32>} : memref<32x768xf32, #tpu.memory_space<vmem>>, vector<1x16xf32>,
        %get3A_691 = arith.index_cast %scan3A_121 : i32 to index
        %get3A_692 = arith.constant 608 : index
        %get3A_693 = tpu.vector_load %arg11[%get3A_691, %get3A_692] {strides = array<i32>} : memref<32x768xf32, #tpu.memory_space<vmem>>, vector<1x16xf32>,
        %get3A_694 = vector.shape_cast %get3A_693 : vector<1x16xf32> to vector<16xf32>
        %mul3A_695 = arith.mulf %get3A_694, %get3A_4 : vector<16xf32>
        %get3A_696 = arith.index_cast %scan3A_121 : i32 to index
        %get3A_697 = arith.constant 608 : index
        %get3A_698 = tpu.vector_load %arg13[%get3A_696, %get3A_697] {strides = array<i32>} : memref<32x768xf32, #tpu.memory_space<vmem>>, vector<1x16xf32>,
        %get3A_699 = vector.shape_cast %get3A_698 : vector<1x16xf32> to vector<16xf32>
        %add3A_700 = arith.addf %mul3A_695, %get3A_699 : vector<16xf32>
        %swap3A_701 = arith.index_cast %scan3A_121 : i32 to index
        %swap3A_702 = arith.constant 608 : index
        %swap3A_703 = tpu.vector_load %arg11[%swap3A_701, %swap3A_702] {strides = array<i32>} : memref<32x768xf32, #tpu.memory_space<vmem>>, vector<1x16xf32>,
        %swap3A_704 = vector.shape_cast %swap3A_703 : vector<1x16xf32> to vector<16xf32>
        %swap3A_705 = vector.shape_cast %add3A_700 : vector<16xf32> to vector<1x16xf32>
        tpu.vector_store %arg11[%swap3A_701, %swap3A_702], %swap3A_705 {strides = array<i32>} : memref<32x768xf32, #tpu.memory_space<vmem>>, vector<1x16xf32>,
        %get3A_706 = arith.index_cast %scan3A_121 : i32 to index
        %get3A_707 = arith.constant 624 : index
        %get3A_708 = tpu.vector_load %arg11[%get3A_706, %get3A_707] {strides = array<i32>} : memref<32x768xf32, #tpu.memory_space<vmem>>, vector<1x16xf32>,
        %get3A_709 = vector.shape_cast %get3A_708 : vector<1x16xf32> to vector<16xf32>
        %mul3A_710 = arith.mulf %get3A_709, %get3A_4 : vector<16xf32>
        %get3A_711 = arith.index_cast %scan3A_121 : i32 to index
        %get3A_712 = arith.constant 624 : index
        %get3A_713 = tpu.vector_load %arg13[%get3A_711, %get3A_712] {strides = array<i32>} : memref<32x768xf32, #tpu.memory_space<vmem>>, vector<1x16xf32>,
        %get3A_714 = vector.shape_cast %get3A_713 : vector<1x16xf32> to vector<16xf32>
        %add3A_715 = arith.addf %mul3A_710, %get3A_714 : vector<16xf32>
        %swap3A_716 = arith.index_cast %scan3A_121 : i32 to index
        %swap3A_717 = arith.constant 624 : index
        %swap3A_718 = tpu.vector_load %arg11[%swap3A_716, %swap3A_717] {strides = array<i32>} : memref<32x768xf32, #tpu.memory_space<vmem>>, vector<1x16xf32>,
        %swap3A_719 = vector.shape_cast %swap3A_718 : vector<1x16xf32> to vector<16xf32>
        %swap3A_720 = vector.shape_cast %add3A_715 : vector<16xf32> to vector<1x16xf32>
        tpu.vector_store %arg11[%swap3A_716, %swap3A_717], %swap3A_720 {strides = array<i32>} : memref<32x768xf32, #tpu.memory_space<vmem>>, vector<1x16xf32>,
        %get3A_721 = arith.index_cast %scan3A_121 : i32 to index
        %get3A_722 = arith.constant 640 : index
        %get3A_723 = tpu.vector_load %arg11[%get3A_721, %get3A_722] {strides = array<i32>} : memref<32x768xf32, #tpu.memory_space<vmem>>, vector<1x16xf32>,
        %get3A_724 = vector.shape_cast %get3A_723 : vector<1x16xf32> to vector<16xf32>
        %mul3A_725 = arith.mulf %get3A_724, %get3A_4 : vector<16xf32>
        %get3A_726 = arith.index_cast %scan3A_121 : i32 to index
        %get3A_727 = arith.constant 640 : index
        %get3A_728 = tpu.vector_load %arg13[%get3A_726, %get3A_727] {strides = array<i32>} : memref<32x768xf32, #tpu.memory_space<vmem>>, vector<1x16xf32>,
        %get3A_729 = vector.shape_cast %get3A_728 : vector<1x16xf32> to vector<16xf32>
        %add3A_730 = arith.addf %mul3A_725, %get3A_729 : vector<16xf32>
        %swap3A_731 = arith.index_cast %scan3A_121 : i32 to index
        %swap3A_732 = arith.constant 640 : index
        %swap3A_733 = tpu.vector_load %arg11[%swap3A_731, %swap3A_732] {strides = array<i32>} : memref<32x768xf32, #tpu.memory_space<vmem>>, vector<1x16xf32>,
        %swap3A_734 = vector.shape_cast %swap3A_733 : vector<1x16xf32> to vector<16xf32>
        %swap3A_735 = vector.shape_cast %add3A_730 : vector<16xf32> to vector<1x16xf32>
        tpu.vector_store %arg11[%swap3A_731, %swap3A_732], %swap3A_735 {strides = array<i32>} : memref<32x768xf32, #tpu.memory_space<vmem>>, vector<1x16xf32>,
        %get3A_736 = arith.index_cast %scan3A_121 : i32 to index
        %get3A_737 = arith.constant 656 : index
        %get3A_738 = tpu.vector_load %arg11[%get3A_736, %get3A_737] {strides = array<i32>} : memref<32x768xf32, #tpu.memory_space<vmem>>, vector<1x16xf32>,
        %get3A_739 = vector.shape_cast %get3A_738 : vector<1x16xf32> to vector<16xf32>
        %mul3A_740 = arith.mulf %get3A_739, %get3A_4 : vector<16xf32>
        %get3A_741 = arith.index_cast %scan3A_121 : i32 to index
        %get3A_742 = arith.constant 656 : index
        %get3A_743 = tpu.vector_load %arg13[%get3A_741, %get3A_742] {strides = array<i32>} : memref<32x768xf32, #tpu.memory_space<vmem>>, vector<1x16xf32>,
        %get3A_744 = vector.shape_cast %get3A_743 : vector<1x16xf32> to vector<16xf32>
        %add3A_745 = arith.addf %mul3A_740, %get3A_744 : vector<16xf32>
        %swap3A_746 = arith.index_cast %scan3A_121 : i32 to index
        %swap3A_747 = arith.constant 656 : index
        %swap3A_748 = tpu.vector_load %arg11[%swap3A_746, %swap3A_747] {strides = array<i32>} : memref<32x768xf32, #tpu.memory_space<vmem>>, vector<1x16xf32>,
        %swap3A_749 = vector.shape_cast %swap3A_748 : vector<1x16xf32> to vector<16xf32>
        %swap3A_750 = vector.shape_cast %add3A_745 : vector<16xf32> to vector<1x16xf32>
        tpu.vector_store %arg11[%swap3A_746, %swap3A_747], %swap3A_750 {strides = array<i32>} : memref<32x768xf32, #tpu.memory_space<vmem>>, vector<1x16xf32>,
        %get3A_751 = arith.index_cast %scan3A_121 : i32 to index
        %get3A_752 = arith.constant 672 : index
        %get3A_753 = tpu.vector_load %arg11[%get3A_751, %get3A_752] {strides = array<i32>} : memref<32x768xf32, #tpu.memory_space<vmem>>, vector<1x16xf32>,
        %get3A_754 = vector.shape_cast %get3A_753 : vector<1x16xf32> to vector<16xf32>
        %mul3A_755 = arith.mulf %get3A_754, %get3A_4 : vector<16xf32>
        %get3A_756 = arith.index_cast %scan3A_121 : i32 to index
        %get3A_757 = arith.constant 672 : index
        %get3A_758 = tpu.vector_load %arg13[%get3A_756, %get3A_757] {strides = array<i32>} : memref<32x768xf32, #tpu.memory_space<vmem>>, vector<1x16xf32>,
        %get3A_759 = vector.shape_cast %get3A_758 : vector<1x16xf32> to vector<16xf32>
        %add3A_760 = arith.addf %mul3A_755, %get3A_759 : vector<16xf32>
        %swap3A_761 = arith.index_cast %scan3A_121 : i32 to index
        %swap3A_762 = arith.constant 672 : index
        %swap3A_763 = tpu.vector_load %arg11[%swap3A_761, %swap3A_762] {strides = array<i32>} : memref<32x768xf32, #tpu.memory_space<vmem>>, vector<1x16xf32>,
        %swap3A_764 = vector.shape_cast %swap3A_763 : vector<1x16xf32> to vector<16xf32>
        %swap3A_765 = vector.shape_cast %add3A_760 : vector<16xf32> to vector<1x16xf32>
        tpu.vector_store %arg11[%swap3A_761, %swap3A_762], %swap3A_765 {strides = array<i32>} : memref<32x768xf32, #tpu.memory_space<vmem>>, vector<1x16xf32>,
        %get3A_766 = arith.index_cast %scan3A_121 : i32 to index
        %get3A_767 = arith.constant 688 : index
        %get3A_768 = tpu.vector_load %arg11[%get3A_766, %get3A_767] {strides = array<i32>} : memref<32x768xf32, #tpu.memory_space<vmem>>, vector<1x16xf32>,
        %get3A_769 = vector.shape_cast %get3A_768 : vector<1x16xf32> to vector<16xf32>
        %mul3A_770 = arith.mulf %get3A_769, %get3A_4 : vector<16xf32>
        %get3A_771 = arith.index_cast %scan3A_121 : i32 to index
        %get3A_772 = arith.constant 688 : index
        %get3A_773 = tpu.vector_load %arg13[%get3A_771, %get3A_772] {strides = array<i32>} : memref<32x768xf32, #tpu.memory_space<vmem>>, vector<1x16xf32>,
        %get3A_774 = vector.shape_cast %get3A_773 : vector<1x16xf32> to vector<16xf32>
        %add3A_775 = arith.addf %mul3A_770, %get3A_774 : vector<16xf32>
        %swap3A_776 = arith.index_cast %scan3A_121 : i32 to index
        %swap3A_777 = arith.constant 688 : index
        %swap3A_778 = tpu.vector_load %arg11[%swap3A_776, %swap3A_777] {strides = array<i32>} : memref<32x768xf32, #tpu.memory_space<vmem>>, vector<1x16xf32>,
        %swap3A_779 = vector.shape_cast %swap3A_778 : vector<1x16xf32> to vector<16xf32>
        %swap3A_780 = vector.shape_cast %add3A_775 : vector<16xf32> to vector<1x16xf32>
        tpu.vector_store %arg11[%swap3A_776, %swap3A_777], %swap3A_780 {strides = array<i32>} : memref<32x768xf32, #tpu.memory_space<vmem>>, vector<1x16xf32>,
        %get3A_781 = arith.index_cast %scan3A_121 : i32 to index
        %get3A_782 = arith.constant 704 : index
        %get3A_783 = tpu.vector_load %arg11[%get3A_781, %get3A_782] {strides = array<i32>} : memref<32x768xf32, #tpu.memory_space<vmem>>, vector<1x16xf32>,
        %get3A_784 = vector.shape_cast %get3A_783 : vector<1x16xf32> to vector<16xf32>
        %mul3A_785 = arith.mulf %get3A_784, %get3A_4 : vector<16xf32>
        %get3A_786 = arith.index_cast %scan3A_121 : i32 to index
        %get3A_787 = arith.constant 704 : index
        %get3A_788 = tpu.vector_load %arg13[%get3A_786, %get3A_787] {strides = array<i32>} : memref<32x768xf32, #tpu.memory_space<vmem>>, vector<1x16xf32>,
        %get3A_789 = vector.shape_cast %get3A_788 : vector<1x16xf32> to vector<16xf32>
        %add3A_790 = arith.addf %mul3A_785, %get3A_789 : vector<16xf32>
        %swap3A_791 = arith.index_cast %scan3A_121 : i32 to index
        %swap3A_792 = arith.constant 704 : index
        %swap3A_793 = tpu.vector_load %arg11[%swap3A_791, %swap3A_792] {strides = array<i32>} : memref<32x768xf32, #tpu.memory_space<vmem>>, vector<1x16xf32>,
        %swap3A_794 = vector.shape_cast %swap3A_793 : vector<1x16xf32> to vector<16xf32>
        %swap3A_795 = vector.shape_cast %add3A_790 : vector<16xf32> to vector<1x16xf32>
        tpu.vector_store %arg11[%swap3A_791, %swap3A_792], %swap3A_795 {strides = array<i32>} : memref<32x768xf32, #tpu.memory_space<vmem>>, vector<1x16xf32>,
        %get3A_796 = arith.index_cast %scan3A_121 : i32 to index
        %get3A_797 = arith.constant 720 : index
        %get3A_798 = tpu.vector_load %arg11[%get3A_796, %get3A_797] {strides = array<i32>} : memref<32x768xf32, #tpu.memory_space<vmem>>, vector<1x16xf32>,
        %get3A_799 = vector.shape_cast %get3A_798 : vector<1x16xf32> to vector<16xf32>
        %mul3A_800 = arith.mulf %get3A_799, %get3A_4 : vector<16xf32>
        %get3A_801 = arith.index_cast %scan3A_121 : i32 to index
        %get3A_802 = arith.constant 720 : index
        %get3A_803 = tpu.vector_load %arg13[%get3A_801, %get3A_802] {strides = array<i32>} : memref<32x768xf32, #tpu.memory_space<vmem>>, vector<1x16xf32>,
        %get3A_804 = vector.shape_cast %get3A_803 : vector<1x16xf32> to vector<16xf32>
        %add3A_805 = arith.addf %mul3A_800, %get3A_804 : vector<16xf32>
        %swap3A_806 = arith.index_cast %scan3A_121 : i32 to index
        %swap3A_807 = arith.constant 720 : index
        %swap3A_808 = tpu.vector_load %arg11[%swap3A_806, %swap3A_807] {strides = array<i32>} : memref<32x768xf32, #tpu.memory_space<vmem>>, vector<1x16xf32>,
        %swap3A_809 = vector.shape_cast %swap3A_808 : vector<1x16xf32> to vector<16xf32>
        %swap3A_810 = vector.shape_cast %add3A_805 : vector<16xf32> to vector<1x16xf32>
        tpu.vector_store %arg11[%swap3A_806, %swap3A_807], %swap3A_810 {strides = array<i32>} : memref<32x768xf32, #tpu.memory_space<vmem>>, vector<1x16xf32>,
        %get3A_811 = arith.index_cast %scan3A_121 : i32 to index
        %get3A_812 = arith.constant 736 : index
        %get3A_813 = tpu.vector_load %arg11[%get3A_811, %get3A_812] {strides = array<i32>} : memref<32x768xf32, #tpu.memory_space<vmem>>, vector<1x16xf32>,
        %get3A_814 = vector.shape_cast %get3A_813 : vector<1x16xf32> to vector<16xf32>
        %mul3A_815 = arith.mulf %get3A_814, %get3A_4 : vector<16xf32>
        %get3A_816 = arith.index_cast %scan3A_121 : i32 to index
        %get3A_817 = arith.constant 736 : index
        %get3A_818 = tpu.vector_load %arg13[%get3A_816, %get3A_817] {strides = array<i32>} : memref<32x768xf32, #tpu.memory_space<vmem>>, vector<1x16xf32>,
        %get3A_819 = vector.shape_cast %get3A_818 : vector<1x16xf32> to vector<16xf32>
        %add3A_820 = arith.addf %mul3A_815, %get3A_819 : vector<16xf32>
        %swap3A_821 = arith.index_cast %scan3A_121 : i32 to index
        %swap3A_822 = arith.constant 736 : index
        %swap3A_823 = tpu.vector_load %arg11[%swap3A_821, %swap3A_822] {strides = array<i32>} : memref<32x768xf32, #tpu.memory_space<vmem>>, vector<1x16xf32>,
        %swap3A_824 = vector.shape_cast %swap3A_823 : vector<1x16xf32> to vector<16xf32>
        %swap3A_825 = vector.shape_cast %add3A_820 : vector<16xf32> to vector<1x16xf32>
        tpu.vector_store %arg11[%swap3A_821, %swap3A_822], %swap3A_825 {strides = array<i32>} : memref<32x768xf32, #tpu.memory_space<vmem>>, vector<1x16xf32>,
        %get3A_826 = arith.index_cast %scan3A_121 : i32 to index
        %get3A_827 = arith.constant 752 : index
        %get3A_828 = tpu.vector_load %arg11[%get3A_826, %get3A_827] {strides = array<i32>} : memref<32x768xf32, #tpu.memory_space<vmem>>, vector<1x16xf32>,
        %get3A_829 = vector.shape_cast %get3A_828 : vector<1x16xf32> to vector<16xf32>
        %mul3A_830 = arith.mulf %get3A_829, %get3A_4 : vector<16xf32>
        %get3A_831 = arith.index_cast %scan3A_121 : i32 to index
        %get3A_832 = arith.constant 752 : index
        %get3A_833 = tpu.vector_load %arg13[%get3A_831, %get3A_832] {strides = array<i32>} : memref<32x768xf32, #tpu.memory_space<vmem>>, vector<1x16xf32>,
        %get3A_834 = vector.shape_cast %get3A_833 : vector<1x16xf32> to vector<16xf32>
        %add3A_835 = arith.addf %mul3A_830, %get3A_834 : vector<16xf32>
        %swap3A_836 = arith.index_cast %scan3A_121 : i32 to index
        %swap3A_837 = arith.constant 752 : index
        %swap3A_838 = tpu.vector_load %arg11[%swap3A_836, %swap3A_837] {strides = array<i32>} : memref<32x768xf32, #tpu.memory_space<vmem>>, vector<1x16xf32>,
        %swap3A_839 = vector.shape_cast %swap3A_838 : vector<1x16xf32> to vector<16xf32>
        %swap3A_840 = vector.shape_cast %add3A_835 : vector<16xf32> to vector<1x16xf32>
        tpu.vector_store %arg11[%swap3A_836, %swap3A_837], %swap3A_840 {strides = array<i32>} : memref<32x768xf32, #tpu.memory_space<vmem>>, vector<1x16xf32>,
      }
      %scan3A_112 = arith.constant 32 : i32
      %mul3A_113 = arith.constant 32 : i32
      %mul3A_114 = arith.muli %add3A_78, %mul3A_113 : i32
      %add3A_115 = arith.addi %mul3A_2, %mul3A_114 : i32
      %multiple_of3A_116 = tpu.assume_multiple %add3A_115, 32 : i32
      %dma_start3A_117 = arith.constant 0 : i32
      %dma_start3A_118 = tpu.memref_slice %arg7[%multiple_of3A_116, %dma_start3A_117] : memref<32768x768xf32, #tpu.memory_space<hbm>> -> memref<32x768xf32, #tpu.memory_space<hbm>>
      %dma_start3A_119 = arith.constant 0 : i32
      %dma_start3A_120 = tpu.memref_slice %arg7[%multiple_of3A_116, %dma_start3A_119] : memref<32768x768xf32, #tpu.memory_space<hbm>> -> memref<32x768xf32, #tpu.memory_space<hbm>>
      tpu.enqueue_dma source(%arg11 : memref<32x768xf32, #tpu.memory_space<vmem>>) target(%dma_start3A_120 : memref<32x768xf32, #tpu.memory_space<hbm>>) target_semaphore(%arg18 : memref<!tpu.dma_semaphore, #tpu.memory_space<semaphore_mem>>)
    }
    %scan3A_19 = arith.constant 16 : i32
    %add3A_20 = arith.constant 960 : i32
    %add3A_21 = arith.addi %mul3A_2, %add3A_20 : i32
    %multiple_of3A_22 = tpu.assume_multiple %add3A_21, 32 : i32
    %dma_wait3A = arith.constant 0 : i32
    %dma_wait3A_23 = tpu.memref_slice %arg7[%multiple_of3A_22, %dma_wait3A] : memref<32768x768xf32, #tpu.memory_space<hbm>> -> memref<32x768xf32, #tpu.memory_space<hbm>>
    %dma_wait3A_24 = arith.constant 0 : i32
    %dma_wait3A_25 = tpu.memref_slice %arg7[%multiple_of3A_22, %dma_wait3A_24] : memref<32768x768xf32, #tpu.memory_space<hbm>> -> memref<32x768xf32, #tpu.memory_space<hbm>>
    tpu.wait_dma2 semaphore(%arg17 : memref<!tpu.dma_semaphore, #tpu.memory_space<semaphore_mem>>) src(%arg10 : memref<32x768xf32, #tpu.memory_space<vmem>>) dst(%dma_wait3A_25 : memref<32x768xf32, #tpu.memory_space<hbm>>)
    %add3A_26 = arith.constant 992 : i32
    %add3A_27 = arith.addi %mul3A_2, %add3A_26 : i32
    %multiple_of3A_28 = tpu.assume_multiple %add3A_27, 32 : i32
    %dma_wait3A_29 = arith.constant 0 : i32
    %dma_wait3A_30 = tpu.memref_slice %arg7[%multiple_of3A_28, %dma_wait3A_29] : memref<32768x768xf32, #tpu.memory_space<hbm>> -> memref<32x768xf32, #tpu.memory_space<hbm>>
    %dma_wait3A_31 = arith.constant 0 : i32
    %dma_wait3A_32 = tpu.memref_slice %arg7[%multiple_of3A_28, %dma_wait3A_31] : memref<32768x768xf32, #tpu.memory_space<hbm>> -> memref<32x768xf32, #tpu.memory_space<hbm>>
    tpu.wait_dma2 semaphore(%arg18 : memref<!tpu.dma_semaphore, #tpu.memory_space<semaphore_mem>>) src(%arg11 : memref<32x768xf32, #tpu.memory_space<vmem>>) dst(%dma_wait3A_32 : memref<32x768xf32, #tpu.memory_space<hbm>>)
    return
  }
}

module attributes {stable_mosaic.version = 14 : i64} {
  func.func @_pt_body(%arg0: i32, %arg1: memref<1024x768xf32, #tpu.memory_space<vmem>>, %arg2: memref<2x768xf32, #tpu.memory_space<vmem>>, %arg3: memref<2048x768xf32, #tpu.memory_space<vmem>>) attributes {dimension_semantics = [#tpu.dimension_semantics<arbitrary>], iteration_bounds = array<i64: 8>, scalar_prefetch = 0 : i64, scratch_operands = 0 : i64, tpu.core_type = #tpu.core_type<tc>, window_params = [{transform_indices = @transform_0, window_bounds = array<i64: 1024, 768>}, {pipeline_mode = #tpu.pipeline_mode<synchronous>, transform_indices = @transform_1, window_bounds = array<i64: 2, 768>}, {transform_indices = @transform_2, window_bounds = array<i64: 2048, 768>}]} {
    %get3A = arith.constant 0 : index
    %get3A_0 = arith.constant 0 : index
    %get3A_1 = vector.load %arg1[%get3A, %get3A_0] : memref<1024x768xf32, #tpu.memory_space<vmem>>, vector<1024x768xf32>
    %get3A_2 = arith.constant 0 : index
    %get3A_3 = arith.constant 0 : index
    %get3A_4 = vector.load %arg2[%get3A_2, %get3A_3] : memref<2x768xf32, #tpu.memory_space<vmem>>, vector<2x768xf32>
    %broadcast_in_dim3A = vector.shape_cast %get3A_1 : vector<1024x768xf32> to vector<1024x1x768xf32>
    %broadcast_in_dim3A_5 = vector.shape_cast %get3A_4 : vector<2x768xf32> to vector<1x2x768xf32>
    %add3A = vector.broadcast %broadcast_in_dim3A : vector<1024x1x768xf32> to vector<1024x2x768xf32>
    %add3A_6 = vector.broadcast %broadcast_in_dim3A_5 : vector<1x2x768xf32> to vector<1024x2x768xf32>
    %add3A_7 = arith.addf %add3A, %add3A_6 : vector<1024x2x768xf32>
    %reshape3A = vector.shape_cast %add3A_7 : vector<1024x2x768xf32> to vector<2048x768xf32>
    %swap3A = arith.constant 0 : index
    %swap3A_8 = arith.constant 0 : index
    %swap3A_9 = vector.load %arg3[%swap3A, %swap3A_8] : memref<2048x768xf32, #tpu.memory_space<vmem>>, vector<2048x768xf32>
    tpu.vector_store %arg3[%swap3A, %swap3A_8], %reshape3A {strides = array<i32>} : memref<2048x768xf32, #tpu.memory_space<vmem>>, vector<2048x768xf32>,
    return
  }
  func.func @transform_0(%arg0: i32) -> (i32, i32) {
    %c0_i32 = arith.constant 0 : i32
    %c0_i32_0 = arith.constant 0 : i32
    return %arg0, %c0_i32 : i32, i32
  }
  func.func @transform_1(%arg0: i32) -> (i32, i32) {
    %c0_i32 = arith.constant 0 : i32
    %c0_i32_0 = arith.constant 0 : i32
    %c0_i32_1 = arith.constant 0 : i32
    return %c0_i32, %c0_i32_0 : i32, i32
  }
  func.func @transform_2(%arg0: i32) -> (i32, i32) {
    %c0_i32 = arith.constant 0 : i32
    %c0_i32_0 = arith.constant 0 : i32
    return %arg0, %c0_i32 : i32, i32
  }
}

</mosaic_0001>

<sc_bundles>
// kernel: kernel.4.cloned.1.call-start
scs
__scs_entry_jumppad:
0x0: {  	(pc) =	sbr.rel $0x88, $3  }
0x1: {  	(tag) =	ssettag $0x0;
	lr =	simm.s32 $0x1  }
0x2: {  	[smem:$0x3F9A] =	sst lr;
	_ =	strace $0xD0000000  }
0x3: {  	_ = 	snop  }
0x4: {  	_ = 	snop  }
0x5: {  	_ = 	snop  }
0x6: {  	_ = 	snop  }
0x7: {  	_ = 	snop  }
__scs_overlays_trampoline_lowered:
0x8: {  	[smem:$0x3FA9] =	sst s0  }
0x9: {  	[smem:$0x3FAA] =	sst s1  }
0xa: {  	[smem:$0x3FAB] =	sst s2  }
0xb: {  	[smem:$0x3FAC] =	sst s3  }
0xc: {  	[smem:$0x3FAD] =	sst s4  }
0xd: {  	[smem:$0x3FAE] =	sst s5  }
0xe: {  	[smem:$0x3FAF] =	sst s6  }
0xf: {  	[smem:$0x3FB0] =	sst s7  }
0x10: {  	[smem:$0x3FB1] =	sst s8  }
0x11: {  	[smem:$0x3FB2] =	sst s9;
	s0 =	simm.s32 @!p0 $0x0  }
0x12: {  	s1 =	sld [smem:$0x3F98];
	s0 =	simm.s32 @p0 $0x1  }
0x13: {  	[smem:$0x3FB3] =	sst s0;
	s0 =	simm.s32 @!p1 $0x0  }
0x14: {  	s2 =	sld [smem:$0x3F97];
	s0 =	simm.s32 @p1 $0x1  }
0x15: {  	[smem:$0x3FB4] =	sst s0;
	s0 =	simm.s32 @!p2 $0x0  }
0x16: {  	s3 =	sld [smem:$0x3FDB];
	s0 =	simm.s32 @p2 $0x1  }
0x17: {  	s4 =	simm.s32 $0x1BF5;
	[smem:$0x3FB6] =	sst s0  }
0x18: {  	s0 =	sld [smem:$0x3F99];
	_ =	swait.ge [sflag:s4], $0x0  }
0x19: {  	s7 =	sld [smem:$0x3F9A]  }
0x1a: {  	s8 =	sadd.s32 $0xFFFFE003, lr  }
0x1b: {  	s9 =	sadd.s32 $0xFFFFFEF7, lr;
	s5 =	simm.s32 $0xFFFFFFFF;
	p2 =	slt.u32 s8, $0xFFFFF086  }
0x1c: {  	p1 =	slt.u32 s9, $0xF7A;
	s5 =	simm.s32 @!p2 $0x0  }
0x1d: {  	s5 =	simm.s32 @p1 $0x1;
	p0 =	seq.s32 s7, s2  }
0x1e: {  	s7 =	smul.u32 @!p0 $0xF7A, s2;
	p2 =	seq.s32 @!p0 s5, $0x0  }
0x1f: {  	s9 =	smul.u32 $0xF7A, s1;
	s8 =	simm.s32 @!p0 $0x1BF5;
	p2 =	por !p2, p0  }
0x20: {  	[sflag:s8] =	ssyncset.s32 @!p0 $0xFFFFF086;
	s6 =	sadd.s32 @!p0 s3, s7;
	s7 =	simm.s32 @!p0 $0x108  }
0x21: {  	s3 =	sadd.s32 s3, s9;
	s6 =	sadd.s32 @!p0 $0x88, s6;
	s7 =	simm.s32 @p2 $0x1082  }
0x22: {  	[simem:s7], [sflag:s8] =	dma.local @!p0 [hbm:s6], $0xF7A  }
0x23: {  	s9 =	sor.u32 $0xD0000000, s2;
	s6 =	simm.s32 $0x108;
	_ =	swait.ge @!p0 [sflag:s8], $0x0  }
0x24: {  	s3 =	sadd.s32 $0x88, s3;
	s6 =	simm.s32 @!p1 $0x1082;
	[sflag:s4] =	ssyncset.s32 $0xFFFFF086  }
0x25: {  	[simem:s6], [sflag:s4] =	dma.local [hbm:s3], $0xF7A  }
0x26: {  	[smem:$0x3F9A] =	sst s1;
	(tag) =	ssettag s2;
	_ =	strace s9  }
0x27: {  	s1 =	sld [smem:$0x3FAA]  }
0x28: {  	s2 =	sld [smem:$0x3FAB]  }
0x29: {  	s4 =	sld [smem:$0x3FAD]  }
0x2a: {  	p0 =	seq.s32 s5, $0x0;
	s5 =	sld [smem:$0x3FAE]  }
0x2b: {  	s6 =	sld [smem:$0x3FAF]  }
0x2c: {  	s7 =	sld [smem:$0x3FB0]  }
0x2d: {  	s3 =	simm.s32 $0x108;
	s8 =	sld [smem:$0x3FB1]  }
0x2e: {  	s3 =	simm.s32 @!p0 $0x1082;
	s9 =	sld [smem:$0x3FB2]  }
0x2f: {  	lr =	sadd.s32 s0, s3;
	s0 =	sld [smem:$0x3FA9]  }
0x30: {  	s3 =	sld [smem:$0x3FAC]  }
0x31: {  	[smem:$0x3FB5] =	sst s10  }
0x32: {  	s10 =	sld [smem:$0x3FB3];
	_ =	sdelay $0x3  }
0x33: {  	p0 =	seq.s32 s10, $0x1;
	s10 =	sld [smem:$0x3FB5];
	_ =	sdelay $0x3  }
0x34: {  	[smem:$0x3FB5] =	sst s10  }
0x35: {  	s10 =	sld [smem:$0x3FB4];
	_ =	sdelay $0x3  }
0x36: {  	p1 =	seq.s32 s10, $0x1;
	s10 =	sld [smem:$0x3FB5];
	_ =	sdelay $0x3  }
0x37: {  	[smem:$0x3FB5] =	sst s10  }
0x38: {  	s10 =	sld [smem:$0x3FB6]  }
0x39: {  	_ = 	snop;
	(pc) =	sbr.ind lr, $3  }
0x3a: {  	_ = 	snop  }
0x3b: {  	_ = 	snop  }
0x3c: {  	p2 =	seq.s32 s10, $0x1;
	s10 =	sld [smem:$0x3FB5]  }
0x3d: {  	_ =	shalt  }
0x3e: {  	_ =	shalt  }
0x3f: {  	_ =	shalt  }
0x40: {  	_ =	shalt  }
0x41: {  	_ =	shalt  }
0x42: {  	_ =	shalt  }
0x43: {  	_ =	shalt  }
0x44: {  	_ =	shalt  }
0x45: {  	_ =	shalt  }
0x46: {  	_ =	shalt  }
0x47: {  	_ =	shalt  }
0x48: {  	_ =	shalt  }
0x49: {  	_ =	shalt  }
0x4a: {  	_ =	shalt  }
0x4b: {  	_ =	shalt  }
0x4c: {  	_ =	shalt  }
0x4d: {  	_ =	shalt  }
0x4e: {  	_ =	shalt  }
0x4f: {  	_ =	shalt  }
0x50: {  	_ =	shalt  }
0x51: {  	_ =	shalt  }
0x52: {  	_ =	shalt  }
0x53: {  	_ =	shalt  }
0x54: {  	_ =	shalt  }
0x55: {  	_ =	shalt  }
0x56: {  	_ =	shalt  }
0x57: {  	_ =	shalt  }
0x58: {  	_ =	shalt  }
0x59: {  	_ =	shalt  }
0x5a: {  	_ =	shalt  }
0x5b: {  	_ =	shalt  }
0x5c: {  	_ =	shalt  }
0x5d: {  	_ =	shalt  }
0x5e: {  	_ =	shalt  }
0x5f: {  	_ =	shalt  }
0x60: {  	_ =	shalt  }
0x61: {  	_ =	shalt  }
0x62: {  	_ =	shalt  }
0x63: {  	_ =	shalt  }
0x64: {  	_ =	shalt  }
0x65: {  	_ =	shalt  }
0x66: {  	_ =	shalt  }
0x67: {  	_ =	shalt  }
0x68: {  	_ =	shalt  }
0x69: {  	_ =	shalt  }
0x6a: {  	_ =	shalt  }
0x6b: {  	_ =	shalt  }
0x6c: {  	_ =	shalt  }
0x6d: {  	_ =	shalt  }
0x6e: {  	_ =	shalt  }
0x6f: {  	_ =	shalt  }
0x70: {  	_ =	shalt  }
0x71: {  	_ =	shalt  }
0x72: {  	_ =	shalt  }
0x73: {  	_ =	shalt  }
0x74: {  	_ =	shalt  }
0x75: {  	_ =	shalt  }
0x76: {  	_ =	shalt  }
0x77: {  	_ =	shalt  }
0x78: {  	_ =	shalt  }
0x79: {  	_ =	shalt  }
0x7a: {  	_ =	shalt  }
0x7b: {  	_ =	shalt  }
0x7c: {  	_ =	shalt  }
0x7d: {  	_ =	shalt  }
0x7e: {  	_ =	shalt  }
0x7f: {  	_ =	shalt  }
0x80: {  	_ =	shalt  }
0x81: {  	_ =	shalt  }
0x82: {  	_ =	shalt  }
0x83: {  	_ =	shalt  }
0x84: {  	_ =	shalt  }
0x85: {  	_ =	shalt  }
0x86: {  	_ =	shalt  }
0x87: {  	_ =	shalt  }
.Lfunc_end0:
.L_simem_size_0:
called_computation_lowered:
.L_overlay_start_0:
0x88: {  	s2 =	sld [smem:$0x3FD9]  }
0x89: {  	s3 =	sld [smem:$0x3FFE];
	_ =	sdelay $0x1  }
0x8a: {  	s1 =	srdreg.scid  }
0x8b: {  	s0 =	sand.u32 $0x1, s1  }
0x8c: {  	s17 =	sshll.u32 s0, $0xA;
	s2 =	sadd.s32 s3, s2  }
0x8d: {  	s2 =	sadd.s32 s2, s17  }
0x8e: {  	[smem:$0x3FC1] =	sst s2  }
0x8f: {  	_ = 	snop  }
0x90: {  	s2 =	sld [smem:$0x3FC9]  }
0x91: {  	s18 =	sld [smem:$0x3FC3]  }
0x92: {  	s4 =	sld [smem:$0x3FD0];
	(tm) =	ssettm $0x1  }
0x93: {  	s5 =	sld [smem:$0x3FFB];
	_ =	sdelay $0x3  }
0x94: {  	_ =	strace s5  }
0x95: {  	s5 =	sld [smem:$0x3FFC];
	_ =	sdelay $0x3  }
0x96: {  	_ =	strace s5  }
0x97: {  	s5 =	sld [smem:$0x3FFD];
	_ =	sdelay $0x3  }
0x98: {  	_ =	strace s5  }
0x99: {  	_ =	strace $0x8FFFFFFF  }
0x9a: {  	s19 =	sld [smem:$0x3FDB];
	_ =	sdelay $0x1  }
0x9b: {  	s6 =	simm.s32 $_scs_section_size  }
0x9c: {  	s7 =	simm.s32 $_size__tile_overlayer_lowered;
	s8 =	simm.s32 $_tile_overlayer_lowered  }
0x9d: {  	s22 =	simm.s32 $0x1BFF;
	s21 =	sshll.u32 s8, $0x1;
	s5 =	sadd.s32 s6, s19  }
0x9e: {  	s9 =	simm.s32 $0x0;
	s20 =	sshll.u32 s7, $0x1;
	s7 =	sadd.s32 s21, s5  }
0x9f: {  	[timem:s9], [sflag:s22] =	dma.local [hbm:s7], s20  }
0xa0: {  	_ =	swait.ge [sflag:s22], s20  }
0xa1: {  	s6 =	ssub.s32 $0x0, s20;
	[sflag:s22] =	ssyncset.done $0x0  }
0xa2: {  	[sflag:s22] =	ssyncadd.s32 s6;
	_ =	sdelay $0x1  }
0xa3: {  	s23 =	simm.s32 $0x1B8B  }
0xa4: {  	_ =	swait.ge [sflag:s23], $0x1  }
0xa5: {  	[sflag:s23] =	ssyncset.done $0x0  }
0xa6: {  	s25 =	simm.s32 $0x1B8E;
	s24 =	sld [smem:$0x3FFE];
	[sflag:s23] =	ssyncadd.s32 $0xFFFFFFFF  }
0xa7: {  	s26 =	simm.s32 $execute0_lowered;
	[smem:$0x3FD2] =	sst s25  }
0xa8: {  	s7 =	sshll.u32 s26, $0x1;
	_ =	strace $0x80000046;
	[dreg:$0x1] =	wrdreg $0xFFFFFFFF  }
0xa9: {  	s28 =	simm.s32 $_size_execute0_lowered;
	s5 =	sadd.s32 s5, s7;
	[dreg:$0x0] =	wrdreg $0x0  }
0xaa: {  	s7 =	sshll.u32 s28, $0x1;
	[dreg:$0x2] =	wrdreg s5  }
0xab: {  	[dreg:$0x3] =	wrdreg s7  }
0xac: {  	[dreg:$0x4] =	wrdreg $0xC0  }
0xad: {  	_ =	task [dreg:s9], $0x5FFFF  }
0xae: {  	[dreg:$0x1] =	wrdreg $0xFFFFFFFF  }
0xaf: {  	[dreg:$0x0] =	wrdreg $0x60  }
0xb0: {  	[dreg:$0x2] =	wrdreg s2  }
0xb1: {  	[dreg:$0x3] =	wrdreg s24  }
0xb2: {  	[dreg:$0x4] =	wrdreg s18  }
0xb3: {  	[dreg:$0x5] =	wrdreg s4  }
0xb4: {  	[dreg:$0x6] =	wrdreg $0x9  }
0xb5: {  	_ =	task.clear_ibuf [dreg:s9], $0x7FFFF;
	_ =	strace $0x90000046  }
0xb6: {  	s29 =	simm.s32 $0x9;
	_ =	strace $0x80000048  }
0xb7: {  	_ =	swait.ge [sflag:s29], $0x1  }
0xb8: {  	[sflag:s29] =	ssyncadd.s32 $0xFFFFFFFF  }
0xb9: {  	_ =	strace $0x90000048  }
0xba: {  	_ =	sfence  }
0xbb: {  	s30 =	sld [smem:$0x0];
	_ =	sdelay $0x2  }
0xbc: {  	s31 =	sshll.u32 s1, $0xD;
	s1 =	sshrl.u32 s1, $0x2  }
0xbd: {  	s3 =	sand.u32 $0x4000, s31;
	s1 =	sadd.s32 s1, s30  }
0xbe: {  	s0 =	sor.u32 s3, s0;
	s1 =	sshll.u32 s1, $0x11  }
0xbf: {  	s0 =	sor.u32 s1, s0  }
0xc0: {  	s0 =	sadd.s32 $0x8F2B, s0  }
0xc1: {  	[sflag:s0] =	ssyncadd.remote.s32 $0x1  }
0xc2: {  	_ =	sfence.sel $0xFFFF  }
0xc3: {  	[dreg:$0x0] =	wrdreg $0xFFFFFFFF;
	(pc) =	sbr.abs _section_cstart, $3  }
0xc4: {  	[dreg:$0x1] =	wrdreg $0xFFFFFFFF  }
0xc5: {  	_ =	task.clear_ibuf [dreg:s9], $0x2FFFF;
	_ =	strace $0x9FFFFFFF  }
0xc6: {  	(tm) =	ssettm $0x7FFFFFFF  }
0xc7: {  	_ =	shalt  }
tec
execute0_lowered:
.L_overlay_start_1:
0x0: {  	(tag) =	ssettag $0x1  }
0x1: {  	s0 =	rddreg [dreg:$0x0]  }
0x2: {  	s1 =	rddreg [dreg:$0x1]  }
0x3: {  	s3 =	srdreg.scid;
	s2 =	rddreg [dreg:$0x2]  }
0x4: {  	s4 =	stileid.u32;
	s18 =	simm.s32 $0x800;
	s21 =	simm.s32 $0x1  }
0x5: {  	s22 =	simm.s32 $0x6800;
	s14 =	simm.s32 $0x14800;
	s16 =	simm.s32 $0x15000  }
0x6: {  	s19 =	simm.s32 $0x15800;
	s20 =	simm.s32 $0x16000;
	s23 =	simm.s32 $0x16800  }
0x7: {  	s24 =	simm.s32 $0x17000;
	s25 =	simm.s32 $0x17800;
	s26 =	simm.s32 $0x18000  }
0x8: {  	s28 =	simm.s32 $0x2;
	s29 =	simm.s32 $0x3;
	s6 =	sand.u32 $0x1, s3  }
0x9: {  	s3 =	rddreg [dreg:$0x3];
	s5 =	sshll.u32 s4, $0xB;
	s4 =	simm.s32 $0x0  }
0xa: {  	s11 =	sadd.s32 $0x181600, s1;
	s12 =	sadd.s32 $0x1700, s1;
	s13 =	sadd.s32 $0x1800, s1  }
0xb: {  	s7 =	sshll.u32 s6, $0xA;
	[smem:$0x7FF] =	sst s4;
	s8 =	ssub.s32 $0x2, s6  }
0xc: {  	s6 =	sadd.s32 $0x1600, s1;
	s5 =	sor.u32 s7, s5;
	_ =	strace $0x80000047  }
0xd: {  	s10 =	sshrl.u32 s8, $0x1;
	[dreg:$0x5] =	wrdreg s11;
	s7 =	sshrl.u32 s5, $0x3  }
0xe: {  	s11 =	sadd.s32 $0x200, s2;
	s8 =	ssub.s32 s8, s10;
	s0 =	sadd.s32 s0, s7  }
0xf: {  	v2 =	vlaneseq.u32;
	s9 =	sadd.s32 s7, s1;
	s31 =	smax.u32 s8, $0x1;
	[dreg:$0x6] =	wrdreg s0  }
0x10: {  	vm0 =	vmmov $0xffff;
	v1 =	vshrl.u32 v2, $0x3;
	s10 =	sadd.s32 $0x100, s2;
	s30 =	sadd.s32 $0x600, s9;
	[dreg:$0x8] =	wrdreg s31  }
0x11: {  	v0 =	vand.u32 $0x7, v2;
	v2 =	vor.u32 $0x8, v2;
	v1 =	vmul.u32 $0x8, v1;
	s7 =	simm.s32 $0x0;
	s9 =	simm.s32 $0x14000;
	[dreg:$0x7] =	wrdreg s30  }
.LBB2_1:
0x12: {  	[dreg:$0x9] =	wrdreg s7  }
0x13: {  	s0 =	rddreg [dreg:$0x5];
	s1 =	simm.s32 $0x18800;
	s8 =	simm.s32 $0x5  }
0x14: {  	[tilespmem:s1], [sflag:$0x5] =	stream.linear.gather [hbm4b:s0+s4], $0x80, $0x38;
	[tilespmem:$0x18880] =	vst v63  }
0x15: {  	_ =	swait.ge [sflag:s8], $0x80  }
0x16: {  	[sflag:s8] =	ssyncset.done $0x0  }
0x17: {  	s15 =	rddreg [dreg:$0x6];
	[sflag:s8] =	ssyncadd.s32 $0xFFFFFF80  }
0x18: {  	v3 =	vld [tilespmem:$0x18800];
	[tilespmem:s4], [sflag:$0x5] =	stream.linear.gather [hbm4b:s15+s4], $0x400, $0x38  }
0x19: {  	_ =	swait.ge [sflag:s8], $0x400  }
0x1a: {  	[sflag:s8] =	ssyncset.done $0x0  }
0x1b: {  	s31 =	simm.s32 $0x400;
	s17 =	rddreg [dreg:$0x7];
	[sflag:s8] =	ssyncadd.s32 $0xFFFFFC00  }
0x1c: {  	[tilespmem:s31], [sflag:$0x5] =	stream.linear.gather [hbm4b:s17+s4], $0x400, $0x38;
	[tilespmem:$0x18880] =	vst v63  }
0x1d: {  	_ =	swait.ge [sflag:s8], $0x400  }
0x1e: {  	[sflag:s8] =	ssyncset.done $0x0  }
0x1f: {  	[sflag:s8] =	ssyncadd.s32 $0xFFFFFC00  }
0x20: {  	v4 =	vld [tilespmem:$0x0];
	_ =	sdelay $0x4  }
0x21: {  	v5 =	vshrl.u32 v4, $0x3  }
0x22: {  	v5 =	vmul.u32 $0x30, v5  }
0x23: {  	v4 =	vand.u32 $0x7, v4  }
0x24: {  	v4 =	vor.u32 v4, v5  }
0x25: {  	v5 =	vperm.xlane v4, v0;
	_ =	sdelay $0x1  }
0x26: {  	v5 =	vadd.s32 v1, v5;
	_ =	sdelay $0x3  }
0x27: {  	v4 =	vperm.xlane v4, v2  }
0x28: {  	[tilespmem:s18], [sflag:$0x1] =	stream.indirect_vreg.gather [hbm4b:s2+s4], $0x80, v5, vm0, $0xb8;
	[tilespmem:$0x18880] =	vst v63  }
0x29: {  	s7 =	simm.s32 $0x1000;
	v4 =	vadd.s32 v1, v4  }
0x2a: {  	[tilespmem:s7], [sflag:$0x1] =	stream.indirect_vreg.gather [hbm4b:s10+s4], $0x80, v5, vm0, $0xb8;
	[tilespmem:$0x18880] =	vst v63  }
0x2b: {  	s8 =	simm.s32 $0x1800  }
0x2c: {  	[tilespmem:s8], [sflag:$0x1] =	stream.indirect_vreg.gather [hbm4b:s11+s4], $0x80, v5, vm0, $0xb8;
	[tilespmem:$0x18880] =	vst v63  }
0x2d: {  	s15 =	simm.s32 $0x2000  }
0x2e: {  	[tilespmem:s15], [sflag:$0x1] =	stream.indirect_vreg.gather [hbm4b:s2+s4], $0x80, v4, vm0, $0xb8;
	[tilespmem:$0x18880] =	vst v63  }
0x2f: {  	s17 =	simm.s32 $0x2800  }
0x30: {  	[tilespmem:s17], [sflag:$0x1] =	stream.indirect_vreg.gather [hbm4b:s10+s4], $0x80, v4, vm0, $0xb8;
	[tilespmem:$0x18880] =	vst v63  }
0x31: {  	s31 =	simm.s32 $0x3000  }
0x32: {  	[tilespmem:s31], [sflag:$0x1] =	stream.indirect_vreg.gather [hbm4b:s11+s4], $0x80, v4, vm0, $0xb8;
	[tilespmem:$0x18880] =	vst v63  }
0x33: {  	v4 =	vld [tilespmem:$0x10];
	_ =	sdelay $0x4  }
0x34: {  	v5 =	vshrl.u32 v4, $0x3  }
0x35: {  	v5 =	vmul.u32 $0x30, v5  }
0x36: {  	v4 =	vand.u32 $0x7, v4  }
0x37: {  	v4 =	vor.u32 v4, v5  }
0x38: {  	v5 =	vperm.xlane v4, v0;
	_ =	sdelay $0x1  }
0x39: {  	v5 =	vadd.s32 v1, v5;
	_ =	sdelay $0x3  }
0x3a: {  	s1 =	simm.s32 $0x3800;
	v4 =	vperm.xlane v4, v2  }
0x3b: {  	[tilespmem:s1], [sflag:$0x1] =	stream.indirect_vreg.gather [hbm4b:s2+s4], $0x80, v5, vm0, $0xb8;
	[tilespmem:$0x18880] =	vst v63  }
0x3c: {  	s7 =	simm.s32 $0x4000;
	v4 =	vadd.s32 v1, v4  }
0x3d: {  	[tilespmem:s7], [sflag:$0x1] =	stream.indirect_vreg.gather [hbm4b:s10+s4], $0x80, v5, vm0, $0xb8;
	[tilespmem:$0x18880] =	vst v63  }
0x3e: {  	s8 =	simm.s32 $0x4800  }
0x3f: {  	[tilespmem:s8], [sflag:$0x1] =	stream.indirect_vreg.gather [hbm4b:s11+s4], $0x80, v5, vm0, $0xb8;
	[tilespmem:$0x18880] =	vst v63  }
0x40: {  	s15 =	simm.s32 $0x5000  }
0x41: {  	[tilespmem:s15], [sflag:$0x1] =	stream.indirect_vreg.gather [hbm4b:s2+s4], $0x80, v4, vm0, $0xb8;
	[tilespmem:$0x18880] =	vst v63  }
0x42: {  	s17 =	simm.s32 $0x5800  }
0x43: {  	[tilespmem:s17], [sflag:$0x1] =	stream.indirect_vreg.gather [hbm4b:s10+s4], $0x80, v4, vm0, $0xb8;
	[tilespmem:$0x18880] =	vst v63  }
0x44: {  	s31 =	simm.s32 $0x6000  }
0x45: {  	[tilespmem:s31], [sflag:$0x1] =	stream.indirect_vreg.gather [hbm4b:s11+s4], $0x80, v4, vm0, $0xb8;
	[tilespmem:$0x18880] =	vst v63  }
0x46: {  	v4 =	vld [tilespmem:$0x400];
	_ =	sdelay $0x4  }
0x47: {  	v5 =	vshrl.u32 v4, $0x3  }
0x48: {  	v5 =	vmul.u32 $0x30, v5  }
0x49: {  	v4 =	vand.u32 $0x7, v4  }
0x4a: {  	v4 =	vor.u32 v4, v5  }
0x4b: {  	v5 =	vperm.xlane v4, v0;
	_ =	sdelay $0x1  }
0x4c: {  	v5 =	vadd.s32 v1, v5;
	_ =	sdelay $0x3  }
0x4d: {  	s1 =	simm.s32 $0xC800;
	v4 =	vperm.xlane v4, v2  }
0x4e: {  	[tilespmem:s1], [sflag:$0x1] =	stream.indirect_vreg.gather [hbm4b:s6+s4], $0x80, v5, vm0, $0xb8;
	[tilespmem:$0x18880] =	vst v63  }
0x4f: {  	s7 =	simm.s32 $0xD000;
	v4 =	vadd.s32 v1, v4  }
0x50: {  	[tilespmem:s7], [sflag:$0x1] =	stream.indirect_vreg.gather [hbm4b:s12+s4], $0x80, v5, vm0, $0xb8;
	[tilespmem:$0x18880] =	vst v63  }
0x51: {  	s8 =	simm.s32 $0xD800  }
0x52: {  	[tilespmem:s8], [sflag:$0x1] =	stream.indirect_vreg.gather [hbm4b:s13+s4], $0x80, v5, vm0, $0xb8;
	[tilespmem:$0x18880] =	vst v63  }
0x53: {  	s15 =	simm.s32 $0xE000  }
0x54: {  	[tilespmem:s15], [sflag:$0x1] =	stream.indirect_vreg.gather [hbm4b:s6+s4], $0x80, v4, vm0, $0xb8;
	[tilespmem:$0x18880] =	vst v63  }
0x55: {  	s17 =	simm.s32 $0xE800  }
0x56: {  	[tilespmem:s17], [sflag:$0x1] =	stream.indirect_vreg.gather [hbm4b:s12+s4], $0x80, v4, vm0, $0xb8;
	[tilespmem:$0x18880] =	vst v63  }
0x57: {  	s31 =	simm.s32 $0xF000  }
0x58: {  	[tilespmem:s31], [sflag:$0x1] =	stream.indirect_vreg.gather [hbm4b:s13+s4], $0x80, v4, vm0, $0xb8;
	[tilespmem:$0x18880] =	vst v63  }
0x59: {  	v4 =	vld [tilespmem:$0x410];
	_ =	sdelay $0x4  }
0x5a: {  	v5 =	vshrl.u32 v4, $0x3  }
0x5b: {  	v5 =	vmul.u32 $0x30, v5  }
0x5c: {  	v4 =	vand.u32 $0x7, v4  }
0x5d: {  	v4 =	vor.u32 v4, v5  }
0x5e: {  	v5 =	vperm.xlane v4, v0;
	_ =	sdelay $0x1  }
0x5f: {  	v5 =	vadd.s32 v1, v5;
	_ =	sdelay $0x3  }
0x60: {  	s1 =	simm.s32 $0xF800;
	v4 =	vperm.xlane v4, v2  }
0x61: {  	[tilespmem:s1], [sflag:$0x1] =	stream.indirect_vreg.gather [hbm4b:s6+s4], $0x80, v5, vm0, $0xb8;
	[tilespmem:$0x18880] =	vst v63  }
0x62: {  	s7 =	simm.s32 $0x10000;
	v4 =	vadd.s32 v1, v4  }
0x63: {  	[tilespmem:s7], [sflag:$0x1] =	stream.indirect_vreg.gather [hbm4b:s12+s4], $0x80, v5, vm0, $0xb8;
	[tilespmem:$0x18880] =	vst v63  }
0x64: {  	s8 =	simm.s32 $0x10800  }
0x65: {  	[tilespmem:s8], [sflag:$0x1] =	stream.indirect_vreg.gather [hbm4b:s13+s4], $0x80, v5, vm0, $0xb8;
	[tilespmem:$0x18880] =	vst v63  }
0x66: {  	s15 =	simm.s32 $0x11000  }
0x67: {  	[tilespmem:s15], [sflag:$0x1] =	stream.indirect_vreg.gather [hbm4b:s6+s4], $0x80, v4, vm0, $0xb8;
	[tilespmem:$0x18880] =	vst v63  }
0x68: {  	s17 =	simm.s32 $0x11800  }
0x69: {  	[tilespmem:s17], [sflag:$0x1] =	stream.indirect_vreg.gather [hbm4b:s12+s4], $0x80, v4, vm0, $0xb8;
	[tilespmem:$0x18880] =	vst v63  }
0x6a: {  	s30 =	simm.s32 $0x0;
	s31 =	simm.s32 $0x12000  }
0x6b: {  	[tilespmem:s31], [sflag:$0x1] =	stream.indirect_vreg.gather [hbm4b:s13+s4], $0x80, v4, vm0, $0xb8;
	[tilespmem:$0x18880] =	vst v63  }
.LBB2_2:
0x6c: {  	_ =	swait.ge [sflag:s21], $0x6000  }
0x6d: {  	[sflag:s21] =	ssyncset.done $0x0  }
0x6e: {  	[sflag:s21] =	ssyncadd.s32 $0xFFFFA000  }
0x6f: {  	_ =	swait.ge [sflag:s21], $0x6000  }
0x70: {  	p0 =	seq.s32 s30, $0x0;
	[sflag:s21] =	ssyncset.done $0x0  }
0x71: {  	s0 =	simm.s32 @!p0 $0x4;
	[sflag:s21] =	ssyncadd.s32 $0xFFFFA000  }
0x72: {  	_ =	swait.ge @!p0 [sflag:s0], $0x6000  }
0x73: {  	s1 =	sshll.u32 s30, $0x6;
	[sflag:s0] =	ssyncset.done @!p0 $0x0  }
0x74: {  	s31 =	sor.u32 $0x20, s1;
	[sflag:s0] =	ssyncadd.s32 @!p0 $0xFFFFA000  }
0x75: {  	v4 =	vld [tilespmem:s31+$0x0];
	_ =	sdelay $0x4  }
0x76: {  	v5 =	vshrl.u32 v4, $0x3  }
0x77: {  	v5 =	vmul.u32 $0x30, v5  }
0x78: {  	v4 =	vand.u32 $0x7, v4  }
0x79: {  	v4 =	vor.u32 v4, v5  }
0x7a: {  	v5 =	vperm.xlane v4, v0;
	_ =	sdelay $0x1  }
0x7b: {  	v5 =	vadd.s32 v1, v5;
	_ =	sdelay $0x3  }
0x7c: {  	s0 =	simm.s32 $0x0;
	v4 =	vperm.xlane v4, v2  }
0x7d: {  	[tilespmem:s22], [sflag:$0x2] =	stream.indirect_vreg.gather [hbm4b:s2+s0], $0x80, v5, vm0, $0xb8;
	[tilespmem:$0x18880] =	vst v63  }
0x7e: {  	s7 =	simm.s32 $0x7000;
	v4 =	vadd.s32 v1, v4  }
0x7f: {  	[tilespmem:s7], [sflag:$0x2] =	stream.indirect_vreg.gather [hbm4b:s10+s0], $0x80, v5, vm0, $0xb8;
	[tilespmem:$0x18880] =	vst v63  }
0x80: {  	s17 =	simm.s32 $0x7800  }
0x81: {  	[tilespmem:s17], [sflag:$0x2] =	stream.indirect_vreg.gather [hbm4b:s11+s0], $0x80, v5, vm0, $0xb8;
	[tilespmem:$0x18880] =	vst v63  }
0x82: {  	s8 =	simm.s32 $0x8000  }
0x83: {  	[tilespmem:s8], [sflag:$0x2] =	stream.indirect_vreg.gather [hbm4b:s2+s0], $0x80, v4, vm0, $0xb8;
	[tilespmem:$0x18880] =	vst v63  }
0x84: {  	s15 =	simm.s32 $0x8800  }
0x85: {  	[tilespmem:s15], [sflag:$0x2] =	stream.indirect_vreg.gather [hbm4b:s10+s0], $0x80, v4, vm0, $0xb8;
	[tilespmem:$0x18880] =	vst v63  }
0x86: {  	s17 =	simm.s32 $0x9000  }
0x87: {  	[tilespmem:s17], [sflag:$0x2] =	stream.indirect_vreg.gather [hbm4b:s11+s0], $0x80, v4, vm0, $0xb8;
	[tilespmem:$0x18880] =	vst v63  }
0x88: {  	v4 =	vld [tilespmem:s31+$0x10];
	_ =	sdelay $0x4  }
0x89: {  	v5 =	vshrl.u32 v4, $0x3  }
0x8a: {  	v5 =	vmul.u32 $0x30, v5  }
0x8b: {  	v4 =	vand.u32 $0x7, v4  }
0x8c: {  	v4 =	vor.u32 v4, v5  }
0x8d: {  	v5 =	vperm.xlane v4, v0;
	_ =	sdelay $0x1  }
0x8e: {  	v5 =	vadd.s32 v1, v5;
	_ =	sdelay $0x3  }
0x8f: {  	s8 =	simm.s32 $0x9800;
	v4 =	vperm.xlane v4, v2  }
0x90: {  	[tilespmem:s8], [sflag:$0x2] =	stream.indirect_vreg.gather [hbm4b:s2+s0], $0x80, v5, vm0, $0xb8;
	[tilespmem:$0x18880] =	vst v63  }
0x91: {  	s15 =	simm.s32 $0xA000;
	v4 =	vadd.s32 v1, v4  }
0x92: {  	[tilespmem:s15], [sflag:$0x2] =	stream.indirect_vreg.gather [hbm4b:s10+s0], $0x80, v5, vm0, $0xb8;
	[tilespmem:$0x18880] =	vst v63  }
0x93: {  	s17 =	simm.s32 $0xA800  }
0x94: {  	[tilespmem:s17], [sflag:$0x2] =	stream.indirect_vreg.gather [hbm4b:s11+s0], $0x80, v5, vm0, $0xb8;
	[tilespmem:$0x18880] =	vst v63  }
0x95: {  	s8 =	simm.s32 $0xB000  }
0x96: {  	[tilespmem:s8], [sflag:$0x2] =	stream.indirect_vreg.gather [hbm4b:s2+s0], $0x80, v4, vm0, $0xb8;
	[tilespmem:$0x18880] =	vst v63  }
0x97: {  	s15 =	simm.s32 $0xB800  }
0x98: {  	[tilespmem:s15], [sflag:$0x2] =	stream.indirect_vreg.gather [hbm4b:s10+s0], $0x80, v4, vm0, $0xb8;
	[tilespmem:$0x18880] =	vst v63  }
0x99: {  	s17 =	simm.s32 $0xC000  }
0x9a: {  	[tilespmem:s17], [sflag:$0x2] =	stream.indirect_vreg.gather [hbm4b:s11+s0], $0x80, v4, vm0, $0xb8;
	[tilespmem:$0x18880] =	vst v63  }
0x9b: {  	v4 =	vld [tilespmem:s31+$0x400];
	_ =	sdelay $0x4  }
0x9c: {  	v5 =	vshrl.u32 v4, $0x3  }
0x9d: {  	v5 =	vmul.u32 $0x30, v5  }
0x9e: {  	v4 =	vand.u32 $0x7, v4  }
0x9f: {  	v4 =	vor.u32 v4, v5  }
0xa0: {  	v5 =	vperm.xlane v4, v0;
	_ =	sdelay $0x1  }
0xa1: {  	v5 =	vadd.s32 v1, v5;
	_ =	sdelay $0x3  }
0xa2: {  	s8 =	simm.s32 $0x12800;
	v4 =	vperm.xlane v4, v2  }
0xa3: {  	[tilespmem:s8], [sflag:$0x2] =	stream.indirect_vreg.gather [hbm4b:s6+s0], $0x80, v5, vm0, $0xb8;
	[tilespmem:$0x18880] =	vst v63  }
0xa4: {  	s15 =	simm.s32 $0x13000;
	v4 =	vadd.s32 v1, v4  }
0xa5: {  	[tilespmem:s15], [sflag:$0x2] =	stream.indirect_vreg.gather [hbm4b:s12+s0], $0x80, v5, vm0, $0xb8;
	[tilespmem:$0x18880] =	vst v63  }
0xa6: {  	s17 =	simm.s32 $0x13800  }
0xa7: {  	[tilespmem:s17], [sflag:$0x2] =	stream.indirect_vreg.gather [hbm4b:s13+s0], $0x80, v5, vm0, $0xb8;
	[tilespmem:$0x18880] =	vst v63  }
0xa8: {  	_ = 	snop  }
0xa9: {  	[tilespmem:s9], [sflag:$0x2] =	stream.indirect_vreg.gather [hbm4b:s6+s0], $0x80, v4, vm0, $0xb8;
	[tilespmem:$0x18880] =	vst v63  }
0xaa: {  	_ = 	snop  }
0xab: {  	[tilespmem:s14], [sflag:$0x2] =	stream.indirect_vreg.gather [hbm4b:s12+s0], $0x80, v4, vm0, $0xb8;
	[tilespmem:$0x18880] =	vst v63  }
0xac: {  	_ = 	snop  }
0xad: {  	[tilespmem:s16], [sflag:$0x2] =	stream.indirect_vreg.gather [hbm4b:s13+s0], $0x80, v4, vm0, $0xb8;
	[tilespmem:$0x18880] =	vst v63  }
0xae: {  	v4 =	vld [tilespmem:s31+$0x410];
	_ =	sdelay $0x4  }
0xaf: {  	v5 =	vshrl.u32 v4, $0x3  }
0xb0: {  	v5 =	vmul.u32 $0x30, v5  }
0xb1: {  	v4 =	vand.u32 $0x7, v4  }
0xb2: {  	v4 =	vor.u32 v4, v5  }
0xb3: {  	v5 =	vperm.xlane v4, v0;
	_ =	sdelay $0x1  }
0xb4: {  	v5 =	vadd.s32 v1, v5;
	_ =	sdelay $0x3  }
0xb5: {  	v4 =	vperm.xlane v4, v2  }
0xb6: {  	[tilespmem:s19], [sflag:$0x2] =	stream.indirect_vreg.gather [hbm4b:s6+s0], $0x80, v5, vm0, $0xb8;
	[tilespmem:$0x18880] =	vst v63  }
0xb7: {  	v4 =	vadd.s32 v1, v4  }
0xb8: {  	[tilespmem:s20], [sflag:$0x2] =	stream.indirect_vreg.gather [hbm4b:s12+s0], $0x80, v5, vm0, $0xb8;
	[tilespmem:$0x18880] =	vst v63  }
0xb9: {  	_ = 	snop  }
0xba: {  	[tilespmem:s23], [sflag:$0x2] =	stream.indirect_vreg.gather [hbm4b:s13+s0], $0x80, v5, vm0, $0xb8;
	[tilespmem:$0x18880] =	vst v63  }
0xbb: {  	s15 =	simm.s32 $0x0  }
0xbc: {  	[tilespmem:s24], [sflag:$0x2] =	stream.indirect_vreg.gather [hbm4b:s6+s0], $0x80, v4, vm0, $0xb8;
	[tilespmem:$0x18880] =	vst v63  }
0xbd: {  	s15 =	smul.u32 $0x1800, s15;
	s17 =	sand.u32 $0x380, s0  }
0xbe: {  	[tilespmem:s25], [sflag:$0x2] =	stream.indirect_vreg.gather [hbm4b:s12+s0], $0x80, v4, vm0, $0xb8;
	[tilespmem:$0x18880] =	vst v63  }
0xbf: {  	s15 =	sor.u32 s17, s15  }
0xc0: {  	[tilespmem:s26], [sflag:$0x2] =	stream.indirect_vreg.gather [hbm4b:s13+s0], $0x80, v4, vm0, $0xb8;
	[tilespmem:$0x18880] =	vst v63  }
0xc1: {  	v6 =	vld [tilespmem:s15+$0xC800]  }
0xc2: {  	v25 =	vld [tilespmem:s15+$0xC810]  }
0xc3: {  	v26 =	vld [tilespmem:s15+$0xC820]  }
0xc4: {  	v27 =	vld [tilespmem:s15+$0xC830]  }
0xc5: {  	v28 =	vld [tilespmem:s15+$0xC840]  }
0xc6: {  	v29 =	vld [tilespmem:s15+$0xC850]  }
0xc7: {  	v30 =	vld [tilespmem:s15+$0xC860]  }
0xc8: {  	v31 =	vld [tilespmem:s15+$0xC870]  }
0xc9: {  	v32 =	vld [tilespmem:s15+$0xCC00]  }
0xca: {  	v33 =	vld [tilespmem:s15+$0xCC10]  }
0xcb: {  	v34 =	vld [tilespmem:s15+$0xCC20]  }
0xcc: {  	v35 =	vld [tilespmem:s15+$0xCC30]  }
0xcd: {  	v36 =	vld [tilespmem:s15+$0xCC40]  }
0xce: {  	v37 =	vld [tilespmem:s15+$0xCC50]  }
0xcf: {  	v38 =	vld [tilespmem:s15+$0xCC60]  }
0xd0: {  	v39 =	vld [tilespmem:s15+$0xCC70]  }
0xd1: {  	v40 =	vld [tilespmem:s15+$0xD000]  }
0xd2: {  	v41 =	vld [tilespmem:s15+$0xD010]  }
0xd3: {  	v42 =	vld [tilespmem:s15+$0xD020]  }
0xd4: {  	v43 =	vld [tilespmem:s15+$0xD030]  }
0xd5: {  	v44 =	vld [tilespmem:s15+$0xD040]  }
0xd6: {  	v45 =	vld [tilespmem:s15+$0xD050]  }
0xd7: {  	v46 =	vld [tilespmem:s15+$0xD060]  }
0xd8: {  	v47 =	vld [tilespmem:s15+$0xD070]  }
0xd9: {  	v48 =	vld [tilespmem:s15+$0xD400]  }
0xda: {  	v24 =	vld [tilespmem:s15+$0xD410]  }
0xdb: {  	v23 =	vld [tilespmem:s15+$0xD420]  }
0xdc: {  	v22 =	vld [tilespmem:s15+$0xD430]  }
0xdd: {  	v21 =	vld [tilespmem:s15+$0xD440]  }
0xde: {  	v20 =	vld [tilespmem:s15+$0xD450]  }
0xdf: {  	v19 =	vld [tilespmem:s15+$0xD460]  }
0xe0: {  	v18 =	vld [tilespmem:s15+$0xD470]  }
0xe1: {  	v17 =	vld [tilespmem:s15+$0xD800]  }
0xe2: {  	v16 =	vld [tilespmem:s15+$0xD810]  }
0xe3: {  	v15 =	vld [tilespmem:s15+$0xD820]  }
0xe4: {  	v14 =	vld [tilespmem:s15+$0xD830]  }
0xe5: {  	v13 =	vld [tilespmem:s15+$0xD840]  }
0xe6: {  	v12 =	vld [tilespmem:s15+$0xD850]  }
0xe7: {  	v11 =	vld [tilespmem:s15+$0xD860]  }
0xe8: {  	v10 =	vld [tilespmem:s15+$0xD870]  }
0xe9: {  	v9 =	vld [tilespmem:s15+$0xDC00]  }
0xea: {  	v8 =	vld [tilespmem:s15+$0xDC10]  }
0xeb: {  	v7 =	vld [tilespmem:s15+$0xDC20]  }
0xec: {  	v5 =	vld [tilespmem:s15+$0xDC30]  }
0xed: {  	v4 =	vld [tilespmem:s15+$0xDC40]  }
0xee: {  	v49 =	vld [tilespmem:s15+$0x800]  }
0xef: {  	v50 =	vld [tilespmem:s15+$0x810]  }
0xf0: {  	v51 =	vld [tilespmem:s15+$0x820]  }
0xf1: {  	v52 =	vld [tilespmem:s15+$0x830]  }
0xf2: {  	v53 =	vld [tilespmem:s15+$0x840]  }
0xf3: {  	v54 =	vld [tilespmem:s15+$0x850]  }
0xf4: {  	v55 =	vld [tilespmem:s15+$0x860];
	v49 =	vmul.f32 v49, v3  }
0xf5: {  	v56 =	vld [tilespmem:s15+$0x870];
	v50 =	vmul.f32 v50, v3  }
0xf6: {  	v59 =	vld [tilespmem:s15+$0xC10];
	v51 =	vmul.f32 v51, v3;
	v49 =	vadd.f32 v6, v49  }
0xf7: {  	v63 =	vmul.f32 v52, v3;
	v52 =	vld [tilespmem:s15+$0xC00];
	v25 =	vadd.f32 v25, v50  }
0xf8: {  	v53 =	vmul.f32 v53, v3;
	v58 =	vmul.f32 v54, v3;
	v54 =	vld [tilespmem:s15+$0xC30];
	v26 =	vadd.f32 v26, v51;
	[tilespmem:s15+$0x800] =	vst v49  }
0xf9: {  	v61 =	vmul.f32 v55, v3;
	v55 =	vld [tilespmem:s15+$0xC40];
	v57 =	vadd.f32 v27, v63;
	[tilespmem:s15+$0x810] =	vst v25  }
0xfa: {  	v6 =	vld [tilespmem:s15+$0xDC50];
	v60 =	vadd.f32 v28, v53;
	[tilespmem:s15+$0x820] =	vst v26  }
0xfb: {  	v62 =	vadd.f32 v29, v58;
	v63 =	vmul.f32 v56, v3;
	v58 =	vld [tilespmem:s15+$0xC50];
	[tilespmem:s15+$0x830] =	vst v57  }
0xfc: {  	v51 =	vadd.f32 v30, v61;
	v56 =	vmul.f32 v59, v3;
	v61 =	vld [tilespmem:s15+$0x1020];
	[tilespmem:s15+$0x840] =	vst v60  }
0xfd: {  	v49 =	vld [tilespmem:s15+$0xC20];
	[tilespmem:s15+$0x850] =	vst v62;
	v53 =	vadd.f32 v31, v63;
	v52 =	vmul.f32 v52, v3  }
0xfe: {  	[tilespmem:s15+$0x860] =	vst v51;
	v30 =	vadd.f32 v33, v56;
	v60 =	vld [tilespmem:s15+$0xC60];
	v27 =	vmul.f32 v54, v3  }
0xff: {  	v62 =	vld [tilespmem:s15+$0xC70];
	v26 =	vmul.f32 v55, v3;
	[tilespmem:s15+$0x870] =	vst v53;
	v28 =	vadd.f32 v32, v52  }
0x100: {  	v57 =	vld [tilespmem:s15+$0x1000];
	[tilespmem:s15+$0xC10] =	vst v30;
	v27 =	vadd.f32 v35, v27;
	v31 =	vmul.f32 v58, v3  }
0x101: {  	v59 =	vld [tilespmem:s15+$0x1010];
	v26 =	vadd.f32 v36, v26;
	v30 =	vmul.f32 v61, v3;
	[tilespmem:s15+$0xC00] =	vst v28  }
0x102: {  	v54 =	vld [tilespmem:s15+$0x1440];
	v29 =	vmul.f32 v49, v3;
	[tilespmem:s15+$0xC30] =	vst v27;
	v31 =	vadd.f32 v37, v31  }
0x103: {  	v53 =	vld [tilespmem:s15+$0x1430];
	v32 =	vmul.f32 v60, v3;
	[tilespmem:s15+$0xC40] =	vst v26;
	v30 =	vadd.f32 v42, v30  }
0x104: {  	v36 =	vld [tilespmem:s15+$0x1040];
	v33 =	vmul.f32 v62, v3;
	v29 =	vadd.f32 v34, v29;
	[tilespmem:s15+$0xC50] =	vst v31  }
0x105: {  	v63 =	vld [tilespmem:s15+$0x1030];
	v25 =	vmul.f32 v57, v3;
	v32 =	vadd.f32 v38, v32;
	[tilespmem:s15+$0x1020] =	vst v30  }
0x106: {  	v50 =	vld [tilespmem:s15+$0x1400];
	v28 =	vmul.f32 v59, v3;
	v33 =	vadd.f32 v39, v33;
	[tilespmem:s15+$0xC20] =	vst v29  }
0x107: {  	v51 =	vld [tilespmem:s15+$0x1410];
	v61 =	vmul.f32 v54, v3;
	v25 =	vadd.f32 v40, v25;
	[tilespmem:s15+$0xC60] =	vst v32  }
0x108: {  	v37 =	vld [tilespmem:s15+$0x1050];
	v28 =	vadd.f32 v41, v28;
	v30 =	vmul.f32 v53, v3;
	[tilespmem:s15+$0xC70] =	vst v33  }
0x109: {  	v52 =	vld [tilespmem:s15+$0x1420];
	v27 =	vmul.f32 v36, v3;
	v21 =	vadd.f32 v21, v61;
	[tilespmem:s15+$0x1000] =	vst v25  }
0x10a: {  	v55 =	vld [tilespmem:s15+$0x1450];
	v29 =	vmul.f32 v63, v3;
	[tilespmem:s15+$0x1010] =	vst v28;
	v22 =	vadd.f32 v22, v30  }
0x10b: {  	v49 =	vld [tilespmem:s15+$0x1070];
	v33 =	vmul.f32 v50, v3;
	v27 =	vadd.f32 v44, v27;
	[tilespmem:s15+$0x1440] =	vst v21  }
0x10c: {  	v56 =	vld [tilespmem:s15+$0x1460];
	v25 =	vmul.f32 v51, v3;
	v29 =	vadd.f32 v43, v29;
	[tilespmem:s15+$0x1430] =	vst v22  }
0x10d: {  	v38 =	vld [tilespmem:s15+$0x1060];
	v26 =	vmul.f32 v37, v3;
	v33 =	vadd.f32 v48, v33;
	[tilespmem:s15+$0x1040] =	vst v27  }
0x10e: {  	v58 =	vld [tilespmem:s15+$0x1800];
	v28 =	vmul.f32 v52, v3;
	v24 =	vadd.f32 v24, v25;
	[tilespmem:s15+$0x1030] =	vst v29  }
0x10f: {  	v57 =	vld [tilespmem:s15+$0x1470];
	v26 =	vadd.f32 v45, v26;
	v27 =	vmul.f32 v55, v3;
	[tilespmem:s15+$0x1400] =	vst v33  }
0x110: {  	v59 =	vld [tilespmem:s15+$0x1810];
	v32 =	vmul.f32 v49, v3;
	v23 =	vadd.f32 v23, v28;
	[tilespmem:s15+$0x1410] =	vst v24  }
0x111: {  	v60 =	vld [tilespmem:s15+$0x1820];
	[tilespmem:s15+$0x1050] =	vst v26;
	v26 =	vmul.f32 v56, v3;
	v20 =	vadd.f32 v20, v27  }
0x112: {  	v31 =	vmul.f32 v38, v3;
	v32 =	vadd.f32 v47, v32;
	[tilespmem:s15+$0x1420] =	vst v23;
	v23 =	vld [tilespmem:s15+$0x1830]  }
0x113: {  	v22 =	vld [tilespmem:s15+$0x1840];
	v19 =	vadd.f32 v19, v26;
	[tilespmem:s15+$0x1450] =	vst v20;
	v20 =	vmul.f32 v58, v3  }
0x114: {  	v21 =	vld [tilespmem:s15+$0x1850];
	v62 =	vmul.f32 v57, v3;
	v31 =	vadd.f32 v46, v31;
	[tilespmem:s15+$0x1070] =	vst v32  }
0x115: {  	v63 =	vld [tilespmem:s15+$0x1860];
	[tilespmem:s15+$0x1460] =	vst v19;
	v19 =	vmul.f32 v59, v3;
	v20 =	vadd.f32 v17, v20  }
0x116: {  	v24 =	vmul.f32 v60, v3;
	v27 =	vadd.f32 v18, v62;
	v18 =	vld [tilespmem:s15+$0x1870];
	[tilespmem:s15+$0x1060] =	vst v31  }
0x117: {  	v17 =	vld [tilespmem:s15+$0x1C00];
	v19 =	vadd.f32 v16, v19;
	[tilespmem:s15+$0x1800] =	vst v20;
	v20 =	vmul.f32 v23, v3  }
0x118: {  	[tilespmem:s15+$0x1470] =	vst v27;
	v22 =	vmul.f32 v22, v3;
	v16 =	vld [tilespmem:s15+$0x1C10];
	v23 =	vadd.f32 v15, v24  }
0x119: {  	v15 =	vld [tilespmem:s15+$0x1C20];
	[tilespmem:s15+$0x1810] =	vst v19;
	v19 =	vadd.f32 v14, v20;
	v20 =	vmul.f32 v21, v3  }
0x11a: {  	s17 =	simm.s32 $0x1;
	[tilespmem:s15+$0x1820] =	vst v23;
	v21 =	vadd.f32 v13, v22;
	v14 =	vmul.f32 v63, v3;
	v13 =	vld [tilespmem:s15+$0x1C30]  }
.LBB2_3:
0x11b: {  	p0 =	sne.s32 s17, $0x1F;
	[tilespmem:s15+$0x1830] =	vst v19;
	v12 =	vadd.f32 v12, v20;
	v18 =	vmul.f32 v18, v3;
	v19 =	vld [tilespmem:s15+$0x1C40]  }
0x11c: {  	[tilespmem:s15+$0x1840] =	vst v21;
	v11 =	vadd.f32 v11, v14;
	v14 =	vmul.f32 v17, v3;
	v17 =	vld [tilespmem:s15+$0x1C50]  }
0x11d: {  	s7 =	sshrl.u32 s17, $0x3;
	[tilespmem:s15+$0x1850] =	vst v12;
	v10 =	vadd.f32 v10, v18;
	v12 =	vmul.f32 v16, v3;
	v16 =	vld [tilespmem:s15+$0x1C60]  }
0x11e: {  	s0 =	sadd.s32 $0x80, s0;
	s7 =	smul.u32 $0x1800, s7;
	[tilespmem:s15+$0x1860] =	vst v11;
	v9 =	vadd.f32 v9, v14;
	v11 =	vmul.f32 v15, v3;
	v14 =	vld [tilespmem:s15+$0x1C70]  }
0x11f: {  	s8 =	sand.u32 $0x380, s0;
	[tilespmem:s15+$0x1870] =	vst v10;
	v8 =	vadd.f32 v8, v12;
	v10 =	vmul.f32 v13, v3;
	v12 =	vld [tilespmem:s15+$0xDC60]  }
0x120: {  	s7 =	sor.u32 s8, s7;
	[tilespmem:s15+$0x1C00] =	vst v9;
	v7 =	vadd.f32 v7, v11;
	v9 =	vmul.f32 v19, v3;
	v11 =	vld [tilespmem:s15+$0xDC70]  }
0x121: {  	v42 =	vld [tilespmem:s7+$0xC800];
	[tilespmem:s15+$0x1C10] =	vst v8;
	v5 =	vadd.f32 v5, v10;
	v8 =	vmul.f32 v17, v3  }
0x122: {  	v43 =	vld [tilespmem:s7+$0xC810];
	[tilespmem:s15+$0x1C20] =	vst v7;
	v4 =	vadd.f32 v4, v9;
	v7 =	vmul.f32 v16, v3  }
0x123: {  	v44 =	vld [tilespmem:s7+$0xC820];
	[tilespmem:s15+$0x1C30] =	vst v5;
	v5 =	vadd.f32 v6, v8;
	v6 =	vmul.f32 v14, v3  }
0x124: {  	v45 =	vld [tilespmem:s7+$0xC830];
	[tilespmem:s15+$0x1C40] =	vst v4;
	v4 =	vadd.f32 v12, v7  }
0x125: {  	v46 =	vld [tilespmem:s7+$0xC840];
	[tilespmem:s15+$0x1C50] =	vst v5;
	v5 =	vadd.f32 v11, v6  }
0x126: {  	v47 =	vld [tilespmem:s7+$0xC850];
	[tilespmem:s15+$0x1C60] =	vst v4  }
0x127: {  	v48 =	vld [tilespmem:s7+$0xC860];
	[tilespmem:s15+$0x1C70] =	vst v5;
	s15 =	smov.u32 s7  }
0x128: {  	v49 =	vld [tilespmem:s15+$0xC870]  }
0x129: {  	v41 =	vld [tilespmem:s15+$0xCC00]  }
0x12a: {  	v40 =	vld [tilespmem:s15+$0xCC10]  }
0x12b: {  	v39 =	vld [tilespmem:s15+$0xCC20]  }
0x12c: {  	v38 =	vld [tilespmem:s15+$0xCC30]  }
0x12d: {  	v37 =	vld [tilespmem:s15+$0xCC40]  }
0x12e: {  	v36 =	vld [tilespmem:s15+$0xCC50]  }
0x12f: {  	v35 =	vld [tilespmem:s15+$0xCC60]  }
0x130: {  	v34 =	vld [tilespmem:s15+$0xCC70]  }
0x131: {  	v33 =	vld [tilespmem:s15+$0xD000]  }
0x132: {  	v32 =	vld [tilespmem:s15+$0xD010]  }
0x133: {  	v31 =	vld [tilespmem:s15+$0xD020]  }
0x134: {  	v30 =	vld [tilespmem:s15+$0xD030]  }
0x135: {  	v29 =	vld [tilespmem:s15+$0xD040]  }
0x136: {  	v28 =	vld [tilespmem:s15+$0xD050]  }
0x137: {  	v27 =	vld [tilespmem:s15+$0xD060]  }
0x138: {  	v26 =	vld [tilespmem:s15+$0xD070]  }
0x139: {  	v25 =	vld [tilespmem:s15+$0xD400]  }
0x13a: {  	v24 =	vld [tilespmem:s15+$0xD410]  }
0x13b: {  	v23 =	vld [tilespmem:s15+$0xD420]  }
0x13c: {  	v22 =	vld [tilespmem:s15+$0xD430]  }
0x13d: {  	v21 =	vld [tilespmem:s15+$0xD440]  }
0x13e: {  	v20 =	vld [tilespmem:s15+$0xD450]  }
0x13f: {  	v19 =	vld [tilespmem:s15+$0xD460]  }
0x140: {  	v18 =	vld [tilespmem:s15+$0xD470]  }
0x141: {  	v17 =	vld [tilespmem:s15+$0xD800]  }
0x142: {  	v16 =	vld [tilespmem:s15+$0xD810]  }
0x143: {  	v15 =	vld [tilespmem:s15+$0xD820]  }
0x144: {  	v14 =	vld [tilespmem:s15+$0xD830]  }
0x145: {  	v13 =	vld [tilespmem:s15+$0xD840]  }
0x146: {  	v12 =	vld [tilespmem:s15+$0xD850]  }
0x147: {  	v11 =	vld [tilespmem:s15+$0xD860]  }
0x148: {  	v10 =	vld [tilespmem:s15+$0xD870]  }
0x149: {  	v9 =	vld [tilespmem:s15+$0xDC00]  }
0x14a: {  	v8 =	vld [tilespmem:s15+$0xDC10]  }
0x14b: {  	v7 =	vld [tilespmem:s15+$0xDC20]  }
0x14c: {  	v5 =	vld [tilespmem:s15+$0xDC30]  }
0x14d: {  	v4 =	vld [tilespmem:s15+$0xDC40]  }
0x14e: {  	v6 =	vld [tilespmem:s15+$0xDC50]  }
0x14f: {  	v50 =	vld [tilespmem:s15+$0x800]  }
0x150: {  	v51 =	vld [tilespmem:s15+$0x810]  }
0x151: {  	v52 =	vld [tilespmem:s15+$0x820]  }
0x152: {  	v53 =	vld [tilespmem:s15+$0x830]  }
0x153: {  	v54 =	vld [tilespmem:s15+$0x840]  }
0x154: {  	v50 =	vmul.f32 v50, v3;
	v55 =	vld [tilespmem:s15+$0x850]  }
0x155: {  	v51 =	vmul.f32 v51, v3;
	v56 =	vld [tilespmem:s15+$0x860]  }
0x156: {  	v42 =	vadd.f32 v42, v50;
	v50 =	vmul.f32 v52, v3;
	v52 =	vld [tilespmem:s15+$0x870]  }
0x157: {  	v43 =	vadd.f32 v43, v51;
	v51 =	vmul.f32 v53, v3;
	v53 =	vld [tilespmem:s15+$0xC00]  }
0x158: {  	[tilespmem:s15+$0x800] =	vst v42;
	v42 =	vadd.f32 v44, v50;
	v44 =	vmul.f32 v54, v3;
	v50 =	vld [tilespmem:s15+$0xC10]  }
0x159: {  	[tilespmem:s15+$0x810] =	vst v43;
	v43 =	vadd.f32 v45, v51;
	v45 =	vmul.f32 v55, v3;
	v51 =	vld [tilespmem:s15+$0xC20]  }
0x15a: {  	[tilespmem:s15+$0x820] =	vst v42;
	v42 =	vadd.f32 v46, v44;
	v44 =	vmul.f32 v56, v3;
	v46 =	vld [tilespmem:s15+$0xC30]  }
0x15b: {  	[tilespmem:s15+$0x830] =	vst v43;
	v43 =	vadd.f32 v47, v45;
	v45 =	vmul.f32 v52, v3;
	v47 =	vld [tilespmem:s15+$0xC40]  }
0x15c: {  	[tilespmem:s15+$0x840] =	vst v42;
	v42 =	vadd.f32 v48, v44;
	v44 =	vmul.f32 v53, v3;
	v48 =	vld [tilespmem:s15+$0xC50]  }
0x15d: {  	[tilespmem:s15+$0x850] =	vst v43;
	v43 =	vadd.f32 v49, v45;
	v45 =	vmul.f32 v50, v3;
	v49 =	vld [tilespmem:s15+$0xC60]  }
0x15e: {  	[tilespmem:s15+$0x860] =	vst v42;
	v41 =	vadd.f32 v41, v44;
	v42 =	vmul.f32 v51, v3;
	v44 =	vld [tilespmem:s15+$0xC70]  }
0x15f: {  	[tilespmem:s15+$0x870] =	vst v43;
	v40 =	vadd.f32 v40, v45;
	v43 =	vmul.f32 v46, v3;
	v45 =	vld [tilespmem:s15+$0x1000]  }
0x160: {  	[tilespmem:s15+$0xC00] =	vst v41;
	v39 =	vadd.f32 v39, v42;
	v41 =	vmul.f32 v47, v3;
	v42 =	vld [tilespmem:s15+$0x1010]  }
0x161: {  	[tilespmem:s15+$0xC10] =	vst v40;
	v38 =	vadd.f32 v38, v43;
	v40 =	vmul.f32 v48, v3;
	v43 =	vld [tilespmem:s15+$0x1020]  }
0x162: {  	[tilespmem:s15+$0xC20] =	vst v39;
	v37 =	vadd.f32 v37, v41;
	v39 =	vmul.f32 v49, v3;
	v41 =	vld [tilespmem:s15+$0x1030]  }
0x163: {  	[tilespmem:s15+$0xC30] =	vst v38;
	v36 =	vadd.f32 v36, v40;
	v38 =	vmul.f32 v44, v3;
	v40 =	vld [tilespmem:s15+$0x1040]  }
0x164: {  	[tilespmem:s15+$0xC40] =	vst v37;
	v35 =	vadd.f32 v35, v39;
	v37 =	vmul.f32 v45, v3;
	v39 =	vld [tilespmem:s15+$0x1050]  }
0x165: {  	[tilespmem:s15+$0xC50] =	vst v36;
	v34 =	vadd.f32 v34, v38;
	v36 =	vmul.f32 v42, v3;
	v38 =	vld [tilespmem:s15+$0x1060]  }
0x166: {  	[tilespmem:s15+$0xC60] =	vst v35;
	v33 =	vadd.f32 v33, v37;
	v35 =	vmul.f32 v43, v3;
	v37 =	vld [tilespmem:s15+$0x1070]  }
0x167: {  	[tilespmem:s15+$0xC70] =	vst v34;
	v32 =	vadd.f32 v32, v36;
	v34 =	vmul.f32 v41, v3;
	v36 =	vld [tilespmem:s15+$0x1400]  }
0x168: {  	[tilespmem:s15+$0x1000] =	vst v33;
	v31 =	vadd.f32 v31, v35;
	v33 =	vmul.f32 v40, v3;
	v35 =	vld [tilespmem:s15+$0x1410]  }
0x169: {  	[tilespmem:s15+$0x1010] =	vst v32;
	v30 =	vadd.f32 v30, v34;
	v32 =	vmul.f32 v39, v3;
	v34 =	vld [tilespmem:s15+$0x1420]  }
0x16a: {  	[tilespmem:s15+$0x1020] =	vst v31;
	v29 =	vadd.f32 v29, v33;
	v31 =	vmul.f32 v38, v3;
	v33 =	vld [tilespmem:s15+$0x1430]  }
0x16b: {  	[tilespmem:s15+$0x1030] =	vst v30;
	v28 =	vadd.f32 v28, v32;
	v30 =	vmul.f32 v37, v3;
	v32 =	vld [tilespmem:s15+$0x1440]  }
0x16c: {  	[tilespmem:s15+$0x1040] =	vst v29;
	v27 =	vadd.f32 v27, v31;
	v29 =	vmul.f32 v36, v3;
	v31 =	vld [tilespmem:s15+$0x1450]  }
0x16d: {  	[tilespmem:s15+$0x1050] =	vst v28;
	v26 =	vadd.f32 v26, v30;
	v28 =	vmul.f32 v35, v3;
	v30 =	vld [tilespmem:s15+$0x1460]  }
0x16e: {  	[tilespmem:s15+$0x1060] =	vst v27;
	v25 =	vadd.f32 v25, v29;
	v27 =	vmul.f32 v34, v3;
	v29 =	vld [tilespmem:s15+$0x1470]  }
0x16f: {  	[tilespmem:s15+$0x1070] =	vst v26;
	v24 =	vadd.f32 v24, v28;
	v26 =	vmul.f32 v33, v3;
	v28 =	vld [tilespmem:s15+$0x1800]  }
0x170: {  	[tilespmem:s15+$0x1400] =	vst v25;
	v23 =	vadd.f32 v23, v27;
	v25 =	vmul.f32 v32, v3;
	v27 =	vld [tilespmem:s15+$0x1810]  }
0x171: {  	[tilespmem:s15+$0x1410] =	vst v24;
	v22 =	vadd.f32 v22, v26;
	v24 =	vmul.f32 v31, v3;
	v26 =	vld [tilespmem:s15+$0x1820]  }
0x172: {  	[tilespmem:s15+$0x1420] =	vst v23;
	v21 =	vadd.f32 v21, v25;
	v23 =	vmul.f32 v30, v3;
	v25 =	vld [tilespmem:s15+$0x1830]  }
0x173: {  	[tilespmem:s15+$0x1430] =	vst v22;
	v20 =	vadd.f32 v20, v24;
	v22 =	vmul.f32 v29, v3;
	v24 =	vld [tilespmem:s15+$0x1840]  }
0x174: {  	[tilespmem:s15+$0x1440] =	vst v21;
	v19 =	vadd.f32 v19, v23;
	v21 =	vmul.f32 v28, v3;
	v23 =	vld [tilespmem:s15+$0x1850]  }
0x175: {  	[tilespmem:s15+$0x1450] =	vst v20;
	v20 =	vadd.f32 v18, v22;
	v22 =	vmul.f32 v27, v3;
	v27 =	vld [tilespmem:s15+$0x1860]  }
.Ltmp0:
0x176: {  	[tilespmem:s15+$0x1460] =	vst v19;
	v19 =	vadd.f32 v17, v21;
	v21 =	vmul.f32 v26, v3;
	v18 =	vld [tilespmem:s15+$0x1870];
	(pc) =	sbr.rel @p0 .LBB2_3-.Ltmp0, $4  }
0x177: {  	[tilespmem:s15+$0x1470] =	vst v20;
	v20 =	vadd.f32 v16, v22;
	v22 =	vmul.f32 v25, v3;
	v17 =	vld [tilespmem:s15+$0x1C00]  }
0x178: {  	[tilespmem:s15+$0x1800] =	vst v19;
	v21 =	vadd.f32 v15, v21;
	v24 =	vmul.f32 v24, v3;
	v16 =	vld [tilespmem:s15+$0x1C10]  }
0x179: {  	[tilespmem:s15+$0x1810] =	vst v20;
	v19 =	vadd.f32 v14, v22;
	v20 =	vmul.f32 v23, v3;
	v15 =	vld [tilespmem:s15+$0x1C20]  }
0x17a: {  	s17 =	sadd.s32 $0x1, s17;
	[tilespmem:s15+$0x1820] =	vst v21;
	v21 =	vadd.f32 v13, v24;
	v14 =	vmul.f32 v27, v3;
	v13 =	vld [tilespmem:s15+$0x1C30]  }
0x17b: {  	[tilespmem:s15+$0x1830] =	vst v19;
	v52 =	vld [tilespmem:s15+$0x1C40];
	v12 =	vadd.f32 v12, v20;
	v18 =	vmul.f32 v18, v3  }
0x17c: {  	v53 =	vld [tilespmem:s15+$0x1C50];
	[tilespmem:s15+$0x1840] =	vst v21;
	v11 =	vadd.f32 v11, v14;
	v55 =	vmul.f32 v17, v3  }
0x17d: {  	v54 =	vld [tilespmem:s15+$0x1C60];
	[tilespmem:s15+$0x1850] =	vst v12;
	v10 =	vadd.f32 v10, v18;
	v16 =	vmul.f32 v16, v3  }
0x17e: {  	v56 =	vld [tilespmem:s15+$0x1C70];
	[tilespmem:s15+$0x1860] =	vst v11;
	v9 =	vadd.f32 v9, v55;
	v57 =	vmul.f32 v15, v3  }
0x17f: {  	v58 =	vld [tilespmem:s15+$0xDC60];
	[tilespmem:s15+$0x1870] =	vst v10;
	v8 =	vadd.f32 v8, v16;
	v13 =	vmul.f32 v13, v3  }
0x180: {  	v60 =	vld [tilespmem:s15+$0xDC70];
	[tilespmem:s15+$0x1C00] =	vst v9;
	v7 =	vadd.f32 v7, v57;
	v59 =	vmul.f32 v52, v3  }
0x181: {  	v61 =	vmul.f32 v53, v3;
	[tilespmem:s15+$0x1C10] =	vst v8;
	v5 =	vadd.f32 v5, v13  }
0x182: {  	v62 =	vmul.f32 v54, v3;
	[tilespmem:s15+$0x1C20] =	vst v7;
	v4 =	vadd.f32 v4, v59  }
0x183: {  	s0 =	sor.u32 s5, s1;
	v63 =	vmul.f32 v56, v3;
	[tilespmem:s15+$0x1C30] =	vst v5;
	v5 =	vadd.f32 v6, v61  }
0x184: {  	s0 =	sshrl.u32 s0, $0x3;
	[tilespmem:s15+$0x1C40] =	vst v4;
	v4 =	vadd.f32 v58, v62  }
0x185: {  	s0 =	smul.u32 $0x300, s0;
	[tilespmem:s15+$0x1C50] =	vst v5;
	v5 =	vadd.f32 v60, v63  }
0x186: {  	[tilespmem:s15+$0x1C60] =	vst v4  }
0x187: {  	s0 =	sadd.s32 s3, s0;
	[tilespmem:s15+$0x1C70] =	vst v5  }
0x188: {  	[hbm4b:s0+s4] =	stream.linear.scatter [tilespmem:s18], [sflag:$0x3], $0x6000, $0x38;
	[tilespmem:$0x18880] =	vst v63  }
0x189: {  	p0 =	seq.s32 s30, $0xF;
	_ =	swait.ge [sflag:s28], $0x6000  }
.Ltmp1:
0x18a: {  	[sflag:s28] =	ssyncset.done $0x0;
	(pc) =	sbr.rel @p0 .LBB2_6-.Ltmp1, $4  }
0x18b: {  	[sflag:s28] =	ssyncadd.s32 $0xFFFFA000  }
0x18c: {  	_ =	swait.ge [sflag:s28], $0x6000  }
0x18d: {  	[sflag:s28] =	ssyncset.done $0x0  }
0x18e: {  	[sflag:s28] =	ssyncadd.s32 $0xFFFFA000  }
0x18f: {  	_ =	swait.ge [sflag:s29], $0x6000  }
0x190: {  	[sflag:s29] =	ssyncset.done $0x0  }
0x191: {  	[sflag:s29] =	ssyncadd.s32 $0xFFFFA000  }
0x192: {  	v4 =	vld [tilespmem:s1+$0x40];
	_ =	sdelay $0x4  }
0x193: {  	v5 =	vshrl.u32 v4, $0x3  }
0x194: {  	v5 =	vmul.u32 $0x30, v5  }
0x195: {  	v4 =	vand.u32 $0x7, v4  }
0x196: {  	v4 =	vor.u32 v4, v5  }
0x197: {  	v5 =	vperm.xlane v4, v0;
	_ =	sdelay $0x1  }
0x198: {  	v5 =	vadd.s32 v1, v5;
	_ =	sdelay $0x3  }
0x199: {  	v4 =	vperm.xlane v4, v2  }
0x19a: {  	[tilespmem:s18], [sflag:$0x1] =	stream.indirect_vreg.gather [hbm4b:s2+s4], $0x80, v5, vm0, $0xb8;
	[tilespmem:$0x18880] =	vst v63  }
0x19b: {  	s0 =	simm.s32 $0x1000;
	v4 =	vadd.s32 v1, v4  }
0x19c: {  	[tilespmem:s0], [sflag:$0x1] =	stream.indirect_vreg.gather [hbm4b:s10+s4], $0x80, v5, vm0, $0xb8;
	[tilespmem:$0x18880] =	vst v63  }
0x19d: {  	s17 =	simm.s32 $0x1800  }
0x19e: {  	[tilespmem:s17], [sflag:$0x1] =	stream.indirect_vreg.gather [hbm4b:s11+s4], $0x80, v5, vm0, $0xb8;
	[tilespmem:$0x18880] =	vst v63  }
0x19f: {  	s7 =	simm.s32 $0x2000  }
0x1a0: {  	[tilespmem:s7], [sflag:$0x1] =	stream.indirect_vreg.gather [hbm4b:s2+s4], $0x80, v4, vm0, $0xb8;
	[tilespmem:$0x18880] =	vst v63  }
0x1a1: {  	s8 =	simm.s32 $0x2800  }
0x1a2: {  	[tilespmem:s8], [sflag:$0x1] =	stream.indirect_vreg.gather [hbm4b:s10+s4], $0x80, v4, vm0, $0xb8;
	[tilespmem:$0x18880] =	vst v63  }
0x1a3: {  	s15 =	simm.s32 $0x3000  }
0x1a4: {  	[tilespmem:s15], [sflag:$0x1] =	stream.indirect_vreg.gather [hbm4b:s11+s4], $0x80, v4, vm0, $0xb8;
	[tilespmem:$0x18880] =	vst v63  }
0x1a5: {  	v4 =	vld [tilespmem:s1+$0x50];
	_ =	sdelay $0x4  }
0x1a6: {  	v5 =	vshrl.u32 v4, $0x3  }
0x1a7: {  	v5 =	vmul.u32 $0x30, v5  }
0x1a8: {  	v4 =	vand.u32 $0x7, v4  }
0x1a9: {  	v4 =	vor.u32 v4, v5  }
0x1aa: {  	v5 =	vperm.xlane v4, v0;
	_ =	sdelay $0x1  }
0x1ab: {  	v5 =	vadd.s32 v1, v5;
	_ =	sdelay $0x3  }
0x1ac: {  	s17 =	simm.s32 $0x3800;
	v4 =	vperm.xlane v4, v2  }
0x1ad: {  	[tilespmem:s17], [sflag:$0x1] =	stream.indirect_vreg.gather [hbm4b:s2+s4], $0x80, v5, vm0, $0xb8;
	[tilespmem:$0x18880] =	vst v63  }
0x1ae: {  	s7 =	simm.s32 $0x4000;
	v4 =	vadd.s32 v1, v4  }
0x1af: {  	[tilespmem:s7], [sflag:$0x1] =	stream.indirect_vreg.gather [hbm4b:s10+s4], $0x80, v5, vm0, $0xb8;
	[tilespmem:$0x18880] =	vst v63  }
0x1b0: {  	s8 =	simm.s32 $0x4800  }
0x1b1: {  	[tilespmem:s8], [sflag:$0x1] =	stream.indirect_vreg.gather [hbm4b:s11+s4], $0x80, v5, vm0, $0xb8;
	[tilespmem:$0x18880] =	vst v63  }
0x1b2: {  	s15 =	simm.s32 $0x5000  }
0x1b3: {  	[tilespmem:s15], [sflag:$0x1] =	stream.indirect_vreg.gather [hbm4b:s2+s4], $0x80, v4, vm0, $0xb8;
	[tilespmem:$0x18880] =	vst v63  }
0x1b4: {  	s17 =	simm.s32 $0x5800  }
0x1b5: {  	[tilespmem:s17], [sflag:$0x1] =	stream.indirect_vreg.gather [hbm4b:s10+s4], $0x80, v4, vm0, $0xb8;
	[tilespmem:$0x18880] =	vst v63  }
0x1b6: {  	s7 =	simm.s32 $0x6000  }
0x1b7: {  	[tilespmem:s7], [sflag:$0x1] =	stream.indirect_vreg.gather [hbm4b:s11+s4], $0x80, v4, vm0, $0xb8;
	[tilespmem:$0x18880] =	vst v63  }
0x1b8: {  	v4 =	vld [tilespmem:s1+$0x440];
	_ =	sdelay $0x4  }
0x1b9: {  	v5 =	vshrl.u32 v4, $0x3  }
0x1ba: {  	v5 =	vmul.u32 $0x30, v5  }
0x1bb: {  	v4 =	vand.u32 $0x7, v4  }
0x1bc: {  	v4 =	vor.u32 v4, v5  }
0x1bd: {  	v5 =	vperm.xlane v4, v0;
	_ =	sdelay $0x1  }
0x1be: {  	v5 =	vadd.s32 v1, v5;
	_ =	sdelay $0x3  }
0x1bf: {  	s8 =	simm.s32 $0xC800;
	v4 =	vperm.xlane v4, v2  }
0x1c0: {  	[tilespmem:s8], [sflag:$0x1] =	stream.indirect_vreg.gather [hbm4b:s6+s4], $0x80, v5, vm0, $0xb8;
	[tilespmem:$0x18880] =	vst v63  }
0x1c1: {  	s15 =	simm.s32 $0xD000;
	v4 =	vadd.s32 v1, v4  }
0x1c2: {  	[tilespmem:s15], [sflag:$0x1] =	stream.indirect_vreg.gather [hbm4b:s12+s4], $0x80, v5, vm0, $0xb8;
	[tilespmem:$0x18880] =	vst v63  }
0x1c3: {  	s17 =	simm.s32 $0xD800  }
0x1c4: {  	[tilespmem:s17], [sflag:$0x1] =	stream.indirect_vreg.gather [hbm4b:s13+s4], $0x80, v5, vm0, $0xb8;
	[tilespmem:$0x18880] =	vst v63  }
0x1c5: {  	s7 =	simm.s32 $0xE000  }
0x1c6: {  	[tilespmem:s7], [sflag:$0x1] =	stream.indirect_vreg.gather [hbm4b:s6+s4], $0x80, v4, vm0, $0xb8;
	[tilespmem:$0x18880] =	vst v63  }
0x1c7: {  	s8 =	simm.s32 $0xE800  }
0x1c8: {  	[tilespmem:s8], [sflag:$0x1] =	stream.indirect_vreg.gather [hbm4b:s12+s4], $0x80, v4, vm0, $0xb8;
	[tilespmem:$0x18880] =	vst v63  }
0x1c9: {  	s15 =	simm.s32 $0xF000  }
0x1ca: {  	[tilespmem:s15], [sflag:$0x1] =	stream.indirect_vreg.gather [hbm4b:s13+s4], $0x80, v4, vm0, $0xb8;
	[tilespmem:$0x18880] =	vst v63  }
0x1cb: {  	v4 =	vld [tilespmem:s1+$0x450];
	_ =	sdelay $0x4  }
0x1cc: {  	v5 =	vshrl.u32 v4, $0x3  }
0x1cd: {  	v5 =	vmul.u32 $0x30, v5  }
0x1ce: {  	v4 =	vand.u32 $0x7, v4  }
0x1cf: {  	v4 =	vor.u32 v4, v5  }
0x1d0: {  	v5 =	vperm.xlane v4, v0;
	_ =	sdelay $0x1  }
0x1d1: {  	v5 =	vadd.s32 v1, v5;
	_ =	sdelay $0x3  }
0x1d2: {  	s17 =	simm.s32 $0xF800;
	v4 =	vperm.xlane v4, v2  }
0x1d3: {  	[tilespmem:s17], [sflag:$0x1] =	stream.indirect_vreg.gather [hbm4b:s6+s4], $0x80, v5, vm0, $0xb8;
	[tilespmem:$0x18880] =	vst v63  }
0x1d4: {  	s1 =	simm.s32 $0x10000;
	v4 =	vadd.s32 v1, v4  }
0x1d5: {  	[tilespmem:s1], [sflag:$0x1] =	stream.indirect_vreg.gather [hbm4b:s12+s4], $0x80, v5, vm0, $0xb8;
	[tilespmem:$0x18880] =	vst v63  }
0x1d6: {  	s7 =	simm.s32 $0x10800  }
0x1d7: {  	[tilespmem:s7], [sflag:$0x1] =	stream.indirect_vreg.gather [hbm4b:s13+s4], $0x80, v5, vm0, $0xb8;
	[tilespmem:$0x18880] =	vst v63  }
0x1d8: {  	s8 =	simm.s32 $0x11000  }
0x1d9: {  	[tilespmem:s8], [sflag:$0x1] =	stream.indirect_vreg.gather [hbm4b:s6+s4], $0x80, v4, vm0, $0xb8;
	[tilespmem:$0x18880] =	vst v63  }
0x1da: {  	s15 =	simm.s32 $0x11800  }
0x1db: {  	[tilespmem:s15], [sflag:$0x1] =	stream.indirect_vreg.gather [hbm4b:s12+s4], $0x80, v4, vm0, $0xb8;
	[tilespmem:$0x18880] =	vst v63  }
0x1dc: {  	s17 =	simm.s32 $0x12000  }
0x1dd: {  	[tilespmem:s17], [sflag:$0x1] =	stream.indirect_vreg.gather [hbm4b:s13+s4], $0x80, v4, vm0, $0xb8;
	[tilespmem:$0x18880] =	vst v63  }
.LBB2_6:
0x1de: {  	s0 =	simm.s32 $0x0  }
0x1df: {  	s1 =	simm.s32 $0x0;
	s0 =	smul.u32 $0x1800, s0  }
0x1e0: {  	s7 =	sand.u32 $0x380, s1  }
0x1e1: {  	s0 =	sor.u32 s7, s0  }
0x1e2: {  	v6 =	vld [tilespmem:s0+$0x12800]  }
0x1e3: {  	v25 =	vld [tilespmem:s0+$0x12810]  }
0x1e4: {  	v26 =	vld [tilespmem:s0+$0x12820]  }
0x1e5: {  	v27 =	vld [tilespmem:s0+$0x12830]  }
0x1e6: {  	v28 =	vld [tilespmem:s0+$0x12840]  }
0x1e7: {  	v29 =	vld [tilespmem:s0+$0x12850]  }
0x1e8: {  	v30 =	vld [tilespmem:s0+$0x12860]  }
0x1e9: {  	v31 =	vld [tilespmem:s0+$0x12870]  }
0x1ea: {  	v32 =	vld [tilespmem:s0+$0x12C00]  }
0x1eb: {  	v33 =	vld [tilespmem:s0+$0x12C10]  }
0x1ec: {  	v34 =	vld [tilespmem:s0+$0x12C20]  }
0x1ed: {  	v35 =	vld [tilespmem:s0+$0x12C30]  }
0x1ee: {  	v36 =	vld [tilespmem:s0+$0x12C40]  }
0x1ef: {  	v37 =	vld [tilespmem:s0+$0x12C50]  }
0x1f0: {  	v38 =	vld [tilespmem:s0+$0x12C60]  }
0x1f1: {  	v39 =	vld [tilespmem:s0+$0x12C70]  }
0x1f2: {  	v40 =	vld [tilespmem:s0+$0x13000]  }
0x1f3: {  	v41 =	vld [tilespmem:s0+$0x13010]  }
0x1f4: {  	v42 =	vld [tilespmem:s0+$0x13020]  }
0x1f5: {  	v43 =	vld [tilespmem:s0+$0x13030]  }
0x1f6: {  	v44 =	vld [tilespmem:s0+$0x13040]  }
0x1f7: {  	v45 =	vld [tilespmem:s0+$0x13050]  }
0x1f8: {  	v46 =	vld [tilespmem:s0+$0x13060]  }
0x1f9: {  	v47 =	vld [tilespmem:s0+$0x13070]  }
0x1fa: {  	v48 =	vld [tilespmem:s0+$0x13400]  }
0x1fb: {  	v24 =	vld [tilespmem:s0+$0x13410]  }
0x1fc: {  	v23 =	vld [tilespmem:s0+$0x13420]  }
0x1fd: {  	v22 =	vld [tilespmem:s0+$0x13430]  }
0x1fe: {  	v21 =	vld [tilespmem:s0+$0x13440]  }
0x1ff: {  	v20 =	vld [tilespmem:s0+$0x13450]  }
0x200: {  	v19 =	vld [tilespmem:s0+$0x13460]  }
0x201: {  	v18 =	vld [tilespmem:s0+$0x13470]  }
0x202: {  	v17 =	vld [tilespmem:s0+$0x13800]  }
0x203: {  	v16 =	vld [tilespmem:s0+$0x13810]  }
0x204: {  	v15 =	vld [tilespmem:s0+$0x13820]  }
0x205: {  	v14 =	vld [tilespmem:s0+$0x13830]  }
0x206: {  	v13 =	vld [tilespmem:s0+$0x13840]  }
0x207: {  	v12 =	vld [tilespmem:s0+$0x13850]  }
0x208: {  	v11 =	vld [tilespmem:s0+$0x13860]  }
0x209: {  	v10 =	vld [tilespmem:s0+$0x13870]  }
0x20a: {  	v9 =	vld [tilespmem:s0+$0x13C00]  }
0x20b: {  	v8 =	vld [tilespmem:s0+$0x13C10]  }
0x20c: {  	v7 =	vld [tilespmem:s0+$0x13C20]  }
0x20d: {  	v5 =	vld [tilespmem:s0+$0x13C30]  }
0x20e: {  	v4 =	vld [tilespmem:s0+$0x13C40]  }
0x20f: {  	v49 =	vld [tilespmem:s0+$0x6800]  }
0x210: {  	v50 =	vld [tilespmem:s0+$0x6810]  }
0x211: {  	v51 =	vld [tilespmem:s0+$0x6820]  }
0x212: {  	v52 =	vld [tilespmem:s0+$0x6830]  }
0x213: {  	v53 =	vld [tilespmem:s0+$0x6840]  }
0x214: {  	v54 =	vld [tilespmem:s0+$0x6850]  }
0x215: {  	v55 =	vld [tilespmem:s0+$0x6860];
	v49 =	vmul.f32 v49, v3  }
0x216: {  	v56 =	vld [tilespmem:s0+$0x6870];
	v50 =	vmul.f32 v50, v3  }
0x217: {  	v59 =	vld [tilespmem:s0+$0x6C10];
	v51 =	vmul.f32 v51, v3;
	v49 =	vadd.f32 v6, v49  }
0x218: {  	v63 =	vmul.f32 v52, v3;
	v52 =	vld [tilespmem:s0+$0x6C00];
	v25 =	vadd.f32 v25, v50  }
0x219: {  	v53 =	vmul.f32 v53, v3;
	v58 =	vmul.f32 v54, v3;
	v54 =	vld [tilespmem:s0+$0x6C30];
	v26 =	vadd.f32 v26, v51;
	[tilespmem:s0+$0x6800] =	vst v49  }
0x21a: {  	v61 =	vmul.f32 v55, v3;
	v55 =	vld [tilespmem:s0+$0x6C40];
	v57 =	vadd.f32 v27, v63;
	[tilespmem:s0+$0x6810] =	vst v25  }
0x21b: {  	v6 =	vld [tilespmem:s0+$0x13C50];
	v60 =	vadd.f32 v28, v53;
	[tilespmem:s0+$0x6820] =	vst v26  }
0x21c: {  	v62 =	vadd.f32 v29, v58;
	v63 =	vmul.f32 v56, v3;
	v58 =	vld [tilespmem:s0+$0x6C50];
	[tilespmem:s0+$0x6830] =	vst v57  }
0x21d: {  	v51 =	vadd.f32 v30, v61;
	v56 =	vmul.f32 v59, v3;
	v61 =	vld [tilespmem:s0+$0x7020];
	[tilespmem:s0+$0x6840] =	vst v60  }
0x21e: {  	v49 =	vld [tilespmem:s0+$0x6C20];
	[tilespmem:s0+$0x6850] =	vst v62;
	v53 =	vadd.f32 v31, v63;
	v52 =	vmul.f32 v52, v3  }
0x21f: {  	[tilespmem:s0+$0x6860] =	vst v51;
	v30 =	vadd.f32 v33, v56;
	v60 =	vld [tilespmem:s0+$0x6C60];
	v27 =	vmul.f32 v54, v3  }
0x220: {  	v62 =	vld [tilespmem:s0+$0x6C70];
	v26 =	vmul.f32 v55, v3;
	[tilespmem:s0+$0x6870] =	vst v53;
	v28 =	vadd.f32 v32, v52  }
0x221: {  	v57 =	vld [tilespmem:s0+$0x7000];
	[tilespmem:s0+$0x6C10] =	vst v30;
	v27 =	vadd.f32 v35, v27;
	v31 =	vmul.f32 v58, v3  }
0x222: {  	v59 =	vld [tilespmem:s0+$0x7010];
	v26 =	vadd.f32 v36, v26;
	v30 =	vmul.f32 v61, v3;
	[tilespmem:s0+$0x6C00] =	vst v28  }
0x223: {  	v54 =	vld [tilespmem:s0+$0x7440];
	v29 =	vmul.f32 v49, v3;
	[tilespmem:s0+$0x6C30] =	vst v27;
	v31 =	vadd.f32 v37, v31  }
0x224: {  	v53 =	vld [tilespmem:s0+$0x7430];
	v32 =	vmul.f32 v60, v3;
	[tilespmem:s0+$0x6C40] =	vst v26;
	v30 =	vadd.f32 v42, v30  }
0x225: {  	v36 =	vld [tilespmem:s0+$0x7040];
	v33 =	vmul.f32 v62, v3;
	v29 =	vadd.f32 v34, v29;
	[tilespmem:s0+$0x6C50] =	vst v31  }
0x226: {  	v63 =	vld [tilespmem:s0+$0x7030];
	v25 =	vmul.f32 v57, v3;
	v32 =	vadd.f32 v38, v32;
	[tilespmem:s0+$0x7020] =	vst v30  }
0x227: {  	v50 =	vld [tilespmem:s0+$0x7400];
	v28 =	vmul.f32 v59, v3;
	v33 =	vadd.f32 v39, v33;
	[tilespmem:s0+$0x6C20] =	vst v29  }
0x228: {  	v51 =	vld [tilespmem:s0+$0x7410];
	v61 =	vmul.f32 v54, v3;
	v25 =	vadd.f32 v40, v25;
	[tilespmem:s0+$0x6C60] =	vst v32  }
0x229: {  	v37 =	vld [tilespmem:s0+$0x7050];
	v28 =	vadd.f32 v41, v28;
	v30 =	vmul.f32 v53, v3;
	[tilespmem:s0+$0x6C70] =	vst v33  }
0x22a: {  	v52 =	vld [tilespmem:s0+$0x7420];
	v27 =	vmul.f32 v36, v3;
	v21 =	vadd.f32 v21, v61;
	[tilespmem:s0+$0x7000] =	vst v25  }
0x22b: {  	v55 =	vld [tilespmem:s0+$0x7450];
	v29 =	vmul.f32 v63, v3;
	[tilespmem:s0+$0x7010] =	vst v28;
	v22 =	vadd.f32 v22, v30  }
0x22c: {  	v49 =	vld [tilespmem:s0+$0x7070];
	v33 =	vmul.f32 v50, v3;
	v27 =	vadd.f32 v44, v27;
	[tilespmem:s0+$0x7440] =	vst v21  }
0x22d: {  	v56 =	vld [tilespmem:s0+$0x7460];
	v25 =	vmul.f32 v51, v3;
	v29 =	vadd.f32 v43, v29;
	[tilespmem:s0+$0x7430] =	vst v22  }
0x22e: {  	v38 =	vld [tilespmem:s0+$0x7060];
	v26 =	vmul.f32 v37, v3;
	v33 =	vadd.f32 v48, v33;
	[tilespmem:s0+$0x7040] =	vst v27  }
0x22f: {  	v58 =	vld [tilespmem:s0+$0x7800];
	v28 =	vmul.f32 v52, v3;
	v24 =	vadd.f32 v24, v25;
	[tilespmem:s0+$0x7030] =	vst v29  }
0x230: {  	v57 =	vld [tilespmem:s0+$0x7470];
	v26 =	vadd.f32 v45, v26;
	v27 =	vmul.f32 v55, v3;
	[tilespmem:s0+$0x7400] =	vst v33  }
0x231: {  	v59 =	vld [tilespmem:s0+$0x7810];
	v32 =	vmul.f32 v49, v3;
	v23 =	vadd.f32 v23, v28;
	[tilespmem:s0+$0x7410] =	vst v24  }
0x232: {  	v60 =	vld [tilespmem:s0+$0x7820];
	[tilespmem:s0+$0x7050] =	vst v26;
	v26 =	vmul.f32 v56, v3;
	v20 =	vadd.f32 v20, v27  }
0x233: {  	v31 =	vmul.f32 v38, v3;
	v32 =	vadd.f32 v47, v32;
	[tilespmem:s0+$0x7420] =	vst v23;
	v23 =	vld [tilespmem:s0+$0x7830]  }
0x234: {  	v22 =	vld [tilespmem:s0+$0x7840];
	v19 =	vadd.f32 v19, v26;
	[tilespmem:s0+$0x7450] =	vst v20;
	v20 =	vmul.f32 v58, v3  }
0x235: {  	v21 =	vld [tilespmem:s0+$0x7850];
	v62 =	vmul.f32 v57, v3;
	v31 =	vadd.f32 v46, v31;
	[tilespmem:s0+$0x7070] =	vst v32  }
0x236: {  	v63 =	vld [tilespmem:s0+$0x7860];
	[tilespmem:s0+$0x7460] =	vst v19;
	v19 =	vmul.f32 v59, v3;
	v20 =	vadd.f32 v17, v20  }
0x237: {  	v24 =	vmul.f32 v60, v3;
	v27 =	vadd.f32 v18, v62;
	v18 =	vld [tilespmem:s0+$0x7870];
	[tilespmem:s0+$0x7060] =	vst v31  }
0x238: {  	v17 =	vld [tilespmem:s0+$0x7C00];
	v19 =	vadd.f32 v16, v19;
	[tilespmem:s0+$0x7800] =	vst v20;
	v20 =	vmul.f32 v23, v3  }
0x239: {  	[tilespmem:s0+$0x7470] =	vst v27;
	v22 =	vmul.f32 v22, v3;
	v16 =	vld [tilespmem:s0+$0x7C10];
	v23 =	vadd.f32 v15, v24  }
0x23a: {  	v15 =	vld [tilespmem:s0+$0x7C20];
	[tilespmem:s0+$0x7810] =	vst v19;
	v19 =	vadd.f32 v14, v20;
	v20 =	vmul.f32 v21, v3  }
0x23b: {  	s15 =	simm.s32 $0x1;
	[tilespmem:s0+$0x7820] =	vst v23;
	v21 =	vadd.f32 v13, v22;
	v14 =	vmul.f32 v63, v3;
	v13 =	vld [tilespmem:s0+$0x7C30]  }
.LBB2_7:
0x23c: {  	p0 =	sne.s32 s15, $0x1F;
	[tilespmem:s0+$0x7830] =	vst v19;
	v12 =	vadd.f32 v12, v20;
	v18 =	vmul.f32 v18, v3;
	v19 =	vld [tilespmem:s0+$0x7C40]  }
0x23d: {  	[tilespmem:s0+$0x7840] =	vst v21;
	v11 =	vadd.f32 v11, v14;
	v14 =	vmul.f32 v17, v3;
	v17 =	vld [tilespmem:s0+$0x7C50]  }
0x23e: {  	s7 =	sshrl.u32 s15, $0x3;
	[tilespmem:s0+$0x7850] =	vst v12;
	v10 =	vadd.f32 v10, v18;
	v12 =	vmul.f32 v16, v3;
	v16 =	vld [tilespmem:s0+$0x7C60]  }
0x23f: {  	s1 =	sadd.s32 $0x80, s1;
	s7 =	smul.u32 $0x1800, s7;
	[tilespmem:s0+$0x7860] =	vst v11;
	v9 =	vadd.f32 v9, v14;
	v11 =	vmul.f32 v15, v3;
	v14 =	vld [tilespmem:s0+$0x7C70]  }
0x240: {  	s8 =	sand.u32 $0x380, s1;
	[tilespmem:s0+$0x7870] =	vst v10;
	v8 =	vadd.f32 v8, v12;
	v10 =	vmul.f32 v13, v3;
	v12 =	vld [tilespmem:s0+$0x13C60]  }
0x241: {  	s7 =	sor.u32 s8, s7;
	[tilespmem:s0+$0x7C00] =	vst v9;
	v7 =	vadd.f32 v7, v11;
	v9 =	vmul.f32 v19, v3;
	v11 =	vld [tilespmem:s0+$0x13C70]  }
0x242: {  	v42 =	vld [tilespmem:s7+$0x12800];
	[tilespmem:s0+$0x7C10] =	vst v8;
	v5 =	vadd.f32 v5, v10;
	v8 =	vmul.f32 v17, v3  }
0x243: {  	v43 =	vld [tilespmem:s7+$0x12810];
	[tilespmem:s0+$0x7C20] =	vst v7;
	v4 =	vadd.f32 v4, v9;
	v7 =	vmul.f32 v16, v3  }
0x244: {  	v44 =	vld [tilespmem:s7+$0x12820];
	[tilespmem:s0+$0x7C30] =	vst v5;
	v5 =	vadd.f32 v6, v8;
	v6 =	vmul.f32 v14, v3  }
0x245: {  	v45 =	vld [tilespmem:s7+$0x12830];
	[tilespmem:s0+$0x7C40] =	vst v4;
	v4 =	vadd.f32 v12, v7  }
0x246: {  	v46 =	vld [tilespmem:s7+$0x12840];
	[tilespmem:s0+$0x7C50] =	vst v5;
	v5 =	vadd.f32 v11, v6  }
0x247: {  	v47 =	vld [tilespmem:s7+$0x12850];
	[tilespmem:s0+$0x7C60] =	vst v4  }
0x248: {  	v48 =	vld [tilespmem:s7+$0x12860];
	[tilespmem:s0+$0x7C70] =	vst v5;
	s0 =	smov.u32 s7  }
0x249: {  	v49 =	vld [tilespmem:s0+$0x12870]  }
0x24a: {  	v41 =	vld [tilespmem:s0+$0x12C00]  }
0x24b: {  	v40 =	vld [tilespmem:s0+$0x12C10]  }
0x24c: {  	v39 =	vld [tilespmem:s0+$0x12C20]  }
0x24d: {  	v38 =	vld [tilespmem:s0+$0x12C30]  }
0x24e: {  	v37 =	vld [tilespmem:s0+$0x12C40]  }
0x24f: {  	v36 =	vld [tilespmem:s0+$0x12C50]  }
0x250: {  	v35 =	vld [tilespmem:s0+$0x12C60]  }
0x251: {  	v34 =	vld [tilespmem:s0+$0x12C70]  }
0x252: {  	v33 =	vld [tilespmem:s0+$0x13000]  }
0x253: {  	v32 =	vld [tilespmem:s0+$0x13010]  }
0x254: {  	v31 =	vld [tilespmem:s0+$0x13020]  }
0x255: {  	v30 =	vld [tilespmem:s0+$0x13030]  }
0x256: {  	v29 =	vld [tilespmem:s0+$0x13040]  }
0x257: {  	v28 =	vld [tilespmem:s0+$0x13050]  }
0x258: {  	v27 =	vld [tilespmem:s0+$0x13060]  }
0x259: {  	v26 =	vld [tilespmem:s0+$0x13070]  }
0x25a: {  	v25 =	vld [tilespmem:s0+$0x13400]  }
0x25b: {  	v24 =	vld [tilespmem:s0+$0x13410]  }
0x25c: {  	v23 =	vld [tilespmem:s0+$0x13420]  }
0x25d: {  	v22 =	vld [tilespmem:s0+$0x13430]  }
0x25e: {  	v21 =	vld [tilespmem:s0+$0x13440]  }
0x25f: {  	v20 =	vld [tilespmem:s0+$0x13450]  }
0x260: {  	v19 =	vld [tilespmem:s0+$0x13460]  }
0x261: {  	v18 =	vld [tilespmem:s0+$0x13470]  }
0x262: {  	v17 =	vld [tilespmem:s0+$0x13800]  }
0x263: {  	v16 =	vld [tilespmem:s0+$0x13810]  }
0x264: {  	v15 =	vld [tilespmem:s0+$0x13820]  }
0x265: {  	v14 =	vld [tilespmem:s0+$0x13830]  }
0x266: {  	v13 =	vld [tilespmem:s0+$0x13840]  }
0x267: {  	v12 =	vld [tilespmem:s0+$0x13850]  }
0x268: {  	v11 =	vld [tilespmem:s0+$0x13860]  }
0x269: {  	v10 =	vld [tilespmem:s0+$0x13870]  }
0x26a: {  	v9 =	vld [tilespmem:s0+$0x13C00]  }
0x26b: {  	v8 =	vld [tilespmem:s0+$0x13C10]  }
0x26c: {  	v7 =	vld [tilespmem:s0+$0x13C20]  }
0x26d: {  	v5 =	vld [tilespmem:s0+$0x13C30]  }
0x26e: {  	v4 =	vld [tilespmem:s0+$0x13C40]  }
0x26f: {  	v6 =	vld [tilespmem:s0+$0x13C50]  }
0x270: {  	v50 =	vld [tilespmem:s0+$0x6800]  }
0x271: {  	v51 =	vld [tilespmem:s0+$0x6810]  }
0x272: {  	v52 =	vld [tilespmem:s0+$0x6820]  }
0x273: {  	v53 =	vld [tilespmem:s0+$0x6830]  }
0x274: {  	v54 =	vld [tilespmem:s0+$0x6840]  }
0x275: {  	v50 =	vmul.f32 v50, v3;
	v55 =	vld [tilespmem:s0+$0x6850]  }
0x276: {  	v51 =	vmul.f32 v51, v3;
	v56 =	vld [tilespmem:s0+$0x6860]  }
0x277: {  	v42 =	vadd.f32 v42, v50;
	v50 =	vmul.f32 v52, v3;
	v52 =	vld [tilespmem:s0+$0x6870]  }
0x278: {  	v43 =	vadd.f32 v43, v51;
	v51 =	vmul.f32 v53, v3;
	v53 =	vld [tilespmem:s0+$0x6C00]  }
0x279: {  	[tilespmem:s0+$0x6800] =	vst v42;
	v42 =	vadd.f32 v44, v50;
	v44 =	vmul.f32 v54, v3;
	v50 =	vld [tilespmem:s0+$0x6C10]  }
0x27a: {  	[tilespmem:s0+$0x6810] =	vst v43;
	v43 =	vadd.f32 v45, v51;
	v45 =	vmul.f32 v55, v3;
	v51 =	vld [tilespmem:s0+$0x6C20]  }
0x27b: {  	[tilespmem:s0+$0x6820] =	vst v42;
	v42 =	vadd.f32 v46, v44;
	v44 =	vmul.f32 v56, v3;
	v46 =	vld [tilespmem:s0+$0x6C30]  }
0x27c: {  	[tilespmem:s0+$0x6830] =	vst v43;
	v43 =	vadd.f32 v47, v45;
	v45 =	vmul.f32 v52, v3;
	v47 =	vld [tilespmem:s0+$0x6C40]  }
0x27d: {  	[tilespmem:s0+$0x6840] =	vst v42;
	v42 =	vadd.f32 v48, v44;
	v44 =	vmul.f32 v53, v3;
	v48 =	vld [tilespmem:s0+$0x6C50]  }
0x27e: {  	[tilespmem:s0+$0x6850] =	vst v43;
	v43 =	vadd.f32 v49, v45;
	v45 =	vmul.f32 v50, v3;
	v49 =	vld [tilespmem:s0+$0x6C60]  }
0x27f: {  	[tilespmem:s0+$0x6860] =	vst v42;
	v41 =	vadd.f32 v41, v44;
	v42 =	vmul.f32 v51, v3;
	v44 =	vld [tilespmem:s0+$0x6C70]  }
0x280: {  	[tilespmem:s0+$0x6870] =	vst v43;
	v40 =	vadd.f32 v40, v45;
	v43 =	vmul.f32 v46, v3;
	v45 =	vld [tilespmem:s0+$0x7000]  }
0x281: {  	[tilespmem:s0+$0x6C00] =	vst v41;
	v39 =	vadd.f32 v39, v42;
	v41 =	vmul.f32 v47, v3;
	v42 =	vld [tilespmem:s0+$0x7010]  }
0x282: {  	[tilespmem:s0+$0x6C10] =	vst v40;
	v38 =	vadd.f32 v38, v43;
	v40 =	vmul.f32 v48, v3;
	v43 =	vld [tilespmem:s0+$0x7020]  }
0x283: {  	[tilespmem:s0+$0x6C20] =	vst v39;
	v37 =	vadd.f32 v37, v41;
	v39 =	vmul.f32 v49, v3;
	v41 =	vld [tilespmem:s0+$0x7030]  }
0x284: {  	[tilespmem:s0+$0x6C30] =	vst v38;
	v36 =	vadd.f32 v36, v40;
	v38 =	vmul.f32 v44, v3;
	v40 =	vld [tilespmem:s0+$0x7040]  }
0x285: {  	[tilespmem:s0+$0x6C40] =	vst v37;
	v35 =	vadd.f32 v35, v39;
	v37 =	vmul.f32 v45, v3;
	v39 =	vld [tilespmem:s0+$0x7050]  }
0x286: {  	[tilespmem:s0+$0x6C50] =	vst v36;
	v34 =	vadd.f32 v34, v38;
	v36 =	vmul.f32 v42, v3;
	v38 =	vld [tilespmem:s0+$0x7060]  }
0x287: {  	[tilespmem:s0+$0x6C60] =	vst v35;
	v33 =	vadd.f32 v33, v37;
	v35 =	vmul.f32 v43, v3;
	v37 =	vld [tilespmem:s0+$0x7070]  }
0x288: {  	[tilespmem:s0+$0x6C70] =	vst v34;
	v32 =	vadd.f32 v32, v36;
	v34 =	vmul.f32 v41, v3;
	v36 =	vld [tilespmem:s0+$0x7400]  }
0x289: {  	[tilespmem:s0+$0x7000] =	vst v33;
	v31 =	vadd.f32 v31, v35;
	v33 =	vmul.f32 v40, v3;
	v35 =	vld [tilespmem:s0+$0x7410]  }
0x28a: {  	[tilespmem:s0+$0x7010] =	vst v32;
	v30 =	vadd.f32 v30, v34;
	v32 =	vmul.f32 v39, v3;
	v34 =	vld [tilespmem:s0+$0x7420]  }
0x28b: {  	[tilespmem:s0+$0x7020] =	vst v31;
	v29 =	vadd.f32 v29, v33;
	v31 =	vmul.f32 v38, v3;
	v33 =	vld [tilespmem:s0+$0x7430]  }
0x28c: {  	[tilespmem:s0+$0x7030] =	vst v30;
	v28 =	vadd.f32 v28, v32;
	v30 =	vmul.f32 v37, v3;
	v32 =	vld [tilespmem:s0+$0x7440]  }
0x28d: {  	[tilespmem:s0+$0x7040] =	vst v29;
	v27 =	vadd.f32 v27, v31;
	v29 =	vmul.f32 v36, v3;
	v31 =	vld [tilespmem:s0+$0x7450]  }
0x28e: {  	[tilespmem:s0+$0x7050] =	vst v28;
	v26 =	vadd.f32 v26, v30;
	v28 =	vmul.f32 v35, v3;
	v30 =	vld [tilespmem:s0+$0x7460]  }
0x28f: {  	[tilespmem:s0+$0x7060] =	vst v27;
	v25 =	vadd.f32 v25, v29;
	v27 =	vmul.f32 v34, v3;
	v29 =	vld [tilespmem:s0+$0x7470]  }
0x290: {  	[tilespmem:s0+$0x7070] =	vst v26;
	v24 =	vadd.f32 v24, v28;
	v26 =	vmul.f32 v33, v3;
	v28 =	vld [tilespmem:s0+$0x7800]  }
0x291: {  	[tilespmem:s0+$0x7400] =	vst v25;
	v23 =	vadd.f32 v23, v27;
	v25 =	vmul.f32 v32, v3;
	v27 =	vld [tilespmem:s0+$0x7810]  }
0x292: {  	[tilespmem:s0+$0x7410] =	vst v24;
	v22 =	vadd.f32 v22, v26;
	v24 =	vmul.f32 v31, v3;
	v26 =	vld [tilespmem:s0+$0x7820]  }
0x293: {  	[tilespmem:s0+$0x7420] =	vst v23;
	v21 =	vadd.f32 v21, v25;
	v23 =	vmul.f32 v30, v3;
	v25 =	vld [tilespmem:s0+$0x7830]  }
0x294: {  	[tilespmem:s0+$0x7430] =	vst v22;
	v20 =	vadd.f32 v20, v24;
	v22 =	vmul.f32 v29, v3;
	v24 =	vld [tilespmem:s0+$0x7840]  }
0x295: {  	[tilespmem:s0+$0x7440] =	vst v21;
	v19 =	vadd.f32 v19, v23;
	v21 =	vmul.f32 v28, v3;
	v23 =	vld [tilespmem:s0+$0x7850]  }
0x296: {  	[tilespmem:s0+$0x7450] =	vst v20;
	v20 =	vadd.f32 v18, v22;
	v22 =	vmul.f32 v27, v3;
	v27 =	vld [tilespmem:s0+$0x7860]  }
.Ltmp2:
0x297: {  	[tilespmem:s0+$0x7460] =	vst v19;
	v19 =	vadd.f32 v17, v21;
	v21 =	vmul.f32 v26, v3;
	v18 =	vld [tilespmem:s0+$0x7870];
	(pc) =	sbr.rel @p0 .LBB2_7-.Ltmp2, $4  }
0x298: {  	[tilespmem:s0+$0x7470] =	vst v20;
	v20 =	vadd.f32 v16, v22;
	v22 =	vmul.f32 v25, v3;
	v17 =	vld [tilespmem:s0+$0x7C00]  }
0x299: {  	[tilespmem:s0+$0x7800] =	vst v19;
	v21 =	vadd.f32 v15, v21;
	v24 =	vmul.f32 v24, v3;
	v16 =	vld [tilespmem:s0+$0x7C10]  }
0x29a: {  	[tilespmem:s0+$0x7810] =	vst v20;
	v19 =	vadd.f32 v14, v22;
	v20 =	vmul.f32 v23, v3;
	v15 =	vld [tilespmem:s0+$0x7C20]  }
0x29b: {  	s15 =	sadd.s32 $0x1, s15;
	[tilespmem:s0+$0x7820] =	vst v21;
	v21 =	vadd.f32 v13, v24;
	v14 =	vmul.f32 v27, v3;
	v13 =	vld [tilespmem:s0+$0x7C30]  }
0x29c: {  	[tilespmem:s0+$0x7830] =	vst v19;
	v52 =	vld [tilespmem:s0+$0x7C40];
	v12 =	vadd.f32 v12, v20;
	v18 =	vmul.f32 v18, v3  }
0x29d: {  	v53 =	vld [tilespmem:s0+$0x7C50];
	[tilespmem:s0+$0x7840] =	vst v21;
	v11 =	vadd.f32 v11, v14;
	v55 =	vmul.f32 v17, v3  }
0x29e: {  	v54 =	vld [tilespmem:s0+$0x7C60];
	[tilespmem:s0+$0x7850] =	vst v12;
	v10 =	vadd.f32 v10, v18;
	v16 =	vmul.f32 v16, v3  }
0x29f: {  	v56 =	vld [tilespmem:s0+$0x7C70];
	[tilespmem:s0+$0x7860] =	vst v11;
	v9 =	vadd.f32 v9, v55;
	v57 =	vmul.f32 v15, v3  }
0x2a0: {  	v58 =	vld [tilespmem:s0+$0x13C60];
	[tilespmem:s0+$0x7870] =	vst v10;
	v8 =	vadd.f32 v8, v16;
	v13 =	vmul.f32 v13, v3  }
0x2a1: {  	v60 =	vld [tilespmem:s0+$0x13C70];
	[tilespmem:s0+$0x7C00] =	vst v9;
	v7 =	vadd.f32 v7, v57;
	v59 =	vmul.f32 v52, v3  }
0x2a2: {  	v61 =	vmul.f32 v53, v3;
	[tilespmem:s0+$0x7C10] =	vst v8;
	v5 =	vadd.f32 v5, v13  }
0x2a3: {  	s30 =	sadd.s32 $0x1, s30;
	v62 =	vmul.f32 v54, v3;
	[tilespmem:s0+$0x7C20] =	vst v7;
	v4 =	vadd.f32 v4, v59  }
0x2a4: {  	s1 =	sor.u32 s5, s31;
	p0 =	sne.s32 s30, $0x10;
	v63 =	vmul.f32 v56, v3;
	[tilespmem:s0+$0x7C30] =	vst v5;
	v5 =	vadd.f32 v6, v61  }
.Ltmp3:
0x2a5: {  	s1 =	sshrl.u32 s1, $0x3;
	[tilespmem:s0+$0x7C40] =	vst v4;
	v4 =	vadd.f32 v58, v62;
	(pc) =	sbr.rel @p0 .LBB2_2-.Ltmp3, $4  }
0x2a6: {  	s1 =	smul.u32 $0x300, s1;
	[tilespmem:s0+$0x7C50] =	vst v5;
	v5 =	vadd.f32 v60, v63  }
0x2a7: {  	[tilespmem:s0+$0x7C60] =	vst v4  }
0x2a8: {  	s31 =	sadd.s32 s3, s1;
	[tilespmem:s0+$0x7C70] =	vst v5  }
0x2a9: {  	[hbm4b:s31+s4] =	stream.linear.scatter [tilespmem:s22], [sflag:$0x4], $0x6000, $0x38;
	[tilespmem:$0x18880] =	vst v63  }
0x2aa: {  	_ =	swait.ge [sflag:s29], $0x6000  }
0x2ab: {  	[sflag:s29] =	ssyncset.done $0x0  }
0x2ac: {  	s1 =	simm.s32 $0x4;
	[sflag:s29] =	ssyncadd.s32 $0xFFFFA000  }
0x2ad: {  	_ =	swait.ge [sflag:s1], $0x6000  }
0x2ae: {  	s7 =	rddreg [dreg:$0x9]  }
0x2af: {  	s0 =	rddreg [dreg:$0x8];
	s7 =	sadd.s32 $0x1, s7  }
0x2b0: {  	p0 =	sne.s32 s7, s0  }
.Ltmp4:
0x2b1: {  	_ = 	snop;
	(pc) =	sbr.rel @p0 .LBB2_1-.Ltmp4, $3  }
0x2b2: {  	_ =	sdelay $0x1  }
0x2b3: {  	[sflag:s1] =	ssyncset.done $0x0  }
0x2b4: {  	[sflag:s1] =	ssyncadd.s32 $0xFFFFA000  }
0x2b5: {  	_ =	sfence.sel $0x180000  }
0x2b6: {  	[bflag:$0x0] =	sbarrier.arrive $0xFFFF  }
0x2b7: {  	_ =	strace $0x90000047  }
0x2b8: {  	s0 =	stileid.u32;
	[bflag:$0x2] =	sbarrier.arrive $0xFFFF  }
0x2b9: {  	p0 =	sne.s32 s0, $0x0;
	s0 =	rddreg [dreg:$0x4]  }
0x2ba: {  	s0 =	sadd.s32 @!p0 $0x100000, s0  }
0x2bb: {  	[sflag:s0] =	ssyncadd.tile.s32 @!p0 $0x1;
	_ =	shalt  }
.Lfunc_end2:
_tile_overlayer_lowered:
.L_overlay_start_2:
0x2bc: {  	(tag) =	ssettag $0x2  }
0x2bd: {  	s0 =	rddreg [dreg:$0x0];
	s2 =	stileid.u32  }
0x2be: {  	s1 =	rddreg [dreg:$0x1];
	p0 =	sne.s32 s2, $0x0  }
0x2bf: {  	s3 =	rddreg [dreg:$0x2];
	[bflag:$0x3] =	sbarrier.arrive $0xFFFF;
	s2 =	simm.s32 @!p0 $0x1C05  }
0x2c0: {  	[timem:s3], [sflag:s2] =	dma.local @!p0 [hbm:s0], s1  }
0x2c1: {  	s0 =	simm.s32 @!p0 $0x5  }
0x2c2: {  	_ =	swait.ge @!p0 [sflag:s0], s1  }
0x2c3: {  	s1 =	ssub.s32 @!p0 $0x0, s1;
	[sflag:s0] =	ssyncset.done @!p0 $0x0  }
0x2c4: {  	[sflag:s0] =	ssyncadd.s32 @!p0 s1  }
0x2c5: {  	[bflag:$0x3] =	sbarrier.arrive $0xFFFF  }
0x2c6: {  	_ =	shalt  }

</sc_bundles>
